<compile_context>
chip_gen: v7x
topology: tpu7x:2x2x1
jax: 0.10.2.dev20260603
libtpu: 0.0.44.dev20260713+nightly
codegen_flags: <defaults>
</compile_context>

<pallas_src>
import functools

import jax
import jax.numpy as jnp
from jax import lax
from jax.experimental import pallas as pl
from jax.experimental.pallas import tpu as pltpu
from jax.experimental.pallas import tpu_sc as plsc

H = 1024
W = 1024
NB = 8
K = NB ** 3
SIGMA_C = 16.0
NPIX = H * W

NC = 2
NS = 16
NW = NC * NS
CHUNK = NPIX // NW
VECS = CHUNK // 16

TC_GRID = 8
TC_CHUNK = NPIX // TC_GRID


def _minmax_kernel(img_ref, edges_ref, acc_min, acc_max):
    i = pl.program_id(0)
    x = img_ref[...]
    m = jnp.min(x, axis=1, keepdims=True)
    M = jnp.max(x, axis=1, keepdims=True)

    @pl.when(i == 0)
    def _():
        acc_min[...] = jnp.broadcast_to(m, acc_min.shape)
        acc_max[...] = jnp.broadcast_to(M, acc_max.shape)

    @pl.when(i > 0)
    def _():
        acc_min[...] = jnp.minimum(acc_min[...], m)
        acc_max[...] = jnp.maximum(acc_max[...], M)

    @pl.when(i == TC_GRID - 1)
    def _():
        lo = jnp.min(acc_min[...], axis=1, keepdims=True)
        hi = jnp.max(acc_max[...], axis=1, keepdims=True)
        step = (hi - lo) / NB
        ii = lax.broadcasted_iota(jnp.int32, (3, NB), 1).astype(jnp.float32)
        edges_ref[...] = lo + step * ii


def _compute_edges(img_t):
    return pl.pallas_call(
        _minmax_kernel,
        grid=(TC_GRID,),
        in_specs=[pl.BlockSpec((3, TC_CHUNK), lambda i: (0, i))],
        out_specs=pl.BlockSpec((3, NB), lambda i: (0, 0)),
        out_shape=jax.ShapeDtypeStruct((3, NB), jnp.float32),
        scratch_shapes=[
            pltpu.VMEM((3, 128), jnp.float32),
            pltpu.VMEM((3, 128), jnp.float32),
        ],
    )(img_t)


def _binidx_kernel(img_ref, edges_ref, out_ref):
    v = img_ref[...]
    e = edges_ref[...]
    acc = jnp.zeros(v.shape, jnp.int32)
    for i in range(1, NB):
        acc = acc + (v >= e[:, i:i + 1]).astype(jnp.int32)
    flat = acc[0:1] * (NB * NB) + acc[1:2] * NB + acc[2:3]
    out_ref[...] = flat.reshape(TC_CHUNK)


def _compute_flat_idx(img_t, edges):
    return pl.pallas_call(
        _binidx_kernel,
        grid=(TC_GRID,),
        in_specs=[
            pl.BlockSpec((3, TC_CHUNK), lambda i: (0, i)),
            pl.BlockSpec((3, NB), lambda i: (0, 0)),
        ],
        out_specs=pl.BlockSpec((TC_CHUNK,), lambda i: (i,)),
        out_shape=jax.ShapeDtypeStruct((NPIX,), jnp.int32),
    )(img_t, edges)


def _sc_hist_body(idx_hbm, out_hbm, idxbuf, t0, t1, t2, t3, t4, red):
    wid = lax.axis_index("s") * NC + lax.axis_index("c")
    base = wid * CHUNK
    pltpu.sync_copy(idx_hbm.at[pl.ds(base, CHUNK)], idxbuf)

    tabs = (t0, t1, t2, t3, t4)
    zf = jnp.zeros((16,), jnp.float32)

    @plsc.parallel_loop(0, 16 * K // 16, unroll=4)
    def _(j):
        off = j * 16
        for t in tabs:
            t[pl.ds(off, 16)] = zf

    lane = lax.iota(jnp.int32, 16)
    laneoff = lane * K
    ones = jnp.ones((16,), jnp.float32)

    @plsc.parallel_loop(0, VECS, unroll=4)
    def _(i):
        idxv = idxbuf[pl.ds(i * 16, 16)]
        vaddr = idxv + laneoff
        p = base + i * 16 + lane
        xf = jnp.bitwise_and(p, W - 1).astype(jnp.float32)
        yf = lax.shift_right_logical(p, 10).astype(jnp.float32)
        plsc.addupdate_scatter(t0, [vaddr], ones)
        plsc.addupdate_scatter(t1, [vaddr], xf)
        plsc.addupdate_scatter(t2, [vaddr], yf)
        plsc.addupdate_scatter(t3, [vaddr], xf * xf)
        plsc.addupdate_scatter(t4, [vaddr], yf * yf)

    for q, t in enumerate(tabs):
        @plsc.parallel_loop(0, K // 16, unroll=2)
        def _(j, t=t):
            off = j * 16
            acc = t[pl.ds(off, 16)]
            for l in range(1, 16):
                acc = acc + t[pl.ds(l * K + off, 16)]
            red[pl.ds(off, 16)] = acc

        pltpu.sync_copy(red, out_hbm.at[q, wid])


def _sc_hist(flat_idx):
    mesh = plsc.VectorSubcoreMesh(core_axis_name="c", subcore_axis_name="s", num_cores=NC, num_subcores=NS)
    fn = functools.partial(
        pl.kernel,
        out_type=jax.ShapeDtypeStruct((5, NW, K), jnp.float32),
        mesh=mesh,
        compiler_params=pltpu.CompilerParams(needs_layout_passes=False),
        scratch_types=[
            pltpu.VMEM((CHUNK,), jnp.int32),
            pltpu.VMEM((16 * K,), jnp.float32),
            pltpu.VMEM((16 * K,), jnp.float32),
            pltpu.VMEM((16 * K,), jnp.float32),
            pltpu.VMEM((16 * K,), jnp.float32),
            pltpu.VMEM((16 * K,), jnp.float32),
            pltpu.VMEM((K,), jnp.float32),
        ],
    )(_sc_hist_body)
    return fn(flat_idx)


def _dense_kernel(part_ref, part_t_ref, edges_ref, mean_ref, cov_ref, out_ref):
    part = part_ref[...]
    hist = jnp.sum(part[0], axis=0, keepdims=True)
    sx = jnp.sum(part[1], axis=0, keepdims=True)
    sy = jnp.sum(part[2], axis=0, keepdims=True)
    sx2 = jnp.sum(part[3], axis=0, keepdims=True)
    sy2 = jnp.sum(part[4], axis=0, keepdims=True)
    hist_col = jnp.sum(part_t_ref[:, 0, :], axis=1, keepdims=True)

    kr = lax.broadcasted_iota(jnp.int32, (1, K), 1)
    kc = lax.broadcasted_iota(jnp.int32, (K, 1), 0)
    d2 = jnp.zeros((K, K), jnp.float32)
    for c, shift in ((0, 6), (1, 3), (2, 0)):
        lo = edges_ref[c, 0]
        step = (edges_ref[c, 1] - edges_ref[c, 0])
        qr = jnp.bitwise_and(lax.shift_right_logical(kr, shift), NB - 1)
        qc = jnp.bitwise_and(lax.shift_right_logical(kc, shift), NB - 1)
        ur = lo + step * qr.astype(jnp.float32)
        uc = lo + step * qc.astype(jnp.float32)
        diff = uc - ur
        d2 = d2 + diff * diff

    mask_row = (hist > 0.0).astype(jnp.float32)
    mask_col = (hist_col > 0.0).astype(jnp.float32)
    pair = mask_col * mask_row
    E = jnp.exp(-d2 / (2.0 * SIGMA_C ** 2)) * pair
    D = jnp.sqrt(jnp.maximum(d2, 0.0)) * pair

    def bf(x):
        return x.astype(jnp.bfloat16).astype(jnp.float32)

    def matvec_col(M, row):
        return jnp.sum(bf(M) * bf(row), axis=1, keepdims=True)

    contrast = matvec_col(D, hist)
    norm_arr = jnp.maximum(matvec_col(E, hist), 1e-8)
    mx = matvec_col(E, sx) / norm_arr
    my = matvec_col(E, sy) / norm_arr
    mx2 = matvec_col(E, sx2) / norm_arr
    my2 = matvec_col(E, sy2) / norm_arr
    vx = jnp.maximum(mx2 - mx * mx, 0.0)
    vy = jnp.maximum(my2 - my * my, 0.0)

    g0 = jnp.sqrt(12.0 * vx) / float(W)
    g1 = jnp.sqrt(12.0 * vy) / float(H)
    g2 = (mx - W / 2.0) / float(W)
    g3 = (my - H / 2.0) / float(H)
    X = (g0 - mean_ref[0], g1 - mean_ref[1], g2 - mean_ref[2], g3 - mean_ref[3])
    maha = jnp.zeros((K, 1), jnp.float32)
    for j in range(4):
        t = bf(X[0]) * bf(cov_ref[0, j])
        for i in range(1, 4):
            t = t + bf(X[i]) * bf(cov_ref[i, j])
        maha = maha + t * X[j]
    shape_prob = jnp.exp(-maha / 2.0)

    sal_col = contrast * shape_prob * mask_col
    smooth_num = jnp.sum(bf(E) * bf(sal_col), axis=0, keepdims=True)
    norm2 = jnp.maximum(jnp.sum(E, axis=0, keepdims=True), 1e-8)
    smoothed = smooth_num / norm2

    maskb = hist > 0.0
    min_sal = jnp.min(jnp.where(maskb, smoothed, jnp.inf))
    max_sal = jnp.max(jnp.where(maskb, smoothed, -jnp.inf))
    scale = 255.0 / jnp.maximum(max_sal - min_sal, 1e-8)
    normalized = jnp.where(max_sal > min_sal,
                           scale * (smoothed - min_sal),
                           jnp.zeros_like(smoothed))
    out_ref[...] = normalized * mask_row


def _dense_stage(partials, edges, mean_vector, cov_inv):
    part_t = jnp.transpose(partials, (2, 0, 1))
    return pl.pallas_call(
        _dense_kernel,
        in_specs=[
            pl.BlockSpec(memory_space=pltpu.MemorySpace.VMEM),
            pl.BlockSpec(memory_space=pltpu.MemorySpace.VMEM),
            pl.BlockSpec(memory_space=pltpu.MemorySpace.SMEM),
            pl.BlockSpec(memory_space=pltpu.MemorySpace.SMEM),
            pl.BlockSpec(memory_space=pltpu.MemorySpace.SMEM),
        ],
        out_shape=jax.ShapeDtypeStruct((1, K), jnp.float32),
    )(partials, part_t, edges, mean_vector, cov_inv)


def _sc_gather_body(idx_hbm, norm_hbm, out_hbm, idxbuf, tab, obuf):
    wid = lax.axis_index("s") * NC + lax.axis_index("c")
    base = wid * CHUNK
    pltpu.sync_copy(idx_hbm.at[pl.ds(base, CHUNK)], idxbuf)
    pltpu.sync_copy(norm_hbm, tab)

    @plsc.parallel_loop(0, VECS, unroll=8)
    def _(i):
        idxv = idxbuf[pl.ds(i * 16, 16)]
        obuf[pl.ds(i * 16, 16)] = plsc.load_gather(tab, [idxv])
    pltpu.sync_copy(obuf, out_hbm.at[pl.ds(base, CHUNK)])


def _sc_gather(flat_idx, normalized):
    mesh = plsc.VectorSubcoreMesh(core_axis_name="c", subcore_axis_name="s", num_cores=NC, num_subcores=NS)
    fn = functools.partial(
        pl.kernel,
        out_type=jax.ShapeDtypeStruct((NPIX,), jnp.float32),
        mesh=mesh,
        compiler_params=pltpu.CompilerParams(needs_layout_passes=False),
        scratch_types=[
            pltpu.VMEM((CHUNK,), jnp.int32),
            pltpu.VMEM((K,), jnp.float32),
            pltpu.VMEM((CHUNK,), jnp.float32),
        ],
    )(_sc_gather_body)
    return fn(flat_idx, normalized)


def kernel(image, mean_vector, cov_inv):
    img_t = jnp.transpose(image.reshape(NPIX, 3))
    edges = _compute_edges(img_t)
    flat_idx = _compute_flat_idx(img_t, edges)
    partials = _sc_hist(flat_idx)
    normalized = _dense_stage(partials, edges, mean_vector, cov_inv)
    sal_map = _sc_gather(flat_idx, normalized.reshape(K))
    return sal_map.reshape(H, W)

# --- scband reference (transcript-rebuilt; emitter-appended) ---
"""Pipeline reference for scband-fasasaliency-detector-37563783971173 (READ-ONLY COPY).

The authoritative reference and input builder live on the scoring server;
editing this copy changes nothing except your own understanding.
"""

import jax, jax.numpy as jnp
import numpy as np

H, W = 1024, 1024
TOT_BINS = 8
K = TOT_BINS ** 3
SIGMA_C = 16.0


def setup_inputs(seed: int = 0) -> dict:
    key = jax.random.key(seed)
    image = jax.random.uniform(key, (H, W, 3), dtype=jnp.float32) * 255.0
    mean_vector = jnp.array([0.5555, 0.6449, 0.0002, 0.0063], dtype=jnp.float32)
    cov_inv = jnp.array([[43.3777, 1.7633, -0.4059, 1.0997],
                         [1.7633, 40.7221, -0.0165, 0.0447],
                         [-0.4059, -0.0165, 87.0455, -3.2744],
                         [1.0997, 0.0447, -3.2744, 125.1503]], dtype=jnp.float32)
    return {"image": image, "mean_vector": mean_vector, "cov_inv": cov_inv}


def _linspace_no_endpoint(lo, hi, num):
    step = (hi - lo) / num
    return lo + step * jnp.arange(num, dtype=jnp.float32)


def reference(image, mean_vector, cov_inv):
    ch_min = image.min(axis=(0, 1))
    ch_max = image.max(axis=(0, 1))
    ranges = [_linspace_no_endpoint(ch_min[c], ch_max[c], TOT_BINS) for c in range(3)]
    q = []
    for c in range(3):
        idx = jnp.searchsorted(ranges[c], image[:, :, c], side='right') - 1
        q.append(jnp.clip(idx, 0, TOT_BINS - 1))
    flat_idx = (q[0] * TOT_BINS * TOT_BINS + q[1] * TOT_BINS + q[2]).reshape(-1)

    histogram = jnp.bincount(flat_idx, length=K).astype(jnp.float32)
    mask = histogram > 0
    maskf = mask.astype(jnp.float32)

    li, ai, bi = jnp.meshgrid(jnp.arange(TOT_BINS), jnp.arange(TOT_BINS), jnp.arange(TOT_BINS), indexing='ij')
    unique_pixels = jnp.stack([ranges[0][li.reshape(-1)],
                               ranges[1][ai.reshape(-1)],
                               ranges[2][bi.reshape(-1)]], axis=1)

    ys, xs = jnp.meshgrid(jnp.arange(H, dtype=jnp.float32), jnp.arange(W, dtype=jnp.float32), indexing='ij')
    xs_f = xs.reshape(-1)
    ys_f = ys.reshape(-1)
    centx = jax.ops.segment_sum(xs_f, flat_idx, num_segments=K)
    centy = jax.ops.segment_sum(ys_f, flat_idx, num_segments=K)
    centx2 = jax.ops.segment_sum(xs_f ** 2, flat_idx, num_segments=K)
    centy2 = jax.ops.segment_sum(ys_f ** 2, flat_idx, num_segments=K)

    diff = unique_pixels[:, None, :] - unique_pixels[None, :, :]
    d2 = jnp.sum(diff ** 2, axis=2)
    pair_mask = maskf[:, None] * maskf[None, :]
    D = jnp.sqrt(jnp.maximum(d2, 0.0)) * pair_mask
    E = jnp.exp(-d2 / (2.0 * SIGMA_C ** 2)) * pair_mask

    contrast = D @ histogram
    norm_arr = jnp.maximum(E @ histogram, 1e-8)
    mx = (E @ centx) / norm_arr
    my = (E @ centy) / norm_arr
    mx2 = (E @ centx2) / norm_arr
    my2 = (E @ centy2) / norm_arr
    vx = jnp.maximum(mx2 - mx ** 2, 0.0)
    vy = jnp.maximum(my2 - my ** 2, 0.0)

    g = jnp.stack([jnp.sqrt(12.0 * vx) / float(W),
                   jnp.sqrt(12.0 * vy) / float(H),
                   (mx - W / 2.0) / float(W),
                   (my - H / 2.0) / float(H)], axis=1)
    X = g - mean_vector[None, :]
    maha = jnp.sum((X @ cov_inv) * X, axis=1)
    shape_prob = jnp.exp(-maha / 2.0)

    saliency = contrast * shape_prob * maskf
    norm2 = jnp.maximum(jnp.sum(E, axis=1), 1e-8)
    smoothed = (E @ saliency) / norm2

    min_sal = jnp.min(jnp.where(mask, smoothed, jnp.inf))
    max_sal = jnp.max(jnp.where(mask, smoothed, -jnp.inf))
    normalized = jnp.where(max_sal > min_sal,
                           255.0 * (smoothed - min_sal) / jnp.maximum(max_sal - min_sal, 1e-8),
                           jnp.zeros_like(smoothed))
    normalized = normalized * maskf

    sal_map = normalized[flat_idx].reshape(H, W)
    return sal_map

if __name__ == "__main__":
    import jax
    _d = setup_inputs()
    print(jax.jit(kernel)(*tuple(_d.values())))

</pallas_src>

<mosaic_0001>
#map = affine_map<(d0, d1) -> (0)>
module attributes {stable_mosaic.version = 14 : i64} {
  func.func @_sc_gather_body(%arg0: i32, %arg1: i32, %arg2: memref<1048576xi32, #tpu.memory_space<hbm>>, %arg3: memref<512xf32, #tpu.memory_space<hbm>>, %arg4: memref<1048576xf32, #tpu.memory_space<hbm>>, %arg5: memref<32768xi32, #tpu.memory_space<vmem>>, %arg6: memref<512xf32, #tpu.memory_space<vmem>>, %arg7: memref<32768xf32, #tpu.memory_space<vmem>>) attributes {dimension_semantics = [#tpu.dimension_semantics<core_parallel>, #tpu.dimension_semantics<subcore_parallel>], iteration_bounds = array<i64: 2, 16>, scalar_prefetch = 0 : i64, scratch_operands = 3 : i64, tpu.core_type = #tpu.core_type<sc_vector_subcore>, window_params = [{transform_indices = #map}, {transform_indices = #map}, {transform_indices = #map}]} {
    %mul3A = arith.constant 2 : i32
    %mul3A_0 = arith.muli %arg1, %mul3A : i32
    %add3A = arith.addi %mul3A_0, %arg0 : i32
    %mul3A_1 = arith.constant 32768 : i32
    %mul3A_2 = arith.muli %add3A, %mul3A_1 : i32
    "tpu.region"() ({
      %run_scoped3A = tpu.sem_alloc : memref<!tpu.dma_semaphore, #tpu.memory_space<semaphore_mem>>
      %dma_start3A = tpu.memref_slice %arg2[%mul3A_2] : memref<1048576xi32, #tpu.memory_space<hbm>> -> memref<32768xi32, #tpu.memory_space<hbm>>
      %dma_start3A_5 = tpu.memref_slice %arg2[%mul3A_2] : memref<1048576xi32, #tpu.memory_space<hbm>> -> memref<32768xi32, #tpu.memory_space<hbm>>
      tpu.enqueue_dma source(%dma_start3A_5 : memref<32768xi32, #tpu.memory_space<hbm>>) target(%arg5 : memref<32768xi32, #tpu.memory_space<vmem>>) target_semaphore(%run_scoped3A : memref<!tpu.dma_semaphore, #tpu.memory_space<semaphore_mem>>)
      %dma_wait3A = tpu.memref_slice %arg2[%mul3A_2] : memref<1048576xi32, #tpu.memory_space<hbm>> -> memref<32768xi32, #tpu.memory_space<hbm>>
      %dma_wait3A_6 = tpu.memref_slice %arg2[%mul3A_2] : memref<1048576xi32, #tpu.memory_space<hbm>> -> memref<32768xi32, #tpu.memory_space<hbm>>
      tpu.wait_dma2 semaphore(%run_scoped3A : memref<!tpu.dma_semaphore, #tpu.memory_space<semaphore_mem>>) src(%dma_wait3A_6 : memref<32768xi32, #tpu.memory_space<hbm>>) dst(%arg5 : memref<32768xi32, #tpu.memory_space<vmem>>)
      tpu.yield
    }) : () -> ()
    "tpu.region"() ({
      %run_scoped3A = tpu.sem_alloc : memref<!tpu.dma_semaphore, #tpu.memory_space<semaphore_mem>>
      tpu.enqueue_dma source(%arg3 : memref<512xf32, #tpu.memory_space<hbm>>) target(%arg6 : memref<512xf32, #tpu.memory_space<vmem>>) target_semaphore(%run_scoped3A : memref<!tpu.dma_semaphore, #tpu.memory_space<semaphore_mem>>)
      tpu.wait_dma2 semaphore(%run_scoped3A : memref<!tpu.dma_semaphore, #tpu.memory_space<semaphore_mem>>) src(%arg3 : memref<512xf32, #tpu.memory_space<hbm>>) dst(%arg6 : memref<512xf32, #tpu.memory_space<vmem>>)
      tpu.yield
    }) : () -> ()
    %parallel_loop3A = arith.constant 0 : i32
    %parallel_loop3A_3 = arith.constant 2048 : i32
    %parallel_loop3A_4 = arith.constant 1 : i32
    scf.for %parallel_loop3A_5 = %parallel_loop3A to %parallel_loop3A_3 step %parallel_loop3A_4  : i32 {
      %parallel_loop3A_6 = arith.constant 16 : i32
      %parallel_loop3A_7 = arith.muli %parallel_loop3A_5, %parallel_loop3A_6 : i32
      %parallel_loop3A_8 = arith.index_cast %parallel_loop3A_7 : i32 to index
      %parallel_loop3A_9 = tpu.vector_load %arg5[%parallel_loop3A_8] {strides = array<i32>} : memref<32768xi32, #tpu.memory_space<vmem>>, vector<16xi32>,
      %parallel_loop3A_10 = tpu.vector_load_idx %arg6[%parallel_loop3A_9] : memref<512xf32, #tpu.memory_space<vmem>>[vector<16xi32>], vector<16xf32>,
      %parallel_loop3A_11 = arith.constant 16 : i32
      %parallel_loop3A_12 = arith.muli %parallel_loop3A_5, %parallel_loop3A_11 : i32
      %parallel_loop3A_13 = arith.index_cast %parallel_loop3A_12 : i32 to index
      %parallel_loop3A_14 = tpu.vector_load %arg7[%parallel_loop3A_13] {strides = array<i32>} : memref<32768xf32, #tpu.memory_space<vmem>>, vector<16xf32>,
      tpu.vector_store %arg7[%parallel_loop3A_13], %parallel_loop3A_10 {strides = array<i32>} : memref<32768xf32, #tpu.memory_space<vmem>>, vector<16xf32>,
    } {sc.loop_unroll_factor = 8 : i64, sc.parallel_access}
    "tpu.region"() ({
      %run_scoped3A = tpu.sem_alloc : memref<!tpu.dma_semaphore, #tpu.memory_space<semaphore_mem>>
      %dma_start3A = tpu.memref_slice %arg4[%mul3A_2] : memref<1048576xf32, #tpu.memory_space<hbm>> -> memref<32768xf32, #tpu.memory_space<hbm>>
      %dma_start3A_5 = tpu.memref_slice %arg4[%mul3A_2] : memref<1048576xf32, #tpu.memory_space<hbm>> -> memref<32768xf32, #tpu.memory_space<hbm>>
      tpu.enqueue_dma source(%arg7 : memref<32768xf32, #tpu.memory_space<vmem>>) target(%dma_start3A_5 : memref<32768xf32, #tpu.memory_space<hbm>>) target_semaphore(%run_scoped3A : memref<!tpu.dma_semaphore, #tpu.memory_space<semaphore_mem>>)
      %dma_wait3A = tpu.memref_slice %arg4[%mul3A_2] : memref<1048576xf32, #tpu.memory_space<hbm>> -> memref<32768xf32, #tpu.memory_space<hbm>>
      %dma_wait3A_6 = tpu.memref_slice %arg4[%mul3A_2] : memref<1048576xf32, #tpu.memory_space<hbm>> -> memref<32768xf32, #tpu.memory_space<hbm>>
      tpu.wait_dma2 semaphore(%run_scoped3A : memref<!tpu.dma_semaphore, #tpu.memory_space<semaphore_mem>>) src(%arg7 : memref<32768xf32, #tpu.memory_space<vmem>>) dst(%dma_wait3A_6 : memref<32768xf32, #tpu.memory_space<hbm>>)
      tpu.yield
    }) : () -> ()
    return
  }
}

#map = affine_map<(d0, d1) -> (0)>
#map1 = affine_map<(d0, d1) -> (0, 0, 0)>
module attributes {stable_mosaic.version = 14 : i64} {
  func.func @_sc_hist_body(%arg0: i32, %arg1: i32, %arg2: memref<1048576xi32, #tpu.memory_space<hbm>>, %arg3: memref<5x32x512xf32, #tpu.memory_space<hbm>>, %arg4: memref<32768xi32, #tpu.memory_space<vmem>>, %arg5: memref<8192xf32, #tpu.memory_space<vmem>>, %arg6: memref<8192xf32, #tpu.memory_space<vmem>>, %arg7: memref<8192xf32, #tpu.memory_space<vmem>>, %arg8: memref<8192xf32, #tpu.memory_space<vmem>>, %arg9: memref<8192xf32, #tpu.memory_space<vmem>>, %arg10: memref<512xf32, #tpu.memory_space<vmem>>) attributes {dimension_semantics = [#tpu.dimension_semantics<core_parallel>, #tpu.dimension_semantics<subcore_parallel>], iteration_bounds = array<i64: 2, 16>, scalar_prefetch = 0 : i64, scratch_operands = 7 : i64, tpu.core_type = #tpu.core_type<sc_vector_subcore>, window_params = [{transform_indices = #map}, {transform_indices = #map1}]} {
    %mul3A = arith.constant 2 : i32
    %mul3A_0 = arith.muli %arg1, %mul3A : i32
    %add3A = arith.addi %mul3A_0, %arg0 : i32
    %mul3A_1 = arith.constant 32768 : i32
    %mul3A_2 = arith.muli %add3A, %mul3A_1 : i32
    "tpu.region"() ({
      %run_scoped3A_33 = tpu.sem_alloc : memref<!tpu.dma_semaphore, #tpu.memory_space<semaphore_mem>>
      %dma_start3A = tpu.memref_slice %arg2[%mul3A_2] : memref<1048576xi32, #tpu.memory_space<hbm>> -> memref<32768xi32, #tpu.memory_space<hbm>>
      %dma_start3A_34 = tpu.memref_slice %arg2[%mul3A_2] : memref<1048576xi32, #tpu.memory_space<hbm>> -> memref<32768xi32, #tpu.memory_space<hbm>>
      tpu.enqueue_dma source(%dma_start3A_34 : memref<32768xi32, #tpu.memory_space<hbm>>) target(%arg4 : memref<32768xi32, #tpu.memory_space<vmem>>) target_semaphore(%run_scoped3A_33 : memref<!tpu.dma_semaphore, #tpu.memory_space<semaphore_mem>>)
      %dma_wait3A = tpu.memref_slice %arg2[%mul3A_2] : memref<1048576xi32, #tpu.memory_space<hbm>> -> memref<32768xi32, #tpu.memory_space<hbm>>
      %dma_wait3A_35 = tpu.memref_slice %arg2[%mul3A_2] : memref<1048576xi32, #tpu.memory_space<hbm>> -> memref<32768xi32, #tpu.memory_space<hbm>>
      tpu.wait_dma2 semaphore(%run_scoped3A_33 : memref<!tpu.dma_semaphore, #tpu.memory_space<semaphore_mem>>) src(%dma_wait3A_35 : memref<32768xi32, #tpu.memory_space<hbm>>) dst(%arg4 : memref<32768xi32, #tpu.memory_space<vmem>>)
      tpu.yield
    }) : () -> ()
    %broadcast_in_dim3A = arith.constant 0.000000e+00 : f32
    %broadcast_in_dim3A_3 = vector.broadcast %broadcast_in_dim3A : f32 to vector<16xf32>
    %parallel_loop3A = arith.constant 0 : i32
    %parallel_loop3A_4 = arith.constant 512 : i32
    %parallel_loop3A_5 = arith.constant 1 : i32
    scf.for %parallel_loop3A_33 = %parallel_loop3A to %parallel_loop3A_4 step %parallel_loop3A_5  : i32 {
      %parallel_loop3A_34 = arith.constant 16 : i32
      %parallel_loop3A_35 = arith.muli %parallel_loop3A_33, %parallel_loop3A_34 : i32
      %parallel_loop3A_36 = arith.index_cast %parallel_loop3A_35 : i32 to index
      %parallel_loop3A_37 = tpu.vector_load %arg5[%parallel_loop3A_36] {strides = array<i32>} : memref<8192xf32, #tpu.memory_space<vmem>>, vector<16xf32>,
      tpu.vector_store %arg5[%parallel_loop3A_36], %broadcast_in_dim3A_3 {strides = array<i32>} : memref<8192xf32, #tpu.memory_space<vmem>>, vector<16xf32>,
      %parallel_loop3A_38 = arith.index_cast %parallel_loop3A_35 : i32 to index
      %parallel_loop3A_39 = tpu.vector_load %arg6[%parallel_loop3A_38] {strides = array<i32>} : memref<8192xf32, #tpu.memory_space<vmem>>, vector<16xf32>,
      tpu.vector_store %arg6[%parallel_loop3A_38], %broadcast_in_dim3A_3 {strides = array<i32>} : memref<8192xf32, #tpu.memory_space<vmem>>, vector<16xf32>,
      %parallel_loop3A_40 = arith.index_cast %parallel_loop3A_35 : i32 to index
      %parallel_loop3A_41 = tpu.vector_load %arg7[%parallel_loop3A_40] {strides = array<i32>} : memref<8192xf32, #tpu.memory_space<vmem>>, vector<16xf32>,
      tpu.vector_store %arg7[%parallel_loop3A_40], %broadcast_in_dim3A_3 {strides = array<i32>} : memref<8192xf32, #tpu.memory_space<vmem>>, vector<16xf32>,
      %parallel_loop3A_42 = arith.index_cast %parallel_loop3A_35 : i32 to index
      %parallel_loop3A_43 = tpu.vector_load %arg8[%parallel_loop3A_42] {strides = array<i32>} : memref<8192xf32, #tpu.memory_space<vmem>>, vector<16xf32>,
      tpu.vector_store %arg8[%parallel_loop3A_42], %broadcast_in_dim3A_3 {strides = array<i32>} : memref<8192xf32, #tpu.memory_space<vmem>>, vector<16xf32>,
      %parallel_loop3A_44 = arith.index_cast %parallel_loop3A_35 : i32 to index
      %parallel_loop3A_45 = tpu.vector_load %arg9[%parallel_loop3A_44] {strides = array<i32>} : memref<8192xf32, #tpu.memory_space<vmem>>, vector<16xf32>,
      tpu.vector_store %arg9[%parallel_loop3A_44], %broadcast_in_dim3A_3 {strides = array<i32>} : memref<8192xf32, #tpu.memory_space<vmem>>, vector<16xf32>,
    } {sc.loop_unroll_factor = 4 : i64, sc.parallel_access}
    %iota3A = tpu.iota {dimensions = array<i32: 0>} : vector<16xi32>
    %mul3A_6 = arith.constant 512 : i32
    %mul3A_7 = vector.broadcast %mul3A_6 : i32 to vector<16xi32>
    %mul3A_8 = arith.muli %iota3A, %mul3A_7 : vector<16xi32>
    %broadcast_in_dim3A_9 = arith.constant 1.000000e+00 : f32
    %broadcast_in_dim3A_10 = vector.broadcast %broadcast_in_dim3A_9 : f32 to vector<16xf32>
    %parallel_loop3A_11 = arith.constant 0 : i32
    %parallel_loop3A_12 = arith.constant 2048 : i32
    %parallel_loop3A_13 = arith.constant 1 : i32
    scf.for %parallel_loop3A_33 = %parallel_loop3A_11 to %parallel_loop3A_12 step %parallel_loop3A_13  : i32 {
      %parallel_loop3A_34 = arith.constant 16 : i32
      %parallel_loop3A_35 = arith.muli %parallel_loop3A_33, %parallel_loop3A_34 : i32
      %parallel_loop3A_36 = arith.index_cast %parallel_loop3A_35 : i32 to index
      %parallel_loop3A_37 = tpu.vector_load %arg4[%parallel_loop3A_36] {strides = array<i32>} : memref<32768xi32, #tpu.memory_space<vmem>>, vector<16xi32>,
      %parallel_loop3A_38 = arith.addi %parallel_loop3A_37, %mul3A_8 : vector<16xi32>
      %parallel_loop3A_39 = arith.constant 16 : i32
      %parallel_loop3A_40 = arith.muli %parallel_loop3A_33, %parallel_loop3A_39 : i32
      %parallel_loop3A_41 = arith.addi %mul3A_2, %parallel_loop3A_40 : i32
      %parallel_loop3A_42 = vector.broadcast %parallel_loop3A_41 : i32 to vector<16xi32>
      %parallel_loop3A_43 = arith.addi %parallel_loop3A_42, %iota3A : vector<16xi32>
      %parallel_loop3A_44 = arith.constant 1023 : i32
      %parallel_loop3A_45 = vector.broadcast %parallel_loop3A_44 : i32 to vector<16xi32>
      %parallel_loop3A_46 = arith.andi %parallel_loop3A_43, %parallel_loop3A_45 : vector<16xi32>
      %parallel_loop3A_47 = arith.sitofp %parallel_loop3A_46 : vector<16xi32> to vector<16xf32>
      %parallel_loop3A_48 = arith.constant 10 : i32
      %parallel_loop3A_49 = vector.broadcast %parallel_loop3A_48 : i32 to vector<16xi32>
      %parallel_loop3A_50 = arith.shrui %parallel_loop3A_43, %parallel_loop3A_49 : vector<16xi32>
      %parallel_loop3A_51 = arith.sitofp %parallel_loop3A_50 : vector<16xi32> to vector<16xf32>
      tpu.vector_store_idx %arg5[%parallel_loop3A_38], %broadcast_in_dim3A_10 {add = true} : memref<8192xf32, #tpu.memory_space<vmem>>[vector<16xi32>], vector<16xf32>,
      tpu.vector_store_idx %arg6[%parallel_loop3A_38], %parallel_loop3A_47 {add = true} : memref<8192xf32, #tpu.memory_space<vmem>>[vector<16xi32>], vector<16xf32>,
      tpu.vector_store_idx %arg7[%parallel_loop3A_38], %parallel_loop3A_51 {add = true} : memref<8192xf32, #tpu.memory_space<vmem>>[vector<16xi32>], vector<16xf32>,
      %parallel_loop3A_52 = arith.mulf %parallel_loop3A_47, %parallel_loop3A_47 : vector<16xf32>
      tpu.vector_store_idx %arg8[%parallel_loop3A_38], %parallel_loop3A_52 {add = true} : memref<8192xf32, #tpu.memory_space<vmem>>[vector<16xi32>], vector<16xf32>,
      %parallel_loop3A_53 = arith.mulf %parallel_loop3A_51, %parallel_loop3A_51 : vector<16xf32>
      tpu.vector_store_idx %arg9[%parallel_loop3A_38], %parallel_loop3A_53 {add = true} : memref<8192xf32, #tpu.memory_space<vmem>>[vector<16xi32>], vector<16xf32>,
    } {sc.loop_unroll_factor = 4 : i64, sc.parallel_access}
    %parallel_loop3A_14 = arith.constant 0 : i32
    %parallel_loop3A_15 = arith.constant 32 : i32
    %parallel_loop3A_16 = arith.constant 1 : i32
    scf.for %parallel_loop3A_33 = %parallel_loop3A_14 to %parallel_loop3A_15 step %parallel_loop3A_16  : i32 {
      %parallel_loop3A_34 = arith.constant 16 : i32
      %parallel_loop3A_35 = arith.muli %parallel_loop3A_33, %parallel_loop3A_34 : i32
      %parallel_loop3A_36 = arith.index_cast %parallel_loop3A_35 : i32 to index
      %parallel_loop3A_37 = tpu.vector_load %arg5[%parallel_loop3A_36] {strides = array<i32>} : memref<8192xf32, #tpu.memory_space<vmem>>, vector<16xf32>,
      %parallel_loop3A_38 = arith.constant 512 : i32
      %parallel_loop3A_39 = arith.addi %parallel_loop3A_38, %parallel_loop3A_35 : i32
      %parallel_loop3A_40 = arith.index_cast %parallel_loop3A_39 : i32 to index
      %parallel_loop3A_41 = tpu.vector_load %arg5[%parallel_loop3A_40] {strides = array<i32>} : memref<8192xf32, #tpu.memory_space<vmem>>, vector<16xf32>,
      %parallel_loop3A_42 = arith.addf %parallel_loop3A_37, %parallel_loop3A_41 : vector<16xf32>
      %parallel_loop3A_43 = arith.constant 1024 : i32
      %parallel_loop3A_44 = arith.addi %parallel_loop3A_43, %parallel_loop3A_35 : i32
      %parallel_loop3A_45 = arith.index_cast %parallel_loop3A_44 : i32 to index
      %parallel_loop3A_46 = tpu.vector_load %arg5[%parallel_loop3A_45] {strides = array<i32>} : memref<8192xf32, #tpu.memory_space<vmem>>, vector<16xf32>,
      %parallel_loop3A_47 = arith.addf %parallel_loop3A_42, %parallel_loop3A_46 : vector<16xf32>
      %parallel_loop3A_48 = arith.constant 1536 : i32
      %parallel_loop3A_49 = arith.addi %parallel_loop3A_48, %parallel_loop3A_35 : i32
      %parallel_loop3A_50 = arith.index_cast %parallel_loop3A_49 : i32 to index
      %parallel_loop3A_51 = tpu.vector_load %arg5[%parallel_loop3A_50] {strides = array<i32>} : memref<8192xf32, #tpu.memory_space<vmem>>, vector<16xf32>,
      %parallel_loop3A_52 = arith.addf %parallel_loop3A_47, %parallel_loop3A_51 : vector<16xf32>
      %parallel_loop3A_53 = arith.constant 2048 : i32
      %parallel_loop3A_54 = arith.addi %parallel_loop3A_53, %parallel_loop3A_35 : i32
      %parallel_loop3A_55 = arith.index_cast %parallel_loop3A_54 : i32 to index
      %parallel_loop3A_56 = tpu.vector_load %arg5[%parallel_loop3A_55] {strides = array<i32>} : memref<8192xf32, #tpu.memory_space<vmem>>, vector<16xf32>,
      %parallel_loop3A_57 = arith.addf %parallel_loop3A_52, %parallel_loop3A_56 : vector<16xf32>
      %parallel_loop3A_58 = arith.constant 2560 : i32
      %parallel_loop3A_59 = arith.addi %parallel_loop3A_58, %parallel_loop3A_35 : i32
      %parallel_loop3A_60 = arith.index_cast %parallel_loop3A_59 : i32 to index
      %parallel_loop3A_61 = tpu.vector_load %arg5[%parallel_loop3A_60] {strides = array<i32>} : memref<8192xf32, #tpu.memory_space<vmem>>, vector<16xf32>,
      %parallel_loop3A_62 = arith.addf %parallel_loop3A_57, %parallel_loop3A_61 : vector<16xf32>
      %parallel_loop3A_63 = arith.constant 3072 : i32
      %parallel_loop3A_64 = arith.addi %parallel_loop3A_63, %parallel_loop3A_35 : i32
      %parallel_loop3A_65 = arith.index_cast %parallel_loop3A_64 : i32 to index
      %parallel_loop3A_66 = tpu.vector_load %arg5[%parallel_loop3A_65] {strides = array<i32>} : memref<8192xf32, #tpu.memory_space<vmem>>, vector<16xf32>,
      %parallel_loop3A_67 = arith.addf %parallel_loop3A_62, %parallel_loop3A_66 : vector<16xf32>
      %parallel_loop3A_68 = arith.constant 3584 : i32
      %parallel_loop3A_69 = arith.addi %parallel_loop3A_68, %parallel_loop3A_35 : i32
      %parallel_loop3A_70 = arith.index_cast %parallel_loop3A_69 : i32 to index
      %parallel_loop3A_71 = tpu.vector_load %arg5[%parallel_loop3A_70] {strides = array<i32>} : memref<8192xf32, #tpu.memory_space<vmem>>, vector<16xf32>,
      %parallel_loop3A_72 = arith.addf %parallel_loop3A_67, %parallel_loop3A_71 : vector<16xf32>
      %parallel_loop3A_73 = arith.constant 4096 : i32
      %parallel_loop3A_74 = arith.addi %parallel_loop3A_73, %parallel_loop3A_35 : i32
      %parallel_loop3A_75 = arith.index_cast %parallel_loop3A_74 : i32 to index
      %parallel_loop3A_76 = tpu.vector_load %arg5[%parallel_loop3A_75] {strides = array<i32>} : memref<8192xf32, #tpu.memory_space<vmem>>, vector<16xf32>,
      %parallel_loop3A_77 = arith.addf %parallel_loop3A_72, %parallel_loop3A_76 : vector<16xf32>
      %parallel_loop3A_78 = arith.constant 4608 : i32
      %parallel_loop3A_79 = arith.addi %parallel_loop3A_78, %parallel_loop3A_35 : i32
      %parallel_loop3A_80 = arith.index_cast %parallel_loop3A_79 : i32 to index
      %parallel_loop3A_81 = tpu.vector_load %arg5[%parallel_loop3A_80] {strides = array<i32>} : memref<8192xf32, #tpu.memory_space<vmem>>, vector<16xf32>,
      %parallel_loop3A_82 = arith.addf %parallel_loop3A_77, %parallel_loop3A_81 : vector<16xf32>
      %parallel_loop3A_83 = arith.constant 5120 : i32
      %parallel_loop3A_84 = arith.addi %parallel_loop3A_83, %parallel_loop3A_35 : i32
      %parallel_loop3A_85 = arith.index_cast %parallel_loop3A_84 : i32 to index
      %parallel_loop3A_86 = tpu.vector_load %arg5[%parallel_loop3A_85] {strides = array<i32>} : memref<8192xf32, #tpu.memory_space<vmem>>, vector<16xf32>,
      %parallel_loop3A_87 = arith.addf %parallel_loop3A_82, %parallel_loop3A_86 : vector<16xf32>
      %parallel_loop3A_88 = arith.constant 5632 : i32
      %parallel_loop3A_89 = arith.addi %parallel_loop3A_88, %parallel_loop3A_35 : i32
      %parallel_loop3A_90 = arith.index_cast %parallel_loop3A_89 : i32 to index
      %parallel_loop3A_91 = tpu.vector_load %arg5[%parallel_loop3A_90] {strides = array<i32>} : memref<8192xf32, #tpu.memory_space<vmem>>, vector<16xf32>,
      %parallel_loop3A_92 = arith.addf %parallel_loop3A_87, %parallel_loop3A_91 : vector<16xf32>
      %parallel_loop3A_93 = arith.constant 6144 : i32
      %parallel_loop3A_94 = arith.addi %parallel_loop3A_93, %parallel_loop3A_35 : i32
      %parallel_loop3A_95 = arith.index_cast %parallel_loop3A_94 : i32 to index
      %parallel_loop3A_96 = tpu.vector_load %arg5[%parallel_loop3A_95] {strides = array<i32>} : memref<8192xf32, #tpu.memory_space<vmem>>, vector<16xf32>,
      %parallel_loop3A_97 = arith.addf %parallel_loop3A_92, %parallel_loop3A_96 : vector<16xf32>
      %parallel_loop3A_98 = arith.constant 6656 : i32
      %parallel_loop3A_99 = arith.addi %parallel_loop3A_98, %parallel_loop3A_35 : i32
      %parallel_loop3A_100 = arith.index_cast %parallel_loop3A_99 : i32 to index
      %parallel_loop3A_101 = tpu.vector_load %arg5[%parallel_loop3A_100] {strides = array<i32>} : memref<8192xf32, #tpu.memory_space<vmem>>, vector<16xf32>,
      %parallel_loop3A_102 = arith.addf %parallel_loop3A_97, %parallel_loop3A_101 : vector<16xf32>
      %parallel_loop3A_103 = arith.constant 7168 : i32
      %parallel_loop3A_104 = arith.addi %parallel_loop3A_103, %parallel_loop3A_35 : i32
      %parallel_loop3A_105 = arith.index_cast %parallel_loop3A_104 : i32 to index
      %parallel_loop3A_106 = tpu.vector_load %arg5[%parallel_loop3A_105] {strides = array<i32>} : memref<8192xf32, #tpu.memory_space<vmem>>, vector<16xf32>,
      %parallel_loop3A_107 = arith.addf %parallel_loop3A_102, %parallel_loop3A_106 : vector<16xf32>
      %parallel_loop3A_108 = arith.constant 7680 : i32
      %parallel_loop3A_109 = arith.addi %parallel_loop3A_108, %parallel_loop3A_35 : i32
      %parallel_loop3A_110 = arith.index_cast %parallel_loop3A_109 : i32 to index
      %parallel_loop3A_111 = tpu.vector_load %arg5[%parallel_loop3A_110] {strides = array<i32>} : memref<8192xf32, #tpu.memory_space<vmem>>, vector<16xf32>,
      %parallel_loop3A_112 = arith.addf %parallel_loop3A_107, %parallel_loop3A_111 : vector<16xf32>
      %parallel_loop3A_113 = arith.index_cast %parallel_loop3A_35 : i32 to index
      %parallel_loop3A_114 = tpu.vector_load %arg10[%parallel_loop3A_113] {strides = array<i32>} : memref<512xf32, #tpu.memory_space<vmem>>, vector<16xf32>,
      tpu.vector_store %arg10[%parallel_loop3A_113], %parallel_loop3A_112 {strides = array<i32>} : memref<512xf32, #tpu.memory_space<vmem>>, vector<16xf32>,
    } {sc.loop_unroll_factor = 2 : i64, sc.parallel_access}
    %run_scoped3A = arith.constant 0 : i32
    "tpu.region"() ({
      %run_scoped3A_33 = tpu.sem_alloc : memref<!tpu.dma_semaphore, #tpu.memory_space<semaphore_mem>>
      %dma_start3A = arith.constant 0 : i32
      %dma_start3A_34 = tpu.memref_slice %arg3[%run_scoped3A, %add3A, %dma_start3A] : memref<5x32x512xf32, #tpu.memory_space<hbm>> -> memref<1x1x512xf32, #tpu.memory_space<hbm>>
      %dma_start3A_35 = tpu.memref_squeeze %dma_start3A_34 : memref<1x1x512xf32, #tpu.memory_space<hbm>> -> memref<512xf32, #tpu.memory_space<hbm>>
      %dma_start3A_36 = arith.constant 0 : i32
      %dma_start3A_37 = tpu.memref_slice %arg3[%run_scoped3A, %add3A, %dma_start3A_36] : memref<5x32x512xf32, #tpu.memory_space<hbm>> -> memref<1x1x512xf32, #tpu.memory_space<hbm>>
      %dma_start3A_38 = tpu.memref_squeeze %dma_start3A_37 : memref<1x1x512xf32, #tpu.memory_space<hbm>> -> memref<512xf32, #tpu.memory_space<hbm>>
      tpu.enqueue_dma source(%arg10 : memref<512xf32, #tpu.memory_space<vmem>>) target(%dma_start3A_38 : memref<512xf32, #tpu.memory_space<hbm>>) target_semaphore(%run_scoped3A_33 : memref<!tpu.dma_semaphore, #tpu.memory_space<semaphore_mem>>)
      %dma_wait3A = arith.constant 0 : i32
      %dma_wait3A_39 = tpu.memref_slice %arg3[%run_scoped3A, %add3A, %dma_wait3A] : memref<5x32x512xf32, #tpu.memory_space<hbm>> -> memref<1x1x512xf32, #tpu.memory_space<hbm>>
      %dma_wait3A_40 = tpu.memref_squeeze %dma_wait3A_39 : memref<1x1x512xf32, #tpu.memory_space<hbm>> -> memref<512xf32, #tpu.memory_space<hbm>>
      %dma_wait3A_41 = arith.constant 0 : i32
      %dma_wait3A_42 = tpu.memref_slice %arg3[%run_scoped3A, %add3A, %dma_wait3A_41] : memref<5x32x512xf32, #tpu.memory_space<hbm>> -> memref<1x1x512xf32, #tpu.memory_space<hbm>>
      %dma_wait3A_43 = tpu.memref_squeeze %dma_wait3A_42 : memref<1x1x512xf32, #tpu.memory_space<hbm>> -> memref<512xf32, #tpu.memory_space<hbm>>
      tpu.wait_dma2 semaphore(%run_scoped3A_33 : memref<!tpu.dma_semaphore, #tpu.memory_space<semaphore_mem>>) src(%arg10 : memref<512xf32, #tpu.memory_space<vmem>>) dst(%dma_wait3A_43 : memref<512xf32, #tpu.memory_space<hbm>>)
      tpu.yield
    }) : () -> ()
    %parallel_loop3A_17 = arith.constant 0 : i32
    %parallel_loop3A_18 = arith.constant 32 : i32
    %parallel_loop3A_19 = arith.constant 1 : i32
    scf.for %parallel_loop3A_33 = %parallel_loop3A_17 to %parallel_loop3A_18 step %parallel_loop3A_19  : i32 {
      %parallel_loop3A_34 = arith.constant 16 : i32
      %parallel_loop3A_35 = arith.muli %parallel_loop3A_33, %parallel_loop3A_34 : i32
      %parallel_loop3A_36 = arith.index_cast %parallel_loop3A_35 : i32 to index
      %parallel_loop3A_37 = tpu.vector_load %arg6[%parallel_loop3A_36] {strides = array<i32>} : memref<8192xf32, #tpu.memory_space<vmem>>, vector<16xf32>,
      %parallel_loop3A_38 = arith.constant 512 : i32
      %parallel_loop3A_39 = arith.addi %parallel_loop3A_38, %parallel_loop3A_35 : i32
      %parallel_loop3A_40 = arith.index_cast %parallel_loop3A_39 : i32 to index
      %parallel_loop3A_41 = tpu.vector_load %arg6[%parallel_loop3A_40] {strides = array<i32>} : memref<8192xf32, #tpu.memory_space<vmem>>, vector<16xf32>,
      %parallel_loop3A_42 = arith.addf %parallel_loop3A_37, %parallel_loop3A_41 : vector<16xf32>
      %parallel_loop3A_43 = arith.constant 1024 : i32
      %parallel_loop3A_44 = arith.addi %parallel_loop3A_43, %parallel_loop3A_35 : i32
      %parallel_loop3A_45 = arith.index_cast %parallel_loop3A_44 : i32 to index
      %parallel_loop3A_46 = tpu.vector_load %arg6[%parallel_loop3A_45] {strides = array<i32>} : memref<8192xf32, #tpu.memory_space<vmem>>, vector<16xf32>,
      %parallel_loop3A_47 = arith.addf %parallel_loop3A_42, %parallel_loop3A_46 : vector<16xf32>
      %parallel_loop3A_48 = arith.constant 1536 : i32
      %parallel_loop3A_49 = arith.addi %parallel_loop3A_48, %parallel_loop3A_35 : i32
      %parallel_loop3A_50 = arith.index_cast %parallel_loop3A_49 : i32 to index
      %parallel_loop3A_51 = tpu.vector_load %arg6[%parallel_loop3A_50] {strides = array<i32>} : memref<8192xf32, #tpu.memory_space<vmem>>, vector<16xf32>,
      %parallel_loop3A_52 = arith.addf %parallel_loop3A_47, %parallel_loop3A_51 : vector<16xf32>
      %parallel_loop3A_53 = arith.constant 2048 : i32
      %parallel_loop3A_54 = arith.addi %parallel_loop3A_53, %parallel_loop3A_35 : i32
      %parallel_loop3A_55 = arith.index_cast %parallel_loop3A_54 : i32 to index
      %parallel_loop3A_56 = tpu.vector_load %arg6[%parallel_loop3A_55] {strides = array<i32>} : memref<8192xf32, #tpu.memory_space<vmem>>, vector<16xf32>,
      %parallel_loop3A_57 = arith.addf %parallel_loop3A_52, %parallel_loop3A_56 : vector<16xf32>
      %parallel_loop3A_58 = arith.constant 2560 : i32
      %parallel_loop3A_59 = arith.addi %parallel_loop3A_58, %parallel_loop3A_35 : i32
      %parallel_loop3A_60 = arith.index_cast %parallel_loop3A_59 : i32 to index
      %parallel_loop3A_61 = tpu.vector_load %arg6[%parallel_loop3A_60] {strides = array<i32>} : memref<8192xf32, #tpu.memory_space<vmem>>, vector<16xf32>,
      %parallel_loop3A_62 = arith.addf %parallel_loop3A_57, %parallel_loop3A_61 : vector<16xf32>
      %parallel_loop3A_63 = arith.constant 3072 : i32
      %parallel_loop3A_64 = arith.addi %parallel_loop3A_63, %parallel_loop3A_35 : i32
      %parallel_loop3A_65 = arith.index_cast %parallel_loop3A_64 : i32 to index
      %parallel_loop3A_66 = tpu.vector_load %arg6[%parallel_loop3A_65] {strides = array<i32>} : memref<8192xf32, #tpu.memory_space<vmem>>, vector<16xf32>,
      %parallel_loop3A_67 = arith.addf %parallel_loop3A_62, %parallel_loop3A_66 : vector<16xf32>
      %parallel_loop3A_68 = arith.constant 3584 : i32
      %parallel_loop3A_69 = arith.addi %parallel_loop3A_68, %parallel_loop3A_35 : i32
      %parallel_loop3A_70 = arith.index_cast %parallel_loop3A_69 : i32 to index
      %parallel_loop3A_71 = tpu.vector_load %arg6[%parallel_loop3A_70] {strides = array<i32>} : memref<8192xf32, #tpu.memory_space<vmem>>, vector<16xf32>,
      %parallel_loop3A_72 = arith.addf %parallel_loop3A_67, %parallel_loop3A_71 : vector<16xf32>
      %parallel_loop3A_73 = arith.constant 4096 : i32
      %parallel_loop3A_74 = arith.addi %parallel_loop3A_73, %parallel_loop3A_35 : i32
      %parallel_loop3A_75 = arith.index_cast %parallel_loop3A_74 : i32 to index
      %parallel_loop3A_76 = tpu.vector_load %arg6[%parallel_loop3A_75] {strides = array<i32>} : memref<8192xf32, #tpu.memory_space<vmem>>, vector<16xf32>,
      %parallel_loop3A_77 = arith.addf %parallel_loop3A_72, %parallel_loop3A_76 : vector<16xf32>
      %parallel_loop3A_78 = arith.constant 4608 : i32
      %parallel_loop3A_79 = arith.addi %parallel_loop3A_78, %parallel_loop3A_35 : i32
      %parallel_loop3A_80 = arith.index_cast %parallel_loop3A_79 : i32 to index
      %parallel_loop3A_81 = tpu.vector_load %arg6[%parallel_loop3A_80] {strides = array<i32>} : memref<8192xf32, #tpu.memory_space<vmem>>, vector<16xf32>,
      %parallel_loop3A_82 = arith.addf %parallel_loop3A_77, %parallel_loop3A_81 : vector<16xf32>
      %parallel_loop3A_83 = arith.constant 5120 : i32
      %parallel_loop3A_84 = arith.addi %parallel_loop3A_83, %parallel_loop3A_35 : i32
      %parallel_loop3A_85 = arith.index_cast %parallel_loop3A_84 : i32 to index
      %parallel_loop3A_86 = tpu.vector_load %arg6[%parallel_loop3A_85] {strides = array<i32>} : memref<8192xf32, #tpu.memory_space<vmem>>, vector<16xf32>,
      %parallel_loop3A_87 = arith.addf %parallel_loop3A_82, %parallel_loop3A_86 : vector<16xf32>
      %parallel_loop3A_88 = arith.constant 5632 : i32
      %parallel_loop3A_89 = arith.addi %parallel_loop3A_88, %parallel_loop3A_35 : i32
      %parallel_loop3A_90 = arith.index_cast %parallel_loop3A_89 : i32 to index
      %parallel_loop3A_91 = tpu.vector_load %arg6[%parallel_loop3A_90] {strides = array<i32>} : memref<8192xf32, #tpu.memory_space<vmem>>, vector<16xf32>,
      %parallel_loop3A_92 = arith.addf %parallel_loop3A_87, %parallel_loop3A_91 : vector<16xf32>
      %parallel_loop3A_93 = arith.constant 6144 : i32
      %parallel_loop3A_94 = arith.addi %parallel_loop3A_93, %parallel_loop3A_35 : i32
      %parallel_loop3A_95 = arith.index_cast %parallel_loop3A_94 : i32 to index
      %parallel_loop3A_96 = tpu.vector_load %arg6[%parallel_loop3A_95] {strides = array<i32>} : memref<8192xf32, #tpu.memory_space<vmem>>, vector<16xf32>,
      %parallel_loop3A_97 = arith.addf %parallel_loop3A_92, %parallel_loop3A_96 : vector<16xf32>
      %parallel_loop3A_98 = arith.constant 6656 : i32
      %parallel_loop3A_99 = arith.addi %parallel_loop3A_98, %parallel_loop3A_35 : i32
      %parallel_loop3A_100 = arith.index_cast %parallel_loop3A_99 : i32 to index
      %parallel_loop3A_101 = tpu.vector_load %arg6[%parallel_loop3A_100] {strides = array<i32>} : memref<8192xf32, #tpu.memory_space<vmem>>, vector<16xf32>,
      %parallel_loop3A_102 = arith.addf %parallel_loop3A_97, %parallel_loop3A_101 : vector<16xf32>
      %parallel_loop3A_103 = arith.constant 7168 : i32
      %parallel_loop3A_104 = arith.addi %parallel_loop3A_103, %parallel_loop3A_35 : i32
      %parallel_loop3A_105 = arith.index_cast %parallel_loop3A_104 : i32 to index
      %parallel_loop3A_106 = tpu.vector_load %arg6[%parallel_loop3A_105] {strides = array<i32>} : memref<8192xf32, #tpu.memory_space<vmem>>, vector<16xf32>,
      %parallel_loop3A_107 = arith.addf %parallel_loop3A_102, %parallel_loop3A_106 : vector<16xf32>
      %parallel_loop3A_108 = arith.constant 7680 : i32
      %parallel_loop3A_109 = arith.addi %parallel_loop3A_108, %parallel_loop3A_35 : i32
      %parallel_loop3A_110 = arith.index_cast %parallel_loop3A_109 : i32 to index
      %parallel_loop3A_111 = tpu.vector_load %arg6[%parallel_loop3A_110] {strides = array<i32>} : memref<8192xf32, #tpu.memory_space<vmem>>, vector<16xf32>,
      %parallel_loop3A_112 = arith.addf %parallel_loop3A_107, %parallel_loop3A_111 : vector<16xf32>
      %parallel_loop3A_113 = arith.index_cast %parallel_loop3A_35 : i32 to index
      %parallel_loop3A_114 = tpu.vector_load %arg10[%parallel_loop3A_113] {strides = array<i32>} : memref<512xf32, #tpu.memory_space<vmem>>, vector<16xf32>,
      tpu.vector_store %arg10[%parallel_loop3A_113], %parallel_loop3A_112 {strides = array<i32>} : memref<512xf32, #tpu.memory_space<vmem>>, vector<16xf32>,
    } {sc.loop_unroll_factor = 2 : i64, sc.parallel_access}
    %run_scoped3A_20 = arith.constant 1 : i32
    "tpu.region"() ({
      %run_scoped3A_33 = tpu.sem_alloc : memref<!tpu.dma_semaphore, #tpu.memory_space<semaphore_mem>>
      %dma_start3A = arith.constant 0 : i32
      %dma_start3A_34 = tpu.memref_slice %arg3[%run_scoped3A_20, %add3A, %dma_start3A] : memref<5x32x512xf32, #tpu.memory_space<hbm>> -> memref<1x1x512xf32, #tpu.memory_space<hbm>>
      %dma_start3A_35 = tpu.memref_squeeze %dma_start3A_34 : memref<1x1x512xf32, #tpu.memory_space<hbm>> -> memref<512xf32, #tpu.memory_space<hbm>>
      %dma_start3A_36 = arith.constant 0 : i32
      %dma_start3A_37 = tpu.memref_slice %arg3[%run_scoped3A_20, %add3A, %dma_start3A_36] : memref<5x32x512xf32, #tpu.memory_space<hbm>> -> memref<1x1x512xf32, #tpu.memory_space<hbm>>
      %dma_start3A_38 = tpu.memref_squeeze %dma_start3A_37 : memref<1x1x512xf32, #tpu.memory_space<hbm>> -> memref<512xf32, #tpu.memory_space<hbm>>
      tpu.enqueue_dma source(%arg10 : memref<512xf32, #tpu.memory_space<vmem>>) target(%dma_start3A_38 : memref<512xf32, #tpu.memory_space<hbm>>) target_semaphore(%run_scoped3A_33 : memref<!tpu.dma_semaphore, #tpu.memory_space<semaphore_mem>>)
      %dma_wait3A = arith.constant 0 : i32
      %dma_wait3A_39 = tpu.memref_slice %arg3[%run_scoped3A_20, %add3A, %dma_wait3A] : memref<5x32x512xf32, #tpu.memory_space<hbm>> -> memref<1x1x512xf32, #tpu.memory_space<hbm>>
      %dma_wait3A_40 = tpu.memref_squeeze %dma_wait3A_39 : memref<1x1x512xf32, #tpu.memory_space<hbm>> -> memref<512xf32, #tpu.memory_space<hbm>>
      %dma_wait3A_41 = arith.constant 0 : i32
      %dma_wait3A_42 = tpu.memref_slice %arg3[%run_scoped3A_20, %add3A, %dma_wait3A_41] : memref<5x32x512xf32, #tpu.memory_space<hbm>> -> memref<1x1x512xf32, #tpu.memory_space<hbm>>
      %dma_wait3A_43 = tpu.memref_squeeze %dma_wait3A_42 : memref<1x1x512xf32, #tpu.memory_space<hbm>> -> memref<512xf32, #tpu.memory_space<hbm>>
      tpu.wait_dma2 semaphore(%run_scoped3A_33 : memref<!tpu.dma_semaphore, #tpu.memory_space<semaphore_mem>>) src(%arg10 : memref<512xf32, #tpu.memory_space<vmem>>) dst(%dma_wait3A_43 : memref<512xf32, #tpu.memory_space<hbm>>)
      tpu.yield
    }) : () -> ()
    %parallel_loop3A_21 = arith.constant 0 : i32
    %parallel_loop3A_22 = arith.constant 32 : i32
    %parallel_loop3A_23 = arith.constant 1 : i32
    scf.for %parallel_loop3A_33 = %parallel_loop3A_21 to %parallel_loop3A_22 step %parallel_loop3A_23  : i32 {
      %parallel_loop3A_34 = arith.constant 16 : i32
      %parallel_loop3A_35 = arith.muli %parallel_loop3A_33, %parallel_loop3A_34 : i32
      %parallel_loop3A_36 = arith.index_cast %parallel_loop3A_35 : i32 to index
      %parallel_loop3A_37 = tpu.vector_load %arg7[%parallel_loop3A_36] {strides = array<i32>} : memref<8192xf32, #tpu.memory_space<vmem>>, vector<16xf32>,
      %parallel_loop3A_38 = arith.constant 512 : i32
      %parallel_loop3A_39 = arith.addi %parallel_loop3A_38, %parallel_loop3A_35 : i32
      %parallel_loop3A_40 = arith.index_cast %parallel_loop3A_39 : i32 to index
      %parallel_loop3A_41 = tpu.vector_load %arg7[%parallel_loop3A_40] {strides = array<i32>} : memref<8192xf32, #tpu.memory_space<vmem>>, vector<16xf32>,
      %parallel_loop3A_42 = arith.addf %parallel_loop3A_37, %parallel_loop3A_41 : vector<16xf32>
      %parallel_loop3A_43 = arith.constant 1024 : i32
      %parallel_loop3A_44 = arith.addi %parallel_loop3A_43, %parallel_loop3A_35 : i32
      %parallel_loop3A_45 = arith.index_cast %parallel_loop3A_44 : i32 to index
      %parallel_loop3A_46 = tpu.vector_load %arg7[%parallel_loop3A_45] {strides = array<i32>} : memref<8192xf32, #tpu.memory_space<vmem>>, vector<16xf32>,
      %parallel_loop3A_47 = arith.addf %parallel_loop3A_42, %parallel_loop3A_46 : vector<16xf32>
      %parallel_loop3A_48 = arith.constant 1536 : i32
      %parallel_loop3A_49 = arith.addi %parallel_loop3A_48, %parallel_loop3A_35 : i32
      %parallel_loop3A_50 = arith.index_cast %parallel_loop3A_49 : i32 to index
      %parallel_loop3A_51 = tpu.vector_load %arg7[%parallel_loop3A_50] {strides = array<i32>} : memref<8192xf32, #tpu.memory_space<vmem>>, vector<16xf32>,
      %parallel_loop3A_52 = arith.addf %parallel_loop3A_47, %parallel_loop3A_51 : vector<16xf32>
      %parallel_loop3A_53 = arith.constant 2048 : i32
      %parallel_loop3A_54 = arith.addi %parallel_loop3A_53, %parallel_loop3A_35 : i32
      %parallel_loop3A_55 = arith.index_cast %parallel_loop3A_54 : i32 to index
      %parallel_loop3A_56 = tpu.vector_load %arg7[%parallel_loop3A_55] {strides = array<i32>} : memref<8192xf32, #tpu.memory_space<vmem>>, vector<16xf32>,
      %parallel_loop3A_57 = arith.addf %parallel_loop3A_52, %parallel_loop3A_56 : vector<16xf32>
      %parallel_loop3A_58 = arith.constant 2560 : i32
      %parallel_loop3A_59 = arith.addi %parallel_loop3A_58, %parallel_loop3A_35 : i32
      %parallel_loop3A_60 = arith.index_cast %parallel_loop3A_59 : i32 to index
      %parallel_loop3A_61 = tpu.vector_load %arg7[%parallel_loop3A_60] {strides = array<i32>} : memref<8192xf32, #tpu.memory_space<vmem>>, vector<16xf32>,
      %parallel_loop3A_62 = arith.addf %parallel_loop3A_57, %parallel_loop3A_61 : vector<16xf32>
      %parallel_loop3A_63 = arith.constant 3072 : i32
      %parallel_loop3A_64 = arith.addi %parallel_loop3A_63, %parallel_loop3A_35 : i32
      %parallel_loop3A_65 = arith.index_cast %parallel_loop3A_64 : i32 to index
      %parallel_loop3A_66 = tpu.vector_load %arg7[%parallel_loop3A_65] {strides = array<i32>} : memref<8192xf32, #tpu.memory_space<vmem>>, vector<16xf32>,
      %parallel_loop3A_67 = arith.addf %parallel_loop3A_62, %parallel_loop3A_66 : vector<16xf32>
      %parallel_loop3A_68 = arith.constant 3584 : i32
      %parallel_loop3A_69 = arith.addi %parallel_loop3A_68, %parallel_loop3A_35 : i32
      %parallel_loop3A_70 = arith.index_cast %parallel_loop3A_69 : i32 to index
      %parallel_loop3A_71 = tpu.vector_load %arg7[%parallel_loop3A_70] {strides = array<i32>} : memref<8192xf32, #tpu.memory_space<vmem>>, vector<16xf32>,
      %parallel_loop3A_72 = arith.addf %parallel_loop3A_67, %parallel_loop3A_71 : vector<16xf32>
      %parallel_loop3A_73 = arith.constant 4096 : i32
      %parallel_loop3A_74 = arith.addi %parallel_loop3A_73, %parallel_loop3A_35 : i32
      %parallel_loop3A_75 = arith.index_cast %parallel_loop3A_74 : i32 to index
      %parallel_loop3A_76 = tpu.vector_load %arg7[%parallel_loop3A_75] {strides = array<i32>} : memref<8192xf32, #tpu.memory_space<vmem>>, vector<16xf32>,
      %parallel_loop3A_77 = arith.addf %parallel_loop3A_72, %parallel_loop3A_76 : vector<16xf32>
      %parallel_loop3A_78 = arith.constant 4608 : i32
      %parallel_loop3A_79 = arith.addi %parallel_loop3A_78, %parallel_loop3A_35 : i32
      %parallel_loop3A_80 = arith.index_cast %parallel_loop3A_79 : i32 to index
      %parallel_loop3A_81 = tpu.vector_load %arg7[%parallel_loop3A_80] {strides = array<i32>} : memref<8192xf32, #tpu.memory_space<vmem>>, vector<16xf32>,
      %parallel_loop3A_82 = arith.addf %parallel_loop3A_77, %parallel_loop3A_81 : vector<16xf32>
      %parallel_loop3A_83 = arith.constant 5120 : i32
      %parallel_loop3A_84 = arith.addi %parallel_loop3A_83, %parallel_loop3A_35 : i32
      %parallel_loop3A_85 = arith.index_cast %parallel_loop3A_84 : i32 to index
      %parallel_loop3A_86 = tpu.vector_load %arg7[%parallel_loop3A_85] {strides = array<i32>} : memref<8192xf32, #tpu.memory_space<vmem>>, vector<16xf32>,
      %parallel_loop3A_87 = arith.addf %parallel_loop3A_82, %parallel_loop3A_86 : vector<16xf32>
      %parallel_loop3A_88 = arith.constant 5632 : i32
      %parallel_loop3A_89 = arith.addi %parallel_loop3A_88, %parallel_loop3A_35 : i32
      %parallel_loop3A_90 = arith.index_cast %parallel_loop3A_89 : i32 to index
      %parallel_loop3A_91 = tpu.vector_load %arg7[%parallel_loop3A_90] {strides = array<i32>} : memref<8192xf32, #tpu.memory_space<vmem>>, vector<16xf32>,
      %parallel_loop3A_92 = arith.addf %parallel_loop3A_87, %parallel_loop3A_91 : vector<16xf32>
      %parallel_loop3A_93 = arith.constant 6144 : i32
      %parallel_loop3A_94 = arith.addi %parallel_loop3A_93, %parallel_loop3A_35 : i32
      %parallel_loop3A_95 = arith.index_cast %parallel_loop3A_94 : i32 to index
      %parallel_loop3A_96 = tpu.vector_load %arg7[%parallel_loop3A_95] {strides = array<i32>} : memref<8192xf32, #tpu.memory_space<vmem>>, vector<16xf32>,
      %parallel_loop3A_97 = arith.addf %parallel_loop3A_92, %parallel_loop3A_96 : vector<16xf32>
      %parallel_loop3A_98 = arith.constant 6656 : i32
      %parallel_loop3A_99 = arith.addi %parallel_loop3A_98, %parallel_loop3A_35 : i32
      %parallel_loop3A_100 = arith.index_cast %parallel_loop3A_99 : i32 to index
      %parallel_loop3A_101 = tpu.vector_load %arg7[%parallel_loop3A_100] {strides = array<i32>} : memref<8192xf32, #tpu.memory_space<vmem>>, vector<16xf32>,
      %parallel_loop3A_102 = arith.addf %parallel_loop3A_97, %parallel_loop3A_101 : vector<16xf32>
      %parallel_loop3A_103 = arith.constant 7168 : i32
      %parallel_loop3A_104 = arith.addi %parallel_loop3A_103, %parallel_loop3A_35 : i32
      %parallel_loop3A_105 = arith.index_cast %parallel_loop3A_104 : i32 to index
      %parallel_loop3A_106 = tpu.vector_load %arg7[%parallel_loop3A_105] {strides = array<i32>} : memref<8192xf32, #tpu.memory_space<vmem>>, vector<16xf32>,
      %parallel_loop3A_107 = arith.addf %parallel_loop3A_102, %parallel_loop3A_106 : vector<16xf32>
      %parallel_loop3A_108 = arith.constant 7680 : i32
      %parallel_loop3A_109 = arith.addi %parallel_loop3A_108, %parallel_loop3A_35 : i32
      %parallel_loop3A_110 = arith.index_cast %parallel_loop3A_109 : i32 to index
      %parallel_loop3A_111 = tpu.vector_load %arg7[%parallel_loop3A_110] {strides = array<i32>} : memref<8192xf32, #tpu.memory_space<vmem>>, vector<16xf32>,
      %parallel_loop3A_112 = arith.addf %parallel_loop3A_107, %parallel_loop3A_111 : vector<16xf32>
      %parallel_loop3A_113 = arith.index_cast %parallel_loop3A_35 : i32 to index
      %parallel_loop3A_114 = tpu.vector_load %arg10[%parallel_loop3A_113] {strides = array<i32>} : memref<512xf32, #tpu.memory_space<vmem>>, vector<16xf32>,
      tpu.vector_store %arg10[%parallel_loop3A_113], %parallel_loop3A_112 {strides = array<i32>} : memref<512xf32, #tpu.memory_space<vmem>>, vector<16xf32>,
    } {sc.loop_unroll_factor = 2 : i64, sc.parallel_access}
    %run_scoped3A_24 = arith.constant 2 : i32
    "tpu.region"() ({
      %run_scoped3A_33 = tpu.sem_alloc : memref<!tpu.dma_semaphore, #tpu.memory_space<semaphore_mem>>
      %dma_start3A = arith.constant 0 : i32
      %dma_start3A_34 = tpu.memref_slice %arg3[%run_scoped3A_24, %add3A, %dma_start3A] : memref<5x32x512xf32, #tpu.memory_space<hbm>> -> memref<1x1x512xf32, #tpu.memory_space<hbm>>
      %dma_start3A_35 = tpu.memref_squeeze %dma_start3A_34 : memref<1x1x512xf32, #tpu.memory_space<hbm>> -> memref<512xf32, #tpu.memory_space<hbm>>
      %dma_start3A_36 = arith.constant 0 : i32
      %dma_start3A_37 = tpu.memref_slice %arg3[%run_scoped3A_24, %add3A, %dma_start3A_36] : memref<5x32x512xf32, #tpu.memory_space<hbm>> -> memref<1x1x512xf32, #tpu.memory_space<hbm>>
      %dma_start3A_38 = tpu.memref_squeeze %dma_start3A_37 : memref<1x1x512xf32, #tpu.memory_space<hbm>> -> memref<512xf32, #tpu.memory_space<hbm>>
      tpu.enqueue_dma source(%arg10 : memref<512xf32, #tpu.memory_space<vmem>>) target(%dma_start3A_38 : memref<512xf32, #tpu.memory_space<hbm>>) target_semaphore(%run_scoped3A_33 : memref<!tpu.dma_semaphore, #tpu.memory_space<semaphore_mem>>)
      %dma_wait3A = arith.constant 0 : i32
      %dma_wait3A_39 = tpu.memref_slice %arg3[%run_scoped3A_24, %add3A, %dma_wait3A] : memref<5x32x512xf32, #tpu.memory_space<hbm>> -> memref<1x1x512xf32, #tpu.memory_space<hbm>>
      %dma_wait3A_40 = tpu.memref_squeeze %dma_wait3A_39 : memref<1x1x512xf32, #tpu.memory_space<hbm>> -> memref<512xf32, #tpu.memory_space<hbm>>
      %dma_wait3A_41 = arith.constant 0 : i32
      %dma_wait3A_42 = tpu.memref_slice %arg3[%run_scoped3A_24, %add3A, %dma_wait3A_41] : memref<5x32x512xf32, #tpu.memory_space<hbm>> -> memref<1x1x512xf32, #tpu.memory_space<hbm>>
      %dma_wait3A_43 = tpu.memref_squeeze %dma_wait3A_42 : memref<1x1x512xf32, #tpu.memory_space<hbm>> -> memref<512xf32, #tpu.memory_space<hbm>>
      tpu.wait_dma2 semaphore(%run_scoped3A_33 : memref<!tpu.dma_semaphore, #tpu.memory_space<semaphore_mem>>) src(%arg10 : memref<512xf32, #tpu.memory_space<vmem>>) dst(%dma_wait3A_43 : memref<512xf32, #tpu.memory_space<hbm>>)
      tpu.yield
    }) : () -> ()
    %parallel_loop3A_25 = arith.constant 0 : i32
    %parallel_loop3A_26 = arith.constant 32 : i32
    %parallel_loop3A_27 = arith.constant 1 : i32
    scf.for %parallel_loop3A_33 = %parallel_loop3A_25 to %parallel_loop3A_26 step %parallel_loop3A_27  : i32 {
      %parallel_loop3A_34 = arith.constant 16 : i32
      %parallel_loop3A_35 = arith.muli %parallel_loop3A_33, %parallel_loop3A_34 : i32
      %parallel_loop3A_36 = arith.index_cast %parallel_loop3A_35 : i32 to index
      %parallel_loop3A_37 = tpu.vector_load %arg8[%parallel_loop3A_36] {strides = array<i32>} : memref<8192xf32, #tpu.memory_space<vmem>>, vector<16xf32>,
      %parallel_loop3A_38 = arith.constant 512 : i32
      %parallel_loop3A_39 = arith.addi %parallel_loop3A_38, %parallel_loop3A_35 : i32
      %parallel_loop3A_40 = arith.index_cast %parallel_loop3A_39 : i32 to index
      %parallel_loop3A_41 = tpu.vector_load %arg8[%parallel_loop3A_40] {strides = array<i32>} : memref<8192xf32, #tpu.memory_space<vmem>>, vector<16xf32>,
      %parallel_loop3A_42 = arith.addf %parallel_loop3A_37, %parallel_loop3A_41 : vector<16xf32>
      %parallel_loop3A_43 = arith.constant 1024 : i32
      %parallel_loop3A_44 = arith.addi %parallel_loop3A_43, %parallel_loop3A_35 : i32
      %parallel_loop3A_45 = arith.index_cast %parallel_loop3A_44 : i32 to index
      %parallel_loop3A_46 = tpu.vector_load %arg8[%parallel_loop3A_45] {strides = array<i32>} : memref<8192xf32, #tpu.memory_space<vmem>>, vector<16xf32>,
      %parallel_loop3A_47 = arith.addf %parallel_loop3A_42, %parallel_loop3A_46 : vector<16xf32>
      %parallel_loop3A_48 = arith.constant 1536 : i32
      %parallel_loop3A_49 = arith.addi %parallel_loop3A_48, %parallel_loop3A_35 : i32
      %parallel_loop3A_50 = arith.index_cast %parallel_loop3A_49 : i32 to index
      %parallel_loop3A_51 = tpu.vector_load %arg8[%parallel_loop3A_50] {strides = array<i32>} : memref<8192xf32, #tpu.memory_space<vmem>>, vector<16xf32>,
      %parallel_loop3A_52 = arith.addf %parallel_loop3A_47, %parallel_loop3A_51 : vector<16xf32>
      %parallel_loop3A_53 = arith.constant 2048 : i32
      %parallel_loop3A_54 = arith.addi %parallel_loop3A_53, %parallel_loop3A_35 : i32
      %parallel_loop3A_55 = arith.index_cast %parallel_loop3A_54 : i32 to index
      %parallel_loop3A_56 = tpu.vector_load %arg8[%parallel_loop3A_55] {strides = array<i32>} : memref<8192xf32, #tpu.memory_space<vmem>>, vector<16xf32>,
      %parallel_loop3A_57 = arith.addf %parallel_loop3A_52, %parallel_loop3A_56 : vector<16xf32>
      %parallel_loop3A_58 = arith.constant 2560 : i32
      %parallel_loop3A_59 = arith.addi %parallel_loop3A_58, %parallel_loop3A_35 : i32
      %parallel_loop3A_60 = arith.index_cast %parallel_loop3A_59 : i32 to index
      %parallel_loop3A_61 = tpu.vector_load %arg8[%parallel_loop3A_60] {strides = array<i32>} : memref<8192xf32, #tpu.memory_space<vmem>>, vector<16xf32>,
      %parallel_loop3A_62 = arith.addf %parallel_loop3A_57, %parallel_loop3A_61 : vector<16xf32>
      %parallel_loop3A_63 = arith.constant 3072 : i32
      %parallel_loop3A_64 = arith.addi %parallel_loop3A_63, %parallel_loop3A_35 : i32
      %parallel_loop3A_65 = arith.index_cast %parallel_loop3A_64 : i32 to index
      %parallel_loop3A_66 = tpu.vector_load %arg8[%parallel_loop3A_65] {strides = array<i32>} : memref<8192xf32, #tpu.memory_space<vmem>>, vector<16xf32>,
      %parallel_loop3A_67 = arith.addf %parallel_loop3A_62, %parallel_loop3A_66 : vector<16xf32>
      %parallel_loop3A_68 = arith.constant 3584 : i32
      %parallel_loop3A_69 = arith.addi %parallel_loop3A_68, %parallel_loop3A_35 : i32
      %parallel_loop3A_70 = arith.index_cast %parallel_loop3A_69 : i32 to index
      %parallel_loop3A_71 = tpu.vector_load %arg8[%parallel_loop3A_70] {strides = array<i32>} : memref<8192xf32, #tpu.memory_space<vmem>>, vector<16xf32>,
      %parallel_loop3A_72 = arith.addf %parallel_loop3A_67, %parallel_loop3A_71 : vector<16xf32>
      %parallel_loop3A_73 = arith.constant 4096 : i32
      %parallel_loop3A_74 = arith.addi %parallel_loop3A_73, %parallel_loop3A_35 : i32
      %parallel_loop3A_75 = arith.index_cast %parallel_loop3A_74 : i32 to index
      %parallel_loop3A_76 = tpu.vector_load %arg8[%parallel_loop3A_75] {strides = array<i32>} : memref<8192xf32, #tpu.memory_space<vmem>>, vector<16xf32>,
      %parallel_loop3A_77 = arith.addf %parallel_loop3A_72, %parallel_loop3A_76 : vector<16xf32>
      %parallel_loop3A_78 = arith.constant 4608 : i32
      %parallel_loop3A_79 = arith.addi %parallel_loop3A_78, %parallel_loop3A_35 : i32
      %parallel_loop3A_80 = arith.index_cast %parallel_loop3A_79 : i32 to index
      %parallel_loop3A_81 = tpu.vector_load %arg8[%parallel_loop3A_80] {strides = array<i32>} : memref<8192xf32, #tpu.memory_space<vmem>>, vector<16xf32>,
      %parallel_loop3A_82 = arith.addf %parallel_loop3A_77, %parallel_loop3A_81 : vector<16xf32>
      %parallel_loop3A_83 = arith.constant 5120 : i32
      %parallel_loop3A_84 = arith.addi %parallel_loop3A_83, %parallel_loop3A_35 : i32
      %parallel_loop3A_85 = arith.index_cast %parallel_loop3A_84 : i32 to index
      %parallel_loop3A_86 = tpu.vector_load %arg8[%parallel_loop3A_85] {strides = array<i32>} : memref<8192xf32, #tpu.memory_space<vmem>>, vector<16xf32>,
      %parallel_loop3A_87 = arith.addf %parallel_loop3A_82, %parallel_loop3A_86 : vector<16xf32>
      %parallel_loop3A_88 = arith.constant 5632 : i32
      %parallel_loop3A_89 = arith.addi %parallel_loop3A_88, %parallel_loop3A_35 : i32
      %parallel_loop3A_90 = arith.index_cast %parallel_loop3A_89 : i32 to index
      %parallel_loop3A_91 = tpu.vector_load %arg8[%parallel_loop3A_90] {strides = array<i32>} : memref<8192xf32, #tpu.memory_space<vmem>>, vector<16xf32>,
      %parallel_loop3A_92 = arith.addf %parallel_loop3A_87, %parallel_loop3A_91 : vector<16xf32>
      %parallel_loop3A_93 = arith.constant 6144 : i32
      %parallel_loop3A_94 = arith.addi %parallel_loop3A_93, %parallel_loop3A_35 : i32
      %parallel_loop3A_95 = arith.index_cast %parallel_loop3A_94 : i32 to index
      %parallel_loop3A_96 = tpu.vector_load %arg8[%parallel_loop3A_95] {strides = array<i32>} : memref<8192xf32, #tpu.memory_space<vmem>>, vector<16xf32>,
      %parallel_loop3A_97 = arith.addf %parallel_loop3A_92, %parallel_loop3A_96 : vector<16xf32>
      %parallel_loop3A_98 = arith.constant 6656 : i32
      %parallel_loop3A_99 = arith.addi %parallel_loop3A_98, %parallel_loop3A_35 : i32
      %parallel_loop3A_100 = arith.index_cast %parallel_loop3A_99 : i32 to index
      %parallel_loop3A_101 = tpu.vector_load %arg8[%parallel_loop3A_100] {strides = array<i32>} : memref<8192xf32, #tpu.memory_space<vmem>>, vector<16xf32>,
      %parallel_loop3A_102 = arith.addf %parallel_loop3A_97, %parallel_loop3A_101 : vector<16xf32>
      %parallel_loop3A_103 = arith.constant 7168 : i32
      %parallel_loop3A_104 = arith.addi %parallel_loop3A_103, %parallel_loop3A_35 : i32
      %parallel_loop3A_105 = arith.index_cast %parallel_loop3A_104 : i32 to index
      %parallel_loop3A_106 = tpu.vector_load %arg8[%parallel_loop3A_105] {strides = array<i32>} : memref<8192xf32, #tpu.memory_space<vmem>>, vector<16xf32>,
      %parallel_loop3A_107 = arith.addf %parallel_loop3A_102, %parallel_loop3A_106 : vector<16xf32>
      %parallel_loop3A_108 = arith.constant 7680 : i32
      %parallel_loop3A_109 = arith.addi %parallel_loop3A_108, %parallel_loop3A_35 : i32
      %parallel_loop3A_110 = arith.index_cast %parallel_loop3A_109 : i32 to index
      %parallel_loop3A_111 = tpu.vector_load %arg8[%parallel_loop3A_110] {strides = array<i32>} : memref<8192xf32, #tpu.memory_space<vmem>>, vector<16xf32>,
      %parallel_loop3A_112 = arith.addf %parallel_loop3A_107, %parallel_loop3A_111 : vector<16xf32>
      %parallel_loop3A_113 = arith.index_cast %parallel_loop3A_35 : i32 to index
      %parallel_loop3A_114 = tpu.vector_load %arg10[%parallel_loop3A_113] {strides = array<i32>} : memref<512xf32, #tpu.memory_space<vmem>>, vector<16xf32>,
      tpu.vector_store %arg10[%parallel_loop3A_113], %parallel_loop3A_112 {strides = array<i32>} : memref<512xf32, #tpu.memory_space<vmem>>, vector<16xf32>,
    } {sc.loop_unroll_factor = 2 : i64, sc.parallel_access}
    %run_scoped3A_28 = arith.constant 3 : i32
    "tpu.region"() ({
      %run_scoped3A_33 = tpu.sem_alloc : memref<!tpu.dma_semaphore, #tpu.memory_space<semaphore_mem>>
      %dma_start3A = arith.constant 0 : i32
      %dma_start3A_34 = tpu.memref_slice %arg3[%run_scoped3A_28, %add3A, %dma_start3A] : memref<5x32x512xf32, #tpu.memory_space<hbm>> -> memref<1x1x512xf32, #tpu.memory_space<hbm>>
      %dma_start3A_35 = tpu.memref_squeeze %dma_start3A_34 : memref<1x1x512xf32, #tpu.memory_space<hbm>> -> memref<512xf32, #tpu.memory_space<hbm>>
      %dma_start3A_36 = arith.constant 0 : i32
      %dma_start3A_37 = tpu.memref_slice %arg3[%run_scoped3A_28, %add3A, %dma_start3A_36] : memref<5x32x512xf32, #tpu.memory_space<hbm>> -> memref<1x1x512xf32, #tpu.memory_space<hbm>>
      %dma_start3A_38 = tpu.memref_squeeze %dma_start3A_37 : memref<1x1x512xf32, #tpu.memory_space<hbm>> -> memref<512xf32, #tpu.memory_space<hbm>>
      tpu.enqueue_dma source(%arg10 : memref<512xf32, #tpu.memory_space<vmem>>) target(%dma_start3A_38 : memref<512xf32, #tpu.memory_space<hbm>>) target_semaphore(%run_scoped3A_33 : memref<!tpu.dma_semaphore, #tpu.memory_space<semaphore_mem>>)
      %dma_wait3A = arith.constant 0 : i32
      %dma_wait3A_39 = tpu.memref_slice %arg3[%run_scoped3A_28, %add3A, %dma_wait3A] : memref<5x32x512xf32, #tpu.memory_space<hbm>> -> memref<1x1x512xf32, #tpu.memory_space<hbm>>
      %dma_wait3A_40 = tpu.memref_squeeze %dma_wait3A_39 : memref<1x1x512xf32, #tpu.memory_space<hbm>> -> memref<512xf32, #tpu.memory_space<hbm>>
      %dma_wait3A_41 = arith.constant 0 : i32
      %dma_wait3A_42 = tpu.memref_slice %arg3[%run_scoped3A_28, %add3A, %dma_wait3A_41] : memref<5x32x512xf32, #tpu.memory_space<hbm>> -> memref<1x1x512xf32, #tpu.memory_space<hbm>>
      %dma_wait3A_43 = tpu.memref_squeeze %dma_wait3A_42 : memref<1x1x512xf32, #tpu.memory_space<hbm>> -> memref<512xf32, #tpu.memory_space<hbm>>
      tpu.wait_dma2 semaphore(%run_scoped3A_33 : memref<!tpu.dma_semaphore, #tpu.memory_space<semaphore_mem>>) src(%arg10 : memref<512xf32, #tpu.memory_space<vmem>>) dst(%dma_wait3A_43 : memref<512xf32, #tpu.memory_space<hbm>>)
      tpu.yield
    }) : () -> ()
    %parallel_loop3A_29 = arith.constant 0 : i32
    %parallel_loop3A_30 = arith.constant 32 : i32
    %parallel_loop3A_31 = arith.constant 1 : i32
    scf.for %parallel_loop3A_33 = %parallel_loop3A_29 to %parallel_loop3A_30 step %parallel_loop3A_31  : i32 {
      %parallel_loop3A_34 = arith.constant 16 : i32
      %parallel_loop3A_35 = arith.muli %parallel_loop3A_33, %parallel_loop3A_34 : i32
      %parallel_loop3A_36 = arith.index_cast %parallel_loop3A_35 : i32 to index
      %parallel_loop3A_37 = tpu.vector_load %arg9[%parallel_loop3A_36] {strides = array<i32>} : memref<8192xf32, #tpu.memory_space<vmem>>, vector<16xf32>,
      %parallel_loop3A_38 = arith.constant 512 : i32
      %parallel_loop3A_39 = arith.addi %parallel_loop3A_38, %parallel_loop3A_35 : i32
      %parallel_loop3A_40 = arith.index_cast %parallel_loop3A_39 : i32 to index
      %parallel_loop3A_41 = tpu.vector_load %arg9[%parallel_loop3A_40] {strides = array<i32>} : memref<8192xf32, #tpu.memory_space<vmem>>, vector<16xf32>,
      %parallel_loop3A_42 = arith.addf %parallel_loop3A_37, %parallel_loop3A_41 : vector<16xf32>
      %parallel_loop3A_43 = arith.constant 1024 : i32
      %parallel_loop3A_44 = arith.addi %parallel_loop3A_43, %parallel_loop3A_35 : i32
      %parallel_loop3A_45 = arith.index_cast %parallel_loop3A_44 : i32 to index
      %parallel_loop3A_46 = tpu.vector_load %arg9[%parallel_loop3A_45] {strides = array<i32>} : memref<8192xf32, #tpu.memory_space<vmem>>, vector<16xf32>,
      %parallel_loop3A_47 = arith.addf %parallel_loop3A_42, %parallel_loop3A_46 : vector<16xf32>
      %parallel_loop3A_48 = arith.constant 1536 : i32
      %parallel_loop3A_49 = arith.addi %parallel_loop3A_48, %parallel_loop3A_35 : i32
      %parallel_loop3A_50 = arith.index_cast %parallel_loop3A_49 : i32 to index
      %parallel_loop3A_51 = tpu.vector_load %arg9[%parallel_loop3A_50] {strides = array<i32>} : memref<8192xf32, #tpu.memory_space<vmem>>, vector<16xf32>,
      %parallel_loop3A_52 = arith.addf %parallel_loop3A_47, %parallel_loop3A_51 : vector<16xf32>
      %parallel_loop3A_53 = arith.constant 2048 : i32
      %parallel_loop3A_54 = arith.addi %parallel_loop3A_53, %parallel_loop3A_35 : i32
      %parallel_loop3A_55 = arith.index_cast %parallel_loop3A_54 : i32 to index
      %parallel_loop3A_56 = tpu.vector_load %arg9[%parallel_loop3A_55] {strides = array<i32>} : memref<8192xf32, #tpu.memory_space<vmem>>, vector<16xf32>,
      %parallel_loop3A_57 = arith.addf %parallel_loop3A_52, %parallel_loop3A_56 : vector<16xf32>
      %parallel_loop3A_58 = arith.constant 2560 : i32
      %parallel_loop3A_59 = arith.addi %parallel_loop3A_58, %parallel_loop3A_35 : i32
      %parallel_loop3A_60 = arith.index_cast %parallel_loop3A_59 : i32 to index
      %parallel_loop3A_61 = tpu.vector_load %arg9[%parallel_loop3A_60] {strides = array<i32>} : memref<8192xf32, #tpu.memory_space<vmem>>, vector<16xf32>,
      %parallel_loop3A_62 = arith.addf %parallel_loop3A_57, %parallel_loop3A_61 : vector<16xf32>
      %parallel_loop3A_63 = arith.constant 3072 : i32
      %parallel_loop3A_64 = arith.addi %parallel_loop3A_63, %parallel_loop3A_35 : i32
      %parallel_loop3A_65 = arith.index_cast %parallel_loop3A_64 : i32 to index
      %parallel_loop3A_66 = tpu.vector_load %arg9[%parallel_loop3A_65] {strides = array<i32>} : memref<8192xf32, #tpu.memory_space<vmem>>, vector<16xf32>,
      %parallel_loop3A_67 = arith.addf %parallel_loop3A_62, %parallel_loop3A_66 : vector<16xf32>
      %parallel_loop3A_68 = arith.constant 3584 : i32
      %parallel_loop3A_69 = arith.addi %parallel_loop3A_68, %parallel_loop3A_35 : i32
      %parallel_loop3A_70 = arith.index_cast %parallel_loop3A_69 : i32 to index
      %parallel_loop3A_71 = tpu.vector_load %arg9[%parallel_loop3A_70] {strides = array<i32>} : memref<8192xf32, #tpu.memory_space<vmem>>, vector<16xf32>,
      %parallel_loop3A_72 = arith.addf %parallel_loop3A_67, %parallel_loop3A_71 : vector<16xf32>
      %parallel_loop3A_73 = arith.constant 4096 : i32
      %parallel_loop3A_74 = arith.addi %parallel_loop3A_73, %parallel_loop3A_35 : i32
      %parallel_loop3A_75 = arith.index_cast %parallel_loop3A_74 : i32 to index
      %parallel_loop3A_76 = tpu.vector_load %arg9[%parallel_loop3A_75] {strides = array<i32>} : memref<8192xf32, #tpu.memory_space<vmem>>, vector<16xf32>,
      %parallel_loop3A_77 = arith.addf %parallel_loop3A_72, %parallel_loop3A_76 : vector<16xf32>
      %parallel_loop3A_78 = arith.constant 4608 : i32
      %parallel_loop3A_79 = arith.addi %parallel_loop3A_78, %parallel_loop3A_35 : i32
      %parallel_loop3A_80 = arith.index_cast %parallel_loop3A_79 : i32 to index
      %parallel_loop3A_81 = tpu.vector_load %arg9[%parallel_loop3A_80] {strides = array<i32>} : memref<8192xf32, #tpu.memory_space<vmem>>, vector<16xf32>,
      %parallel_loop3A_82 = arith.addf %parallel_loop3A_77, %parallel_loop3A_81 : vector<16xf32>
      %parallel_loop3A_83 = arith.constant 5120 : i32
      %parallel_loop3A_84 = arith.addi %parallel_loop3A_83, %parallel_loop3A_35 : i32
      %parallel_loop3A_85 = arith.index_cast %parallel_loop3A_84 : i32 to index
      %parallel_loop3A_86 = tpu.vector_load %arg9[%parallel_loop3A_85] {strides = array<i32>} : memref<8192xf32, #tpu.memory_space<vmem>>, vector<16xf32>,
      %parallel_loop3A_87 = arith.addf %parallel_loop3A_82, %parallel_loop3A_86 : vector<16xf32>
      %parallel_loop3A_88 = arith.constant 5632 : i32
      %parallel_loop3A_89 = arith.addi %parallel_loop3A_88, %parallel_loop3A_35 : i32
      %parallel_loop3A_90 = arith.index_cast %parallel_loop3A_89 : i32 to index
      %parallel_loop3A_91 = tpu.vector_load %arg9[%parallel_loop3A_90] {strides = array<i32>} : memref<8192xf32, #tpu.memory_space<vmem>>, vector<16xf32>,
      %parallel_loop3A_92 = arith.addf %parallel_loop3A_87, %parallel_loop3A_91 : vector<16xf32>
      %parallel_loop3A_93 = arith.constant 6144 : i32
      %parallel_loop3A_94 = arith.addi %parallel_loop3A_93, %parallel_loop3A_35 : i32
      %parallel_loop3A_95 = arith.index_cast %parallel_loop3A_94 : i32 to index
      %parallel_loop3A_96 = tpu.vector_load %arg9[%parallel_loop3A_95] {strides = array<i32>} : memref<8192xf32, #tpu.memory_space<vmem>>, vector<16xf32>,
      %parallel_loop3A_97 = arith.addf %parallel_loop3A_92, %parallel_loop3A_96 : vector<16xf32>
      %parallel_loop3A_98 = arith.constant 6656 : i32
      %parallel_loop3A_99 = arith.addi %parallel_loop3A_98, %parallel_loop3A_35 : i32
      %parallel_loop3A_100 = arith.index_cast %parallel_loop3A_99 : i32 to index
      %parallel_loop3A_101 = tpu.vector_load %arg9[%parallel_loop3A_100] {strides = array<i32>} : memref<8192xf32, #tpu.memory_space<vmem>>, vector<16xf32>,
      %parallel_loop3A_102 = arith.addf %parallel_loop3A_97, %parallel_loop3A_101 : vector<16xf32>
      %parallel_loop3A_103 = arith.constant 7168 : i32
      %parallel_loop3A_104 = arith.addi %parallel_loop3A_103, %parallel_loop3A_35 : i32
      %parallel_loop3A_105 = arith.index_cast %parallel_loop3A_104 : i32 to index
      %parallel_loop3A_106 = tpu.vector_load %arg9[%parallel_loop3A_105] {strides = array<i32>} : memref<8192xf32, #tpu.memory_space<vmem>>, vector<16xf32>,
      %parallel_loop3A_107 = arith.addf %parallel_loop3A_102, %parallel_loop3A_106 : vector<16xf32>
      %parallel_loop3A_108 = arith.constant 7680 : i32
      %parallel_loop3A_109 = arith.addi %parallel_loop3A_108, %parallel_loop3A_35 : i32
      %parallel_loop3A_110 = arith.index_cast %parallel_loop3A_109 : i32 to index
      %parallel_loop3A_111 = tpu.vector_load %arg9[%parallel_loop3A_110] {strides = array<i32>} : memref<8192xf32, #tpu.memory_space<vmem>>, vector<16xf32>,
      %parallel_loop3A_112 = arith.addf %parallel_loop3A_107, %parallel_loop3A_111 : vector<16xf32>
      %parallel_loop3A_113 = arith.index_cast %parallel_loop3A_35 : i32 to index
      %parallel_loop3A_114 = tpu.vector_load %arg10[%parallel_loop3A_113] {strides = array<i32>} : memref<512xf32, #tpu.memory_space<vmem>>, vector<16xf32>,
      tpu.vector_store %arg10[%parallel_loop3A_113], %parallel_loop3A_112 {strides = array<i32>} : memref<512xf32, #tpu.memory_space<vmem>>, vector<16xf32>,
    } {sc.loop_unroll_factor = 2 : i64, sc.parallel_access}
    %run_scoped3A_32 = arith.constant 4 : i32
    "tpu.region"() ({
      %run_scoped3A_33 = tpu.sem_alloc : memref<!tpu.dma_semaphore, #tpu.memory_space<semaphore_mem>>
      %dma_start3A = arith.constant 0 : i32
      %dma_start3A_34 = tpu.memref_slice %arg3[%run_scoped3A_32, %add3A, %dma_start3A] : memref<5x32x512xf32, #tpu.memory_space<hbm>> -> memref<1x1x512xf32, #tpu.memory_space<hbm>>
      %dma_start3A_35 = tpu.memref_squeeze %dma_start3A_34 : memref<1x1x512xf32, #tpu.memory_space<hbm>> -> memref<512xf32, #tpu.memory_space<hbm>>
      %dma_start3A_36 = arith.constant 0 : i32
      %dma_start3A_37 = tpu.memref_slice %arg3[%run_scoped3A_32, %add3A, %dma_start3A_36] : memref<5x32x512xf32, #tpu.memory_space<hbm>> -> memref<1x1x512xf32, #tpu.memory_space<hbm>>
      %dma_start3A_38 = tpu.memref_squeeze %dma_start3A_37 : memref<1x1x512xf32, #tpu.memory_space<hbm>> -> memref<512xf32, #tpu.memory_space<hbm>>
      tpu.enqueue_dma source(%arg10 : memref<512xf32, #tpu.memory_space<vmem>>) target(%dma_start3A_38 : memref<512xf32, #tpu.memory_space<hbm>>) target_semaphore(%run_scoped3A_33 : memref<!tpu.dma_semaphore, #tpu.memory_space<semaphore_mem>>)
      %dma_wait3A = arith.constant 0 : i32
      %dma_wait3A_39 = tpu.memref_slice %arg3[%run_scoped3A_32, %add3A, %dma_wait3A] : memref<5x32x512xf32, #tpu.memory_space<hbm>> -> memref<1x1x512xf32, #tpu.memory_space<hbm>>
      %dma_wait3A_40 = tpu.memref_squeeze %dma_wait3A_39 : memref<1x1x512xf32, #tpu.memory_space<hbm>> -> memref<512xf32, #tpu.memory_space<hbm>>
      %dma_wait3A_41 = arith.constant 0 : i32
      %dma_wait3A_42 = tpu.memref_slice %arg3[%run_scoped3A_32, %add3A, %dma_wait3A_41] : memref<5x32x512xf32, #tpu.memory_space<hbm>> -> memref<1x1x512xf32, #tpu.memory_space<hbm>>
      %dma_wait3A_43 = tpu.memref_squeeze %dma_wait3A_42 : memref<1x1x512xf32, #tpu.memory_space<hbm>> -> memref<512xf32, #tpu.memory_space<hbm>>
      tpu.wait_dma2 semaphore(%run_scoped3A_33 : memref<!tpu.dma_semaphore, #tpu.memory_space<semaphore_mem>>) src(%arg10 : memref<512xf32, #tpu.memory_space<vmem>>) dst(%dma_wait3A_43 : memref<512xf32, #tpu.memory_space<hbm>>)
      tpu.yield
    }) : () -> ()
    return
  }
}

module attributes {stable_mosaic.version = 14 : i64} {
  func.func @_binidx_kernel(%arg0: i32, %arg1: memref<3x131072xf32, #tpu.memory_space<vmem>>, %arg2: memref<3x8xf32, #tpu.memory_space<vmem>>, %arg3: memref<131072xi32, #tpu.memory_space<vmem>>) attributes {dimension_semantics = [#tpu.dimension_semantics<arbitrary>], iteration_bounds = array<i64: 8>, scalar_prefetch = 0 : i64, scratch_operands = 0 : i64, tpu.core_type = #tpu.core_type<tc>, window_params = [{transform_indices = @transform_0, window_bounds = array<i64: 3, 131072>}, {pipeline_mode = #tpu.pipeline_mode<synchronous>, transform_indices = @transform_1, window_bounds = array<i64: 3, 8>}, {transform_indices = @transform_2, window_bounds = array<i64: 131072>}]} {
    %get3A = arith.constant 0 : index
    %get3A_0 = arith.constant 0 : index
    %get3A_1 = vector.load %arg1[%get3A, %get3A_0] : memref<3x131072xf32, #tpu.memory_space<vmem>>, vector<3x131072xf32>
    %get3A_2 = arith.constant 0 : index
    %get3A_3 = arith.constant 0 : index
    %get3A_4 = vector.load %arg2[%get3A_2, %get3A_3] : memref<3x8xf32, #tpu.memory_space<vmem>>, vector<3x8xf32>
    %broadcast_in_dim3A = arith.constant 0 : i32
    %broadcast_in_dim3A_5 = vector.broadcast %broadcast_in_dim3A : i32 to vector<3x131072xi32>
    %slice3A = vector.extract_strided_slice %get3A_4 {offsets = [0, 1], sizes = [3, 1], strides = [1, 1]} : vector<3x8xf32> to vector<3x1xf32>
    %ge3A = vector.broadcast %slice3A : vector<3x1xf32> to vector<3x131072xf32>
    %ge3A_6 = arith.cmpf oge, %get3A_1, %ge3A : vector<3x131072xf32>
    %convert_element_type3A = arith.extui %ge3A_6 : vector<3x131072xi1> to vector<3x131072xi32>
    %add3A = arith.addi %broadcast_in_dim3A_5, %convert_element_type3A : vector<3x131072xi32>
    %slice3A_7 = vector.extract_strided_slice %get3A_4 {offsets = [0, 2], sizes = [3, 1], strides = [1, 1]} : vector<3x8xf32> to vector<3x1xf32>
    %ge3A_8 = vector.broadcast %slice3A_7 : vector<3x1xf32> to vector<3x131072xf32>
    %ge3A_9 = arith.cmpf oge, %get3A_1, %ge3A_8 : vector<3x131072xf32>
    %convert_element_type3A_10 = arith.extui %ge3A_9 : vector<3x131072xi1> to vector<3x131072xi32>
    %add3A_11 = arith.addi %add3A, %convert_element_type3A_10 : vector<3x131072xi32>
    %slice3A_12 = vector.extract_strided_slice %get3A_4 {offsets = [0, 3], sizes = [3, 1], strides = [1, 1]} : vector<3x8xf32> to vector<3x1xf32>
    %ge3A_13 = vector.broadcast %slice3A_12 : vector<3x1xf32> to vector<3x131072xf32>
    %ge3A_14 = arith.cmpf oge, %get3A_1, %ge3A_13 : vector<3x131072xf32>
    %convert_element_type3A_15 = arith.extui %ge3A_14 : vector<3x131072xi1> to vector<3x131072xi32>
    %add3A_16 = arith.addi %add3A_11, %convert_element_type3A_15 : vector<3x131072xi32>
    %slice3A_17 = vector.extract_strided_slice %get3A_4 {offsets = [0, 4], sizes = [3, 1], strides = [1, 1]} : vector<3x8xf32> to vector<3x1xf32>
    %ge3A_18 = vector.broadcast %slice3A_17 : vector<3x1xf32> to vector<3x131072xf32>
    %ge3A_19 = arith.cmpf oge, %get3A_1, %ge3A_18 : vector<3x131072xf32>
    %convert_element_type3A_20 = arith.extui %ge3A_19 : vector<3x131072xi1> to vector<3x131072xi32>
    %add3A_21 = arith.addi %add3A_16, %convert_element_type3A_20 : vector<3x131072xi32>
    %slice3A_22 = vector.extract_strided_slice %get3A_4 {offsets = [0, 5], sizes = [3, 1], strides = [1, 1]} : vector<3x8xf32> to vector<3x1xf32>
    %ge3A_23 = vector.broadcast %slice3A_22 : vector<3x1xf32> to vector<3x131072xf32>
    %ge3A_24 = arith.cmpf oge, %get3A_1, %ge3A_23 : vector<3x131072xf32>
    %convert_element_type3A_25 = arith.extui %ge3A_24 : vector<3x131072xi1> to vector<3x131072xi32>
    %add3A_26 = arith.addi %add3A_21, %convert_element_type3A_25 : vector<3x131072xi32>
    %slice3A_27 = vector.extract_strided_slice %get3A_4 {offsets = [0, 6], sizes = [3, 1], strides = [1, 1]} : vector<3x8xf32> to vector<3x1xf32>
    %ge3A_28 = vector.broadcast %slice3A_27 : vector<3x1xf32> to vector<3x131072xf32>
    %ge3A_29 = arith.cmpf oge, %get3A_1, %ge3A_28 : vector<3x131072xf32>
    %convert_element_type3A_30 = arith.extui %ge3A_29 : vector<3x131072xi1> to vector<3x131072xi32>
    %add3A_31 = arith.addi %add3A_26, %convert_element_type3A_30 : vector<3x131072xi32>
    %slice3A_32 = vector.extract_strided_slice %get3A_4 {offsets = [0, 7], sizes = [3, 1], strides = [1, 1]} : vector<3x8xf32> to vector<3x1xf32>
    %ge3A_33 = vector.broadcast %slice3A_32 : vector<3x1xf32> to vector<3x131072xf32>
    %ge3A_34 = arith.cmpf oge, %get3A_1, %ge3A_33 : vector<3x131072xf32>
    %convert_element_type3A_35 = arith.extui %ge3A_34 : vector<3x131072xi1> to vector<3x131072xi32>
    %add3A_36 = arith.addi %add3A_31, %convert_element_type3A_35 : vector<3x131072xi32>
    %slice3A_37 = vector.extract_strided_slice %add3A_36 {offsets = [0, 0], sizes = [1, 131072], strides = [1, 1]} : vector<3x131072xi32> to vector<1x131072xi32>
    %mul3A = arith.constant 64 : i32
    %mul3A_38 = vector.broadcast %mul3A : i32 to vector<1x131072xi32>
    %mul3A_39 = arith.muli %slice3A_37, %mul3A_38 : vector<1x131072xi32>
    %slice3A_40 = vector.extract_strided_slice %add3A_36 {offsets = [1, 0], sizes = [1, 131072], strides = [1, 1]} : vector<3x131072xi32> to vector<1x131072xi32>
    %mul3A_41 = arith.constant 8 : i32
    %mul3A_42 = vector.broadcast %mul3A_41 : i32 to vector<1x131072xi32>
    %mul3A_43 = arith.muli %slice3A_40, %mul3A_42 : vector<1x131072xi32>
    %add3A_44 = arith.addi %mul3A_39, %mul3A_43 : vector<1x131072xi32>
    %slice3A_45 = vector.extract_strided_slice %add3A_36 {offsets = [2, 0], sizes = [1, 131072], strides = [1, 1]} : vector<3x131072xi32> to vector<1x131072xi32>
    %add3A_46 = arith.addi %add3A_44, %slice3A_45 : vector<1x131072xi32>
    %reshape3A = vector.shape_cast %add3A_46 : vector<1x131072xi32> to vector<131072xi32>
    %swap3A = arith.constant 0 : index
    %swap3A_47 = vector.load %arg3[%swap3A] : memref<131072xi32, #tpu.memory_space<vmem>>, vector<131072xi32>
    tpu.vector_store %arg3[%swap3A], %reshape3A {strides = array<i32>} : memref<131072xi32, #tpu.memory_space<vmem>>, vector<131072xi32>,
    return
  }
  func.func @transform_0(%arg0: i32) -> (i32, i32) {
    %c0_i32 = arith.constant 0 : i32
    %c0_i32_0 = arith.constant 0 : i32
    return %c0_i32, %arg0 : i32, i32
  }
  func.func @transform_1(%arg0: i32) -> (i32, i32) {
    %c0_i32 = arith.constant 0 : i32
    %c0_i32_0 = arith.constant 0 : i32
    %c0_i32_1 = arith.constant 0 : i32
    return %c0_i32, %c0_i32_0 : i32, i32
  }
  func.func @transform_2(%arg0: i32) -> i32 {
    %c0_i32 = arith.constant 0 : i32
    return %arg0 : i32
  }
}

module attributes {stable_mosaic.version = 14 : i64} {
  func.func @_minmax_kernel(%arg0: i32, %arg1: memref<3x131072xf32, #tpu.memory_space<vmem>>, %arg2: memref<3x8xf32, #tpu.memory_space<vmem>>, %arg3: memref<3x128xf32, #tpu.memory_space<vmem>>, %arg4: memref<3x128xf32, #tpu.memory_space<vmem>>) attributes {dimension_semantics = [#tpu.dimension_semantics<arbitrary>], iteration_bounds = array<i64: 8>, scalar_prefetch = 0 : i64, scratch_operands = 2 : i64, tpu.core_type = #tpu.core_type<tc>, window_params = [{transform_indices = @transform_0, window_bounds = array<i64: 3, 131072>}, {pipeline_mode = #tpu.pipeline_mode<synchronous>, transform_indices = @transform_1, window_bounds = array<i64: 3, 8>}]} {
    %get3A = arith.constant 0 : index
    %get3A_0 = arith.constant 0 : index
    %get3A_1 = vector.load %arg1[%get3A, %get3A_0] : memref<3x131072xf32, #tpu.memory_space<vmem>>, vector<3x131072xf32>
    %reduce_min3A = arith.constant dense<0x7F800000> : vector<3xf32>
    %reduce_min3A_2 = vector.multi_reduction <minimumf>, %get3A_1, %reduce_min3A [1] : vector<3x131072xf32> to vector<3xf32>
    %broadcast_in_dim3A = vector.shape_cast %reduce_min3A_2 : vector<3xf32> to vector<3x1xf32>
    %reduce_max3A = arith.constant dense<0xFF800000> : vector<3xf32>
    %reduce_max3A_3 = vector.multi_reduction <maximumf>, %get3A_1, %reduce_max3A [1] : vector<3x131072xf32> to vector<3xf32>
    %broadcast_in_dim3A_4 = vector.shape_cast %reduce_max3A_3 : vector<3xf32> to vector<3x1xf32>
    %eq3A = arith.constant 0 : i32
    %eq3A_5 = arith.cmpi eq, %arg0, %eq3A : i32
    %convert_element_type3A = arith.extui %eq3A_5 : i1 to i32
    %cond3A = arith.constant 0 : i32
    %cond3A_6 = arith.cmpi ne, %convert_element_type3A, %cond3A : i32
    scf.if %cond3A_6 {
      %broadcast_in_dim3A_16 = vector.shape_cast %broadcast_in_dim3A : vector<3x1xf32> to vector<3x1xf32>
      %broadcast_in_dim3A_17 = vector.broadcast %broadcast_in_dim3A_16 : vector<3x1xf32> to vector<3x128xf32>
      %swap3A = arith.constant 0 : index
      %swap3A_18 = arith.constant 0 : index
      %swap3A_19 = vector.load %arg3[%swap3A, %swap3A_18] : memref<3x128xf32, #tpu.memory_space<vmem>>, vector<3x128xf32>
      tpu.vector_store %arg3[%swap3A, %swap3A_18], %broadcast_in_dim3A_17 {strides = array<i32>} : memref<3x128xf32, #tpu.memory_space<vmem>>, vector<3x128xf32>,
      %broadcast_in_dim3A_20 = vector.shape_cast %broadcast_in_dim3A_4 : vector<3x1xf32> to vector<3x1xf32>
      %broadcast_in_dim3A_21 = vector.broadcast %broadcast_in_dim3A_20 : vector<3x1xf32> to vector<3x128xf32>
      %swap3A_22 = arith.constant 0 : index
      %swap3A_23 = arith.constant 0 : index
      %swap3A_24 = vector.load %arg4[%swap3A_22, %swap3A_23] : memref<3x128xf32, #tpu.memory_space<vmem>>, vector<3x128xf32>
      tpu.vector_store %arg4[%swap3A_22, %swap3A_23], %broadcast_in_dim3A_21 {strides = array<i32>} : memref<3x128xf32, #tpu.memory_space<vmem>>, vector<3x128xf32>,
    } else {
    }
    %gt3A = arith.constant 0 : i32
    %gt3A_7 = arith.cmpi sgt, %arg0, %gt3A : i32
    %convert_element_type3A_8 = arith.extui %gt3A_7 : i1 to i32
    %cond3A_9 = arith.constant 0 : i32
    %cond3A_10 = arith.cmpi ne, %convert_element_type3A_8, %cond3A_9 : i32
    scf.if %cond3A_10 {
      %get3A_16 = arith.constant 0 : index
      %get3A_17 = arith.constant 0 : index
      %get3A_18 = vector.load %arg3[%get3A_16, %get3A_17] : memref<3x128xf32, #tpu.memory_space<vmem>>, vector<3x128xf32>
      %min3A = vector.broadcast %broadcast_in_dim3A : vector<3x1xf32> to vector<3x128xf32>
      %min3A_19 = arith.minimumf %get3A_18, %min3A : vector<3x128xf32>
      %swap3A = arith.constant 0 : index
      %swap3A_20 = arith.constant 0 : index
      %swap3A_21 = vector.load %arg3[%swap3A, %swap3A_20] : memref<3x128xf32, #tpu.memory_space<vmem>>, vector<3x128xf32>
      tpu.vector_store %arg3[%swap3A, %swap3A_20], %min3A_19 {strides = array<i32>} : memref<3x128xf32, #tpu.memory_space<vmem>>, vector<3x128xf32>,
      %get3A_22 = arith.constant 0 : index
      %get3A_23 = arith.constant 0 : index
      %get3A_24 = vector.load %arg4[%get3A_22, %get3A_23] : memref<3x128xf32, #tpu.memory_space<vmem>>, vector<3x128xf32>
      %max3A = vector.broadcast %broadcast_in_dim3A_4 : vector<3x1xf32> to vector<3x128xf32>
      %max3A_25 = arith.maximumf %get3A_24, %max3A : vector<3x128xf32>
      %swap3A_26 = arith.constant 0 : index
      %swap3A_27 = arith.constant 0 : index
      %swap3A_28 = vector.load %arg4[%swap3A_26, %swap3A_27] : memref<3x128xf32, #tpu.memory_space<vmem>>, vector<3x128xf32>
      tpu.vector_store %arg4[%swap3A_26, %swap3A_27], %max3A_25 {strides = array<i32>} : memref<3x128xf32, #tpu.memory_space<vmem>>, vector<3x128xf32>,
    } else {
    }
    %eq3A_11 = arith.constant 7 : i32
    %eq3A_12 = arith.cmpi eq, %arg0, %eq3A_11 : i32
    %convert_element_type3A_13 = arith.extui %eq3A_12 : i1 to i32
    %cond3A_14 = arith.constant 0 : i32
    %cond3A_15 = arith.cmpi ne, %convert_element_type3A_13, %cond3A_14 : i32
    scf.if %cond3A_15 {
      %get3A_16 = arith.constant 0 : index
      %get3A_17 = arith.constant 0 : index
      %get3A_18 = vector.load %arg3[%get3A_16, %get3A_17] : memref<3x128xf32, #tpu.memory_space<vmem>>, vector<3x128xf32>
      %reduce_min3A_19 = arith.constant dense<0x7F800000> : vector<3xf32>
      %reduce_min3A_20 = vector.multi_reduction <minimumf>, %get3A_18, %reduce_min3A_19 [1] : vector<3x128xf32> to vector<3xf32>
      %broadcast_in_dim3A_21 = vector.shape_cast %reduce_min3A_20 : vector<3xf32> to vector<3x1xf32>
      %get3A_22 = arith.constant 0 : index
      %get3A_23 = arith.constant 0 : index
      %get3A_24 = vector.load %arg4[%get3A_22, %get3A_23] : memref<3x128xf32, #tpu.memory_space<vmem>>, vector<3x128xf32>
      %reduce_max3A_25 = arith.constant dense<0xFF800000> : vector<3xf32>
      %reduce_max3A_26 = vector.multi_reduction <maximumf>, %get3A_24, %reduce_max3A_25 [1] : vector<3x128xf32> to vector<3xf32>
      %broadcast_in_dim3A_27 = vector.shape_cast %reduce_max3A_26 : vector<3xf32> to vector<3x1xf32>
      %sub3A = arith.subf %broadcast_in_dim3A_27, %broadcast_in_dim3A_21 : vector<3x1xf32>
      %div3A = arith.constant 8.000000e+00 : f32
      %div3A_28 = vector.broadcast %div3A : f32 to vector<3x1xf32>
      %div3A_29 = arith.divf %sub3A, %div3A_28 : vector<3x1xf32>
      %iota3A = tpu.iota {dimensions = array<i32: 1>} : vector<3x8xi32>
      %convert_element_type3A_30 = arith.sitofp %iota3A : vector<3x8xi32> to vector<3x8xf32>
      %mul3A = vector.broadcast %div3A_29 : vector<3x1xf32> to vector<3x8xf32>
      %mul3A_31 = arith.mulf %mul3A, %convert_element_type3A_30 : vector<3x8xf32>
      %add3A = vector.broadcast %broadcast_in_dim3A_21 : vector<3x1xf32> to vector<3x8xf32>
      %add3A_32 = arith.addf %add3A, %mul3A_31 : vector<3x8xf32>
      %swap3A = arith.constant 0 : index
      %swap3A_33 = arith.constant 0 : index
      %swap3A_34 = vector.load %arg2[%swap3A, %swap3A_33] : memref<3x8xf32, #tpu.memory_space<vmem>>, vector<3x8xf32>
      tpu.vector_store %arg2[%swap3A, %swap3A_33], %add3A_32 {strides = array<i32>} : memref<3x8xf32, #tpu.memory_space<vmem>>, vector<3x8xf32>,
    } else {
    }
    return
  }
  func.func @transform_0(%arg0: i32) -> (i32, i32) {
    %c0_i32 = arith.constant 0 : i32
    %c0_i32_0 = arith.constant 0 : i32
    return %c0_i32, %arg0 : i32, i32
  }
  func.func @transform_1(%arg0: i32) -> (i32, i32) {
    %c0_i32 = arith.constant 0 : i32
    %c0_i32_0 = arith.constant 0 : i32
    %c0_i32_1 = arith.constant 0 : i32
    return %c0_i32, %c0_i32_0 : i32, i32
  }
}

module attributes {stable_mosaic.version = 14 : i64} {
  func.func @_dense_kernel(%arg0: memref<5x32x512xf32, #tpu.memory_space<vmem>>, %arg1: memref<512x5x32xf32, #tpu.memory_space<vmem>>, %arg2: memref<3x8xf32, #tpu.memory_space<smem>>, %arg3: memref<4xf32, #tpu.memory_space<smem>>, %arg4: memref<4x4xf32, #tpu.memory_space<smem>>, %arg5: memref<1x512xf32, #tpu.memory_space<vmem>>) attributes {dimension_semantics = [], scalar_prefetch = 0 : i64, scratch_operands = 0 : i64, tpu.core_type = #tpu.core_type<tc>} {
    %get3A = arith.constant 0 : index
    %get3A_0 = arith.constant 0 : index
    %get3A_1 = arith.constant 0 : index
    %get3A_2 = vector.load %arg0[%get3A, %get3A_0, %get3A_1] : memref<5x32x512xf32, #tpu.memory_space<vmem>>, vector<5x32x512xf32>
    %slice3A = vector.extract_strided_slice %get3A_2 {offsets = [0, 0, 0], sizes = [1, 32, 512], strides = [1, 1, 1]} : vector<5x32x512xf32> to vector<1x32x512xf32>
    %squeeze3A = vector.shape_cast %slice3A : vector<1x32x512xf32> to vector<32x512xf32>
    %reduce_sum3A = arith.constant dense<0.000000e+00> : vector<512xf32>
    %reduce_sum3A_3 = vector.multi_reduction <add>, %squeeze3A, %reduce_sum3A [0] : vector<32x512xf32> to vector<512xf32>
    %broadcast_in_dim3A = vector.shape_cast %reduce_sum3A_3 : vector<512xf32> to vector<1x512xf32>
    %slice3A_4 = vector.extract_strided_slice %get3A_2 {offsets = [1, 0, 0], sizes = [1, 32, 512], strides = [1, 1, 1]} : vector<5x32x512xf32> to vector<1x32x512xf32>
    %squeeze3A_5 = vector.shape_cast %slice3A_4 : vector<1x32x512xf32> to vector<32x512xf32>
    %reduce_sum3A_6 = arith.constant dense<0.000000e+00> : vector<512xf32>
    %reduce_sum3A_7 = vector.multi_reduction <add>, %squeeze3A_5, %reduce_sum3A_6 [0] : vector<32x512xf32> to vector<512xf32>
    %broadcast_in_dim3A_8 = vector.shape_cast %reduce_sum3A_7 : vector<512xf32> to vector<1x512xf32>
    %slice3A_9 = vector.extract_strided_slice %get3A_2 {offsets = [2, 0, 0], sizes = [1, 32, 512], strides = [1, 1, 1]} : vector<5x32x512xf32> to vector<1x32x512xf32>
    %squeeze3A_10 = vector.shape_cast %slice3A_9 : vector<1x32x512xf32> to vector<32x512xf32>
    %reduce_sum3A_11 = arith.constant dense<0.000000e+00> : vector<512xf32>
    %reduce_sum3A_12 = vector.multi_reduction <add>, %squeeze3A_10, %reduce_sum3A_11 [0] : vector<32x512xf32> to vector<512xf32>
    %broadcast_in_dim3A_13 = vector.shape_cast %reduce_sum3A_12 : vector<512xf32> to vector<1x512xf32>
    %slice3A_14 = vector.extract_strided_slice %get3A_2 {offsets = [3, 0, 0], sizes = [1, 32, 512], strides = [1, 1, 1]} : vector<5x32x512xf32> to vector<1x32x512xf32>
    %squeeze3A_15 = vector.shape_cast %slice3A_14 : vector<1x32x512xf32> to vector<32x512xf32>
    %reduce_sum3A_16 = arith.constant dense<0.000000e+00> : vector<512xf32>
    %reduce_sum3A_17 = vector.multi_reduction <add>, %squeeze3A_15, %reduce_sum3A_16 [0] : vector<32x512xf32> to vector<512xf32>
    %broadcast_in_dim3A_18 = vector.shape_cast %reduce_sum3A_17 : vector<512xf32> to vector<1x512xf32>
    %slice3A_19 = vector.extract_strided_slice %get3A_2 {offsets = [4, 0, 0], sizes = [1, 32, 512], strides = [1, 1, 1]} : vector<5x32x512xf32> to vector<1x32x512xf32>
    %squeeze3A_20 = vector.shape_cast %slice3A_19 : vector<1x32x512xf32> to vector<32x512xf32>
    %reduce_sum3A_21 = arith.constant dense<0.000000e+00> : vector<512xf32>
    %reduce_sum3A_22 = vector.multi_reduction <add>, %squeeze3A_20, %reduce_sum3A_21 [0] : vector<32x512xf32> to vector<512xf32>
    %broadcast_in_dim3A_23 = vector.shape_cast %reduce_sum3A_22 : vector<512xf32> to vector<1x512xf32>
    %get3A_24 = arith.constant 0 : index
    %get3A_25 = arith.constant 0 : index
    %get3A_26 = arith.constant 0 : index
    %get3A_27 = vector.load %arg1[%get3A_24, %get3A_25, %get3A_26] : memref<512x5x32xf32, #tpu.memory_space<vmem>>, vector<512x1x32xf32>
    %get3A_28 = vector.shape_cast %get3A_27 : vector<512x1x32xf32> to vector<512x32xf32>
    %reduce_sum3A_29 = arith.constant dense<0.000000e+00> : vector<512xf32>
    %reduce_sum3A_30 = vector.multi_reduction <add>, %get3A_28, %reduce_sum3A_29 [1] : vector<512x32xf32> to vector<512xf32>
    %broadcast_in_dim3A_31 = vector.shape_cast %reduce_sum3A_30 : vector<512xf32> to vector<512x1xf32>
    %iota3A = tpu.iota {dimensions = array<i32: 1>} : vector<1x512xi32>
    %iota3A_32 = tpu.iota {dimensions = array<i32: 0>} : vector<512x1xi32>
    %broadcast_in_dim3A_33 = arith.constant 0.000000e+00 : f32
    %broadcast_in_dim3A_34 = vector.broadcast %broadcast_in_dim3A_33 : f32 to vector<512x512xf32>
    %get3A_35 = arith.constant 0 : index
    %get3A_36 = arith.constant 0 : index
    %get3A_37 = memref.load %arg2[%get3A_35, %get3A_36] : memref<3x8xf32, #tpu.memory_space<smem>>
    %get3A_38 = arith.constant 0 : index
    %get3A_39 = arith.constant 1 : index
    %get3A_40 = memref.load %arg2[%get3A_38, %get3A_39] : memref<3x8xf32, #tpu.memory_space<smem>>
    %get3A_41 = arith.constant 0 : index
    %get3A_42 = arith.constant 0 : index
    %get3A_43 = memref.load %arg2[%get3A_41, %get3A_42] : memref<3x8xf32, #tpu.memory_space<smem>>
    %sub3A = arith.subf %get3A_40, %get3A_43 : f32
    %shift_right_logical3A = arith.constant 6 : i32
    %shift_right_logical3A_44 = vector.broadcast %shift_right_logical3A : i32 to vector<1x512xi32>
    %shift_right_logical3A_45 = arith.shrui %iota3A, %shift_right_logical3A_44 : vector<1x512xi32>
    %and3A = arith.constant 7 : i32
    %and3A_46 = vector.broadcast %and3A : i32 to vector<1x512xi32>
    %and3A_47 = arith.andi %shift_right_logical3A_45, %and3A_46 : vector<1x512xi32>
    %shift_right_logical3A_48 = arith.constant 6 : i32
    %shift_right_logical3A_49 = vector.broadcast %shift_right_logical3A_48 : i32 to vector<512x1xi32>
    %shift_right_logical3A_50 = arith.shrui %iota3A_32, %shift_right_logical3A_49 : vector<512x1xi32>
    %and3A_51 = arith.constant 7 : i32
    %and3A_52 = vector.broadcast %and3A_51 : i32 to vector<512x1xi32>
    %and3A_53 = arith.andi %shift_right_logical3A_50, %and3A_52 : vector<512x1xi32>
    %convert_element_type3A = arith.sitofp %and3A_47 : vector<1x512xi32> to vector<1x512xf32>
    %mul3A = vector.broadcast %sub3A : f32 to vector<1x512xf32>
    %mul3A_54 = arith.mulf %mul3A, %convert_element_type3A : vector<1x512xf32>
    %add3A = vector.broadcast %get3A_37 : f32 to vector<1x512xf32>
    %add3A_55 = arith.addf %add3A, %mul3A_54 : vector<1x512xf32>
    %convert_element_type3A_56 = arith.sitofp %and3A_53 : vector<512x1xi32> to vector<512x1xf32>
    %mul3A_57 = vector.broadcast %sub3A : f32 to vector<512x1xf32>
    %mul3A_58 = arith.mulf %mul3A_57, %convert_element_type3A_56 : vector<512x1xf32>
    %add3A_59 = vector.broadcast %get3A_37 : f32 to vector<512x1xf32>
    %add3A_60 = arith.addf %add3A_59, %mul3A_58 : vector<512x1xf32>
    %sub3A_61 = vector.broadcast %add3A_60 : vector<512x1xf32> to vector<512x512xf32>
    %sub3A_62 = vector.broadcast %add3A_55 : vector<1x512xf32> to vector<512x512xf32>
    %sub3A_63 = arith.subf %sub3A_61, %sub3A_62 : vector<512x512xf32>
    %mul3A_64 = arith.mulf %sub3A_63, %sub3A_63 : vector<512x512xf32>
    %add3A_65 = arith.addf %broadcast_in_dim3A_34, %mul3A_64 : vector<512x512xf32>
    %get3A_66 = arith.constant 1 : index
    %get3A_67 = arith.constant 0 : index
    %get3A_68 = memref.load %arg2[%get3A_66, %get3A_67] : memref<3x8xf32, #tpu.memory_space<smem>>
    %get3A_69 = arith.constant 1 : index
    %get3A_70 = arith.constant 1 : index
    %get3A_71 = memref.load %arg2[%get3A_69, %get3A_70] : memref<3x8xf32, #tpu.memory_space<smem>>
    %get3A_72 = arith.constant 1 : index
    %get3A_73 = arith.constant 0 : index
    %get3A_74 = memref.load %arg2[%get3A_72, %get3A_73] : memref<3x8xf32, #tpu.memory_space<smem>>
    %sub3A_75 = arith.subf %get3A_71, %get3A_74 : f32
    %shift_right_logical3A_76 = arith.constant 3 : i32
    %shift_right_logical3A_77 = vector.broadcast %shift_right_logical3A_76 : i32 to vector<1x512xi32>
    %shift_right_logical3A_78 = arith.shrui %iota3A, %shift_right_logical3A_77 : vector<1x512xi32>
    %and3A_79 = arith.constant 7 : i32
    %and3A_80 = vector.broadcast %and3A_79 : i32 to vector<1x512xi32>
    %and3A_81 = arith.andi %shift_right_logical3A_78, %and3A_80 : vector<1x512xi32>
    %shift_right_logical3A_82 = arith.constant 3 : i32
    %shift_right_logical3A_83 = vector.broadcast %shift_right_logical3A_82 : i32 to vector<512x1xi32>
    %shift_right_logical3A_84 = arith.shrui %iota3A_32, %shift_right_logical3A_83 : vector<512x1xi32>
    %and3A_85 = arith.constant 7 : i32
    %and3A_86 = vector.broadcast %and3A_85 : i32 to vector<512x1xi32>
    %and3A_87 = arith.andi %shift_right_logical3A_84, %and3A_86 : vector<512x1xi32>
    %convert_element_type3A_88 = arith.sitofp %and3A_81 : vector<1x512xi32> to vector<1x512xf32>
    %mul3A_89 = vector.broadcast %sub3A_75 : f32 to vector<1x512xf32>
    %mul3A_90 = arith.mulf %mul3A_89, %convert_element_type3A_88 : vector<1x512xf32>
    %add3A_91 = vector.broadcast %get3A_68 : f32 to vector<1x512xf32>
    %add3A_92 = arith.addf %add3A_91, %mul3A_90 : vector<1x512xf32>
    %convert_element_type3A_93 = arith.sitofp %and3A_87 : vector<512x1xi32> to vector<512x1xf32>
    %mul3A_94 = vector.broadcast %sub3A_75 : f32 to vector<512x1xf32>
    %mul3A_95 = arith.mulf %mul3A_94, %convert_element_type3A_93 : vector<512x1xf32>
    %add3A_96 = vector.broadcast %get3A_68 : f32 to vector<512x1xf32>
    %add3A_97 = arith.addf %add3A_96, %mul3A_95 : vector<512x1xf32>
    %sub3A_98 = vector.broadcast %add3A_97 : vector<512x1xf32> to vector<512x512xf32>
    %sub3A_99 = vector.broadcast %add3A_92 : vector<1x512xf32> to vector<512x512xf32>
    %sub3A_100 = arith.subf %sub3A_98, %sub3A_99 : vector<512x512xf32>
    %mul3A_101 = arith.mulf %sub3A_100, %sub3A_100 : vector<512x512xf32>
    %add3A_102 = arith.addf %add3A_65, %mul3A_101 : vector<512x512xf32>
    %get3A_103 = arith.constant 2 : index
    %get3A_104 = arith.constant 0 : index
    %get3A_105 = memref.load %arg2[%get3A_103, %get3A_104] : memref<3x8xf32, #tpu.memory_space<smem>>
    %get3A_106 = arith.constant 2 : index
    %get3A_107 = arith.constant 1 : index
    %get3A_108 = memref.load %arg2[%get3A_106, %get3A_107] : memref<3x8xf32, #tpu.memory_space<smem>>
    %get3A_109 = arith.constant 2 : index
    %get3A_110 = arith.constant 0 : index
    %get3A_111 = memref.load %arg2[%get3A_109, %get3A_110] : memref<3x8xf32, #tpu.memory_space<smem>>
    %sub3A_112 = arith.subf %get3A_108, %get3A_111 : f32
    %shift_right_logical3A_113 = arith.constant 0 : i32
    %shift_right_logical3A_114 = vector.broadcast %shift_right_logical3A_113 : i32 to vector<1x512xi32>
    %shift_right_logical3A_115 = arith.shrui %iota3A, %shift_right_logical3A_114 : vector<1x512xi32>
    %and3A_116 = arith.constant 7 : i32
    %and3A_117 = vector.broadcast %and3A_116 : i32 to vector<1x512xi32>
    %and3A_118 = arith.andi %shift_right_logical3A_115, %and3A_117 : vector<1x512xi32>
    %shift_right_logical3A_119 = arith.constant 0 : i32
    %shift_right_logical3A_120 = vector.broadcast %shift_right_logical3A_119 : i32 to vector<512x1xi32>
    %shift_right_logical3A_121 = arith.shrui %iota3A_32, %shift_right_logical3A_120 : vector<512x1xi32>
    %and3A_122 = arith.constant 7 : i32
    %and3A_123 = vector.broadcast %and3A_122 : i32 to vector<512x1xi32>
    %and3A_124 = arith.andi %shift_right_logical3A_121, %and3A_123 : vector<512x1xi32>
    %convert_element_type3A_125 = arith.sitofp %and3A_118 : vector<1x512xi32> to vector<1x512xf32>
    %mul3A_126 = vector.broadcast %sub3A_112 : f32 to vector<1x512xf32>
    %mul3A_127 = arith.mulf %mul3A_126, %convert_element_type3A_125 : vector<1x512xf32>
    %add3A_128 = vector.broadcast %get3A_105 : f32 to vector<1x512xf32>
    %add3A_129 = arith.addf %add3A_128, %mul3A_127 : vector<1x512xf32>
    %convert_element_type3A_130 = arith.sitofp %and3A_124 : vector<512x1xi32> to vector<512x1xf32>
    %mul3A_131 = vector.broadcast %sub3A_112 : f32 to vector<512x1xf32>
    %mul3A_132 = arith.mulf %mul3A_131, %convert_element_type3A_130 : vector<512x1xf32>
    %add3A_133 = vector.broadcast %get3A_105 : f32 to vector<512x1xf32>
    %add3A_134 = arith.addf %add3A_133, %mul3A_132 : vector<512x1xf32>
    %sub3A_135 = vector.broadcast %add3A_134 : vector<512x1xf32> to vector<512x512xf32>
    %sub3A_136 = vector.broadcast %add3A_129 : vector<1x512xf32> to vector<512x512xf32>
    %sub3A_137 = arith.subf %sub3A_135, %sub3A_136 : vector<512x512xf32>
    %mul3A_138 = arith.mulf %sub3A_137, %sub3A_137 : vector<512x512xf32>
    %add3A_139 = arith.addf %add3A_102, %mul3A_138 : vector<512x512xf32>
    %gt3A = arith.constant 0.000000e+00 : f32
    %gt3A_140 = vector.broadcast %gt3A : f32 to vector<1x512xf32>
    %gt3A_141 = arith.cmpf ogt, %broadcast_in_dim3A, %gt3A_140 : vector<1x512xf32>
    %convert_element_type3A_142 = arith.extui %gt3A_141 : vector<1x512xi1> to vector<1x512xi32>
    %convert_element_type3A_143 = arith.sitofp %convert_element_type3A_142 : vector<1x512xi32> to vector<1x512xf32>
    %gt3A_144 = arith.constant 0.000000e+00 : f32
    %gt3A_145 = vector.broadcast %gt3A_144 : f32 to vector<512x1xf32>
    %gt3A_146 = arith.cmpf ogt, %broadcast_in_dim3A_31, %gt3A_145 : vector<512x1xf32>
    %convert_element_type3A_147 = arith.extui %gt3A_146 : vector<512x1xi1> to vector<512x1xi32>
    %convert_element_type3A_148 = arith.sitofp %convert_element_type3A_147 : vector<512x1xi32> to vector<512x1xf32>
    %mul3A_149 = vector.broadcast %convert_element_type3A_148 : vector<512x1xf32> to vector<512x512xf32>
    %mul3A_150 = vector.broadcast %convert_element_type3A_143 : vector<1x512xf32> to vector<512x512xf32>
    %mul3A_151 = arith.mulf %mul3A_149, %mul3A_150 : vector<512x512xf32>
    %neg3A = arith.constant 0.000000e+00 : f32
    %neg3A_152 = vector.broadcast %neg3A : f32 to vector<512x512xf32>
    %neg3A_153 = arith.subf %neg3A_152, %add3A_139 : vector<512x512xf32>
    %div3A = arith.constant 5.120000e+02 : f32
    %div3A_154 = vector.broadcast %div3A : f32 to vector<512x512xf32>
    %div3A_155 = arith.divf %neg3A_153, %div3A_154 : vector<512x512xf32>
    %exp3A = math.exp %div3A_155 : vector<512x512xf32>
    %mul3A_156 = arith.mulf %exp3A, %mul3A_151 : vector<512x512xf32>
    %max3A = arith.constant 0.000000e+00 : f32
    %max3A_157 = vector.broadcast %max3A : f32 to vector<512x512xf32>
    %max3A_158 = arith.maximumf %add3A_139, %max3A_157 : vector<512x512xf32>
    %sqrt3A = math.sqrt %max3A_158 : vector<512x512xf32>
    %mul3A_159 = arith.mulf %sqrt3A, %mul3A_151 : vector<512x512xf32>
    %convert_element_type3A_160 = arith.truncf %mul3A_159 : vector<512x512xf32> to vector<512x512xbf16>
    %convert_element_type3A_161 = arith.extf %convert_element_type3A_160 : vector<512x512xbf16> to vector<512x512xf32>
    %convert_element_type3A_162 = arith.truncf %broadcast_in_dim3A : vector<1x512xf32> to vector<1x512xbf16>
    %convert_element_type3A_163 = arith.extf %convert_element_type3A_162 : vector<1x512xbf16> to vector<1x512xf32>
    %mul3A_164 = vector.broadcast %convert_element_type3A_163 : vector<1x512xf32> to vector<512x512xf32>
    %mul3A_165 = arith.mulf %convert_element_type3A_161, %mul3A_164 : vector<512x512xf32>
    %reduce_sum3A_166 = arith.constant dense<0.000000e+00> : vector<512xf32>
    %reduce_sum3A_167 = vector.multi_reduction <add>, %mul3A_165, %reduce_sum3A_166 [1] : vector<512x512xf32> to vector<512xf32>
    %broadcast_in_dim3A_168 = vector.shape_cast %reduce_sum3A_167 : vector<512xf32> to vector<512x1xf32>
    %convert_element_type3A_169 = arith.truncf %mul3A_156 : vector<512x512xf32> to vector<512x512xbf16>
    %convert_element_type3A_170 = arith.extf %convert_element_type3A_169 : vector<512x512xbf16> to vector<512x512xf32>
    %convert_element_type3A_171 = arith.truncf %broadcast_in_dim3A : vector<1x512xf32> to vector<1x512xbf16>
    %convert_element_type3A_172 = arith.extf %convert_element_type3A_171 : vector<1x512xbf16> to vector<1x512xf32>
    %mul3A_173 = vector.broadcast %convert_element_type3A_172 : vector<1x512xf32> to vector<512x512xf32>
    %mul3A_174 = arith.mulf %convert_element_type3A_170, %mul3A_173 : vector<512x512xf32>
    %reduce_sum3A_175 = arith.constant dense<0.000000e+00> : vector<512xf32>
    %reduce_sum3A_176 = vector.multi_reduction <add>, %mul3A_174, %reduce_sum3A_175 [1] : vector<512x512xf32> to vector<512xf32>
    %broadcast_in_dim3A_177 = vector.shape_cast %reduce_sum3A_176 : vector<512xf32> to vector<512x1xf32>
    %max3A_178 = arith.constant 9.99999993E-9 : f32
    %max3A_179 = vector.broadcast %max3A_178 : f32 to vector<512x1xf32>
    %max3A_180 = arith.maximumf %broadcast_in_dim3A_177, %max3A_179 : vector<512x1xf32>
    %convert_element_type3A_181 = arith.truncf %mul3A_156 : vector<512x512xf32> to vector<512x512xbf16>
    %convert_element_type3A_182 = arith.extf %convert_element_type3A_181 : vector<512x512xbf16> to vector<512x512xf32>
    %convert_element_type3A_183 = arith.truncf %broadcast_in_dim3A_8 : vector<1x512xf32> to vector<1x512xbf16>
    %convert_element_type3A_184 = arith.extf %convert_element_type3A_183 : vector<1x512xbf16> to vector<1x512xf32>
    %mul3A_185 = vector.broadcast %convert_element_type3A_184 : vector<1x512xf32> to vector<512x512xf32>
    %mul3A_186 = arith.mulf %convert_element_type3A_182, %mul3A_185 : vector<512x512xf32>
    %reduce_sum3A_187 = arith.constant dense<0.000000e+00> : vector<512xf32>
    %reduce_sum3A_188 = vector.multi_reduction <add>, %mul3A_186, %reduce_sum3A_187 [1] : vector<512x512xf32> to vector<512xf32>
    %broadcast_in_dim3A_189 = vector.shape_cast %reduce_sum3A_188 : vector<512xf32> to vector<512x1xf32>
    %div3A_190 = arith.divf %broadcast_in_dim3A_189, %max3A_180 : vector<512x1xf32>
    %convert_element_type3A_191 = arith.truncf %mul3A_156 : vector<512x512xf32> to vector<512x512xbf16>
    %convert_element_type3A_192 = arith.extf %convert_element_type3A_191 : vector<512x512xbf16> to vector<512x512xf32>
    %convert_element_type3A_193 = arith.truncf %broadcast_in_dim3A_13 : vector<1x512xf32> to vector<1x512xbf16>
    %convert_element_type3A_194 = arith.extf %convert_element_type3A_193 : vector<1x512xbf16> to vector<1x512xf32>
    %mul3A_195 = vector.broadcast %convert_element_type3A_194 : vector<1x512xf32> to vector<512x512xf32>
    %mul3A_196 = arith.mulf %convert_element_type3A_192, %mul3A_195 : vector<512x512xf32>
    %reduce_sum3A_197 = arith.constant dense<0.000000e+00> : vector<512xf32>
    %reduce_sum3A_198 = vector.multi_reduction <add>, %mul3A_196, %reduce_sum3A_197 [1] : vector<512x512xf32> to vector<512xf32>
    %broadcast_in_dim3A_199 = vector.shape_cast %reduce_sum3A_198 : vector<512xf32> to vector<512x1xf32>
    %div3A_200 = arith.divf %broadcast_in_dim3A_199, %max3A_180 : vector<512x1xf32>
    %convert_element_type3A_201 = arith.truncf %mul3A_156 : vector<512x512xf32> to vector<512x512xbf16>
    %convert_element_type3A_202 = arith.extf %convert_element_type3A_201 : vector<512x512xbf16> to vector<512x512xf32>
    %convert_element_type3A_203 = arith.truncf %broadcast_in_dim3A_18 : vector<1x512xf32> to vector<1x512xbf16>
    %convert_element_type3A_204 = arith.extf %convert_element_type3A_203 : vector<1x512xbf16> to vector<1x512xf32>
    %mul3A_205 = vector.broadcast %convert_element_type3A_204 : vector<1x512xf32> to vector<512x512xf32>
    %mul3A_206 = arith.mulf %convert_element_type3A_202, %mul3A_205 : vector<512x512xf32>
    %reduce_sum3A_207 = arith.constant dense<0.000000e+00> : vector<512xf32>
    %reduce_sum3A_208 = vector.multi_reduction <add>, %mul3A_206, %reduce_sum3A_207 [1] : vector<512x512xf32> to vector<512xf32>
    %broadcast_in_dim3A_209 = vector.shape_cast %reduce_sum3A_208 : vector<512xf32> to vector<512x1xf32>
    %div3A_210 = arith.divf %broadcast_in_dim3A_209, %max3A_180 : vector<512x1xf32>
    %convert_element_type3A_211 = arith.truncf %mul3A_156 : vector<512x512xf32> to vector<512x512xbf16>
    %convert_element_type3A_212 = arith.extf %convert_element_type3A_211 : vector<512x512xbf16> to vector<512x512xf32>
    %convert_element_type3A_213 = arith.truncf %broadcast_in_dim3A_23 : vector<1x512xf32> to vector<1x512xbf16>
    %convert_element_type3A_214 = arith.extf %convert_element_type3A_213 : vector<1x512xbf16> to vector<1x512xf32>
    %mul3A_215 = vector.broadcast %convert_element_type3A_214 : vector<1x512xf32> to vector<512x512xf32>
    %mul3A_216 = arith.mulf %convert_element_type3A_212, %mul3A_215 : vector<512x512xf32>
    %reduce_sum3A_217 = arith.constant dense<0.000000e+00> : vector<512xf32>
    %reduce_sum3A_218 = vector.multi_reduction <add>, %mul3A_216, %reduce_sum3A_217 [1] : vector<512x512xf32> to vector<512xf32>
    %broadcast_in_dim3A_219 = vector.shape_cast %reduce_sum3A_218 : vector<512xf32> to vector<512x1xf32>
    %div3A_220 = arith.divf %broadcast_in_dim3A_219, %max3A_180 : vector<512x1xf32>
    %mul3A_221 = arith.mulf %div3A_190, %div3A_190 : vector<512x1xf32>
    %sub3A_222 = arith.subf %div3A_210, %mul3A_221 : vector<512x1xf32>
    %max3A_223 = arith.constant 0.000000e+00 : f32
    %max3A_224 = vector.broadcast %max3A_223 : f32 to vector<512x1xf32>
    %max3A_225 = arith.maximumf %sub3A_222, %max3A_224 : vector<512x1xf32>
    %mul3A_226 = arith.mulf %div3A_200, %div3A_200 : vector<512x1xf32>
    %sub3A_227 = arith.subf %div3A_220, %mul3A_226 : vector<512x1xf32>
    %max3A_228 = arith.constant 0.000000e+00 : f32
    %max3A_229 = vector.broadcast %max3A_228 : f32 to vector<512x1xf32>
    %max3A_230 = arith.maximumf %sub3A_227, %max3A_229 : vector<512x1xf32>
    %mul3A_231 = arith.constant 1.200000e+01 : f32
    %mul3A_232 = vector.broadcast %mul3A_231 : f32 to vector<512x1xf32>
    %mul3A_233 = arith.mulf %mul3A_232, %max3A_225 : vector<512x1xf32>
    %sqrt3A_234 = math.sqrt %mul3A_233 : vector<512x1xf32>
    %div3A_235 = arith.constant 1.024000e+03 : f32
    %div3A_236 = vector.broadcast %div3A_235 : f32 to vector<512x1xf32>
    %div3A_237 = arith.divf %sqrt3A_234, %div3A_236 : vector<512x1xf32>
    %mul3A_238 = arith.constant 1.200000e+01 : f32
    %mul3A_239 = vector.broadcast %mul3A_238 : f32 to vector<512x1xf32>
    %mul3A_240 = arith.mulf %mul3A_239, %max3A_230 : vector<512x1xf32>
    %sqrt3A_241 = math.sqrt %mul3A_240 : vector<512x1xf32>
    %div3A_242 = arith.constant 1.024000e+03 : f32
    %div3A_243 = vector.broadcast %div3A_242 : f32 to vector<512x1xf32>
    %div3A_244 = arith.divf %sqrt3A_241, %div3A_243 : vector<512x1xf32>
    %sub3A_245 = arith.constant 5.120000e+02 : f32
    %sub3A_246 = vector.broadcast %sub3A_245 : f32 to vector<512x1xf32>
    %sub3A_247 = arith.subf %div3A_190, %sub3A_246 : vector<512x1xf32>
    %div3A_248 = arith.constant 1.024000e+03 : f32
    %div3A_249 = vector.broadcast %div3A_248 : f32 to vector<512x1xf32>
    %div3A_250 = arith.divf %sub3A_247, %div3A_249 : vector<512x1xf32>
    %sub3A_251 = arith.constant 5.120000e+02 : f32
    %sub3A_252 = vector.broadcast %sub3A_251 : f32 to vector<512x1xf32>
    %sub3A_253 = arith.subf %div3A_200, %sub3A_252 : vector<512x1xf32>
    %div3A_254 = arith.constant 1.024000e+03 : f32
    %div3A_255 = vector.broadcast %div3A_254 : f32 to vector<512x1xf32>
    %div3A_256 = arith.divf %sub3A_253, %div3A_255 : vector<512x1xf32>
    %get3A_257 = arith.constant 0 : index
    %get3A_258 = memref.load %arg3[%get3A_257] : memref<4xf32, #tpu.memory_space<smem>>
    %sub3A_259 = vector.broadcast %get3A_258 : f32 to vector<512x1xf32>
    %sub3A_260 = arith.subf %div3A_237, %sub3A_259 : vector<512x1xf32>
    %get3A_261 = arith.constant 1 : index
    %get3A_262 = memref.load %arg3[%get3A_261] : memref<4xf32, #tpu.memory_space<smem>>
    %sub3A_263 = vector.broadcast %get3A_262 : f32 to vector<512x1xf32>
    %sub3A_264 = arith.subf %div3A_244, %sub3A_263 : vector<512x1xf32>
    %get3A_265 = arith.constant 2 : index
    %get3A_266 = memref.load %arg3[%get3A_265] : memref<4xf32, #tpu.memory_space<smem>>
    %sub3A_267 = vector.broadcast %get3A_266 : f32 to vector<512x1xf32>
    %sub3A_268 = arith.subf %div3A_250, %sub3A_267 : vector<512x1xf32>
    %get3A_269 = arith.constant 3 : index
    %get3A_270 = memref.load %arg3[%get3A_269] : memref<4xf32, #tpu.memory_space<smem>>
    %sub3A_271 = vector.broadcast %get3A_270 : f32 to vector<512x1xf32>
    %sub3A_272 = arith.subf %div3A_256, %sub3A_271 : vector<512x1xf32>
    %broadcast_in_dim3A_273 = arith.constant 0.000000e+00 : f32
    %broadcast_in_dim3A_274 = vector.broadcast %broadcast_in_dim3A_273 : f32 to vector<512x1xf32>
    %convert_element_type3A_275 = arith.truncf %sub3A_260 : vector<512x1xf32> to vector<512x1xbf16>
    %convert_element_type3A_276 = arith.extf %convert_element_type3A_275 : vector<512x1xbf16> to vector<512x1xf32>
    %get3A_277 = arith.constant 0 : index
    %get3A_278 = arith.constant 0 : index
    %get3A_279 = memref.load %arg4[%get3A_277, %get3A_278] : memref<4x4xf32, #tpu.memory_space<smem>>
    %convert_element_type3A_280 = arith.truncf %get3A_279 : f32 to bf16
    %convert_element_type3A_281 = arith.extf %convert_element_type3A_280 : bf16 to f32
    %mul3A_282 = vector.broadcast %convert_element_type3A_281 : f32 to vector<512x1xf32>
    %mul3A_283 = arith.mulf %convert_element_type3A_276, %mul3A_282 : vector<512x1xf32>
    %convert_element_type3A_284 = arith.truncf %sub3A_264 : vector<512x1xf32> to vector<512x1xbf16>
    %convert_element_type3A_285 = arith.extf %convert_element_type3A_284 : vector<512x1xbf16> to vector<512x1xf32>
    %get3A_286 = arith.constant 1 : index
    %get3A_287 = arith.constant 0 : index
    %get3A_288 = memref.load %arg4[%get3A_286, %get3A_287] : memref<4x4xf32, #tpu.memory_space<smem>>
    %convert_element_type3A_289 = arith.truncf %get3A_288 : f32 to bf16
    %convert_element_type3A_290 = arith.extf %convert_element_type3A_289 : bf16 to f32
    %mul3A_291 = vector.broadcast %convert_element_type3A_290 : f32 to vector<512x1xf32>
    %mul3A_292 = arith.mulf %convert_element_type3A_285, %mul3A_291 : vector<512x1xf32>
    %add3A_293 = arith.addf %mul3A_283, %mul3A_292 : vector<512x1xf32>
    %convert_element_type3A_294 = arith.truncf %sub3A_268 : vector<512x1xf32> to vector<512x1xbf16>
    %convert_element_type3A_295 = arith.extf %convert_element_type3A_294 : vector<512x1xbf16> to vector<512x1xf32>
    %get3A_296 = arith.constant 2 : index
    %get3A_297 = arith.constant 0 : index
    %get3A_298 = memref.load %arg4[%get3A_296, %get3A_297] : memref<4x4xf32, #tpu.memory_space<smem>>
    %convert_element_type3A_299 = arith.truncf %get3A_298 : f32 to bf16
    %convert_element_type3A_300 = arith.extf %convert_element_type3A_299 : bf16 to f32
    %mul3A_301 = vector.broadcast %convert_element_type3A_300 : f32 to vector<512x1xf32>
    %mul3A_302 = arith.mulf %convert_element_type3A_295, %mul3A_301 : vector<512x1xf32>
    %add3A_303 = arith.addf %add3A_293, %mul3A_302 : vector<512x1xf32>
    %convert_element_type3A_304 = arith.truncf %sub3A_272 : vector<512x1xf32> to vector<512x1xbf16>
    %convert_element_type3A_305 = arith.extf %convert_element_type3A_304 : vector<512x1xbf16> to vector<512x1xf32>
    %get3A_306 = arith.constant 3 : index
    %get3A_307 = arith.constant 0 : index
    %get3A_308 = memref.load %arg4[%get3A_306, %get3A_307] : memref<4x4xf32, #tpu.memory_space<smem>>
    %convert_element_type3A_309 = arith.truncf %get3A_308 : f32 to bf16
    %convert_element_type3A_310 = arith.extf %convert_element_type3A_309 : bf16 to f32
    %mul3A_311 = vector.broadcast %convert_element_type3A_310 : f32 to vector<512x1xf32>
    %mul3A_312 = arith.mulf %convert_element_type3A_305, %mul3A_311 : vector<512x1xf32>
    %add3A_313 = arith.addf %add3A_303, %mul3A_312 : vector<512x1xf32>
    %mul3A_314 = arith.mulf %add3A_313, %sub3A_260 : vector<512x1xf32>
    %add3A_315 = arith.addf %broadcast_in_dim3A_274, %mul3A_314 : vector<512x1xf32>
    %convert_element_type3A_316 = arith.truncf %sub3A_260 : vector<512x1xf32> to vector<512x1xbf16>
    %convert_element_type3A_317 = arith.extf %convert_element_type3A_316 : vector<512x1xbf16> to vector<512x1xf32>
    %get3A_318 = arith.constant 0 : index
    %get3A_319 = arith.constant 1 : index
    %get3A_320 = memref.load %arg4[%get3A_318, %get3A_319] : memref<4x4xf32, #tpu.memory_space<smem>>
    %convert_element_type3A_321 = arith.truncf %get3A_320 : f32 to bf16
    %convert_element_type3A_322 = arith.extf %convert_element_type3A_321 : bf16 to f32
    %mul3A_323 = vector.broadcast %convert_element_type3A_322 : f32 to vector<512x1xf32>
    %mul3A_324 = arith.mulf %convert_element_type3A_317, %mul3A_323 : vector<512x1xf32>
    %convert_element_type3A_325 = arith.truncf %sub3A_264 : vector<512x1xf32> to vector<512x1xbf16>
    %convert_element_type3A_326 = arith.extf %convert_element_type3A_325 : vector<512x1xbf16> to vector<512x1xf32>
    %get3A_327 = arith.constant 1 : index
    %get3A_328 = arith.constant 1 : index
    %get3A_329 = memref.load %arg4[%get3A_327, %get3A_328] : memref<4x4xf32, #tpu.memory_space<smem>>
    %convert_element_type3A_330 = arith.truncf %get3A_329 : f32 to bf16
    %convert_element_type3A_331 = arith.extf %convert_element_type3A_330 : bf16 to f32
    %mul3A_332 = vector.broadcast %convert_element_type3A_331 : f32 to vector<512x1xf32>
    %mul3A_333 = arith.mulf %convert_element_type3A_326, %mul3A_332 : vector<512x1xf32>
    %add3A_334 = arith.addf %mul3A_324, %mul3A_333 : vector<512x1xf32>
    %convert_element_type3A_335 = arith.truncf %sub3A_268 : vector<512x1xf32> to vector<512x1xbf16>
    %convert_element_type3A_336 = arith.extf %convert_element_type3A_335 : vector<512x1xbf16> to vector<512x1xf32>
    %get3A_337 = arith.constant 2 : index
    %get3A_338 = arith.constant 1 : index
    %get3A_339 = memref.load %arg4[%get3A_337, %get3A_338] : memref<4x4xf32, #tpu.memory_space<smem>>
    %convert_element_type3A_340 = arith.truncf %get3A_339 : f32 to bf16
    %convert_element_type3A_341 = arith.extf %convert_element_type3A_340 : bf16 to f32
    %mul3A_342 = vector.broadcast %convert_element_type3A_341 : f32 to vector<512x1xf32>
    %mul3A_343 = arith.mulf %convert_element_type3A_336, %mul3A_342 : vector<512x1xf32>
    %add3A_344 = arith.addf %add3A_334, %mul3A_343 : vector<512x1xf32>
    %convert_element_type3A_345 = arith.truncf %sub3A_272 : vector<512x1xf32> to vector<512x1xbf16>
    %convert_element_type3A_346 = arith.extf %convert_element_type3A_345 : vector<512x1xbf16> to vector<512x1xf32>
    %get3A_347 = arith.constant 3 : index
    %get3A_348 = arith.constant 1 : index
    %get3A_349 = memref.load %arg4[%get3A_347, %get3A_348] : memref<4x4xf32, #tpu.memory_space<smem>>
    %convert_element_type3A_350 = arith.truncf %get3A_349 : f32 to bf16
    %convert_element_type3A_351 = arith.extf %convert_element_type3A_350 : bf16 to f32
    %mul3A_352 = vector.broadcast %convert_element_type3A_351 : f32 to vector<512x1xf32>
    %mul3A_353 = arith.mulf %convert_element_type3A_346, %mul3A_352 : vector<512x1xf32>
    %add3A_354 = arith.addf %add3A_344, %mul3A_353 : vector<512x1xf32>
    %mul3A_355 = arith.mulf %add3A_354, %sub3A_264 : vector<512x1xf32>
    %add3A_356 = arith.addf %add3A_315, %mul3A_355 : vector<512x1xf32>
    %convert_element_type3A_357 = arith.truncf %sub3A_260 : vector<512x1xf32> to vector<512x1xbf16>
    %convert_element_type3A_358 = arith.extf %convert_element_type3A_357 : vector<512x1xbf16> to vector<512x1xf32>
    %get3A_359 = arith.constant 0 : index
    %get3A_360 = arith.constant 2 : index
    %get3A_361 = memref.load %arg4[%get3A_359, %get3A_360] : memref<4x4xf32, #tpu.memory_space<smem>>
    %convert_element_type3A_362 = arith.truncf %get3A_361 : f32 to bf16
    %convert_element_type3A_363 = arith.extf %convert_element_type3A_362 : bf16 to f32
    %mul3A_364 = vector.broadcast %convert_element_type3A_363 : f32 to vector<512x1xf32>
    %mul3A_365 = arith.mulf %convert_element_type3A_358, %mul3A_364 : vector<512x1xf32>
    %convert_element_type3A_366 = arith.truncf %sub3A_264 : vector<512x1xf32> to vector<512x1xbf16>
    %convert_element_type3A_367 = arith.extf %convert_element_type3A_366 : vector<512x1xbf16> to vector<512x1xf32>
    %get3A_368 = arith.constant 1 : index
    %get3A_369 = arith.constant 2 : index
    %get3A_370 = memref.load %arg4[%get3A_368, %get3A_369] : memref<4x4xf32, #tpu.memory_space<smem>>
    %convert_element_type3A_371 = arith.truncf %get3A_370 : f32 to bf16
    %convert_element_type3A_372 = arith.extf %convert_element_type3A_371 : bf16 to f32
    %mul3A_373 = vector.broadcast %convert_element_type3A_372 : f32 to vector<512x1xf32>
    %mul3A_374 = arith.mulf %convert_element_type3A_367, %mul3A_373 : vector<512x1xf32>
    %add3A_375 = arith.addf %mul3A_365, %mul3A_374 : vector<512x1xf32>
    %convert_element_type3A_376 = arith.truncf %sub3A_268 : vector<512x1xf32> to vector<512x1xbf16>
    %convert_element_type3A_377 = arith.extf %convert_element_type3A_376 : vector<512x1xbf16> to vector<512x1xf32>
    %get3A_378 = arith.constant 2 : index
    %get3A_379 = arith.constant 2 : index
    %get3A_380 = memref.load %arg4[%get3A_378, %get3A_379] : memref<4x4xf32, #tpu.memory_space<smem>>
    %convert_element_type3A_381 = arith.truncf %get3A_380 : f32 to bf16
    %convert_element_type3A_382 = arith.extf %convert_element_type3A_381 : bf16 to f32
    %mul3A_383 = vector.broadcast %convert_element_type3A_382 : f32 to vector<512x1xf32>
    %mul3A_384 = arith.mulf %convert_element_type3A_377, %mul3A_383 : vector<512x1xf32>
    %add3A_385 = arith.addf %add3A_375, %mul3A_384 : vector<512x1xf32>
    %convert_element_type3A_386 = arith.truncf %sub3A_272 : vector<512x1xf32> to vector<512x1xbf16>
    %convert_element_type3A_387 = arith.extf %convert_element_type3A_386 : vector<512x1xbf16> to vector<512x1xf32>
    %get3A_388 = arith.constant 3 : index
    %get3A_389 = arith.constant 2 : index
    %get3A_390 = memref.load %arg4[%get3A_388, %get3A_389] : memref<4x4xf32, #tpu.memory_space<smem>>
    %convert_element_type3A_391 = arith.truncf %get3A_390 : f32 to bf16
    %convert_element_type3A_392 = arith.extf %convert_element_type3A_391 : bf16 to f32
    %mul3A_393 = vector.broadcast %convert_element_type3A_392 : f32 to vector<512x1xf32>
    %mul3A_394 = arith.mulf %convert_element_type3A_387, %mul3A_393 : vector<512x1xf32>
    %add3A_395 = arith.addf %add3A_385, %mul3A_394 : vector<512x1xf32>
    %mul3A_396 = arith.mulf %add3A_395, %sub3A_268 : vector<512x1xf32>
    %add3A_397 = arith.addf %add3A_356, %mul3A_396 : vector<512x1xf32>
    %convert_element_type3A_398 = arith.truncf %sub3A_260 : vector<512x1xf32> to vector<512x1xbf16>
    %convert_element_type3A_399 = arith.extf %convert_element_type3A_398 : vector<512x1xbf16> to vector<512x1xf32>
    %get3A_400 = arith.constant 0 : index
    %get3A_401 = arith.constant 3 : index
    %get3A_402 = memref.load %arg4[%get3A_400, %get3A_401] : memref<4x4xf32, #tpu.memory_space<smem>>
    %convert_element_type3A_403 = arith.truncf %get3A_402 : f32 to bf16
    %convert_element_type3A_404 = arith.extf %convert_element_type3A_403 : bf16 to f32
    %mul3A_405 = vector.broadcast %convert_element_type3A_404 : f32 to vector<512x1xf32>
    %mul3A_406 = arith.mulf %convert_element_type3A_399, %mul3A_405 : vector<512x1xf32>
    %convert_element_type3A_407 = arith.truncf %sub3A_264 : vector<512x1xf32> to vector<512x1xbf16>
    %convert_element_type3A_408 = arith.extf %convert_element_type3A_407 : vector<512x1xbf16> to vector<512x1xf32>
    %get3A_409 = arith.constant 1 : index
    %get3A_410 = arith.constant 3 : index
    %get3A_411 = memref.load %arg4[%get3A_409, %get3A_410] : memref<4x4xf32, #tpu.memory_space<smem>>
    %convert_element_type3A_412 = arith.truncf %get3A_411 : f32 to bf16
    %convert_element_type3A_413 = arith.extf %convert_element_type3A_412 : bf16 to f32
    %mul3A_414 = vector.broadcast %convert_element_type3A_413 : f32 to vector<512x1xf32>
    %mul3A_415 = arith.mulf %convert_element_type3A_408, %mul3A_414 : vector<512x1xf32>
    %add3A_416 = arith.addf %mul3A_406, %mul3A_415 : vector<512x1xf32>
    %convert_element_type3A_417 = arith.truncf %sub3A_268 : vector<512x1xf32> to vector<512x1xbf16>
    %convert_element_type3A_418 = arith.extf %convert_element_type3A_417 : vector<512x1xbf16> to vector<512x1xf32>
    %get3A_419 = arith.constant 2 : index
    %get3A_420 = arith.constant 3 : index
    %get3A_421 = memref.load %arg4[%get3A_419, %get3A_420] : memref<4x4xf32, #tpu.memory_space<smem>>
    %convert_element_type3A_422 = arith.truncf %get3A_421 : f32 to bf16
    %convert_element_type3A_423 = arith.extf %convert_element_type3A_422 : bf16 to f32
    %mul3A_424 = vector.broadcast %convert_element_type3A_423 : f32 to vector<512x1xf32>
    %mul3A_425 = arith.mulf %convert_element_type3A_418, %mul3A_424 : vector<512x1xf32>
    %add3A_426 = arith.addf %add3A_416, %mul3A_425 : vector<512x1xf32>
    %convert_element_type3A_427 = arith.truncf %sub3A_272 : vector<512x1xf32> to vector<512x1xbf16>
    %convert_element_type3A_428 = arith.extf %convert_element_type3A_427 : vector<512x1xbf16> to vector<512x1xf32>
    %get3A_429 = arith.constant 3 : index
    %get3A_430 = arith.constant 3 : index
    %get3A_431 = memref.load %arg4[%get3A_429, %get3A_430] : memref<4x4xf32, #tpu.memory_space<smem>>
    %convert_element_type3A_432 = arith.truncf %get3A_431 : f32 to bf16
    %convert_element_type3A_433 = arith.extf %convert_element_type3A_432 : bf16 to f32
    %mul3A_434 = vector.broadcast %convert_element_type3A_433 : f32 to vector<512x1xf32>
    %mul3A_435 = arith.mulf %convert_element_type3A_428, %mul3A_434 : vector<512x1xf32>
    %add3A_436 = arith.addf %add3A_426, %mul3A_435 : vector<512x1xf32>
    %mul3A_437 = arith.mulf %add3A_436, %sub3A_272 : vector<512x1xf32>
    %add3A_438 = arith.addf %add3A_397, %mul3A_437 : vector<512x1xf32>
    %neg3A_439 = arith.constant 0.000000e+00 : f32
    %neg3A_440 = vector.broadcast %neg3A_439 : f32 to vector<512x1xf32>
    %neg3A_441 = arith.subf %neg3A_440, %add3A_438 : vector<512x1xf32>
    %div3A_442 = arith.constant 2.000000e+00 : f32
    %div3A_443 = vector.broadcast %div3A_442 : f32 to vector<512x1xf32>
    %div3A_444 = arith.divf %neg3A_441, %div3A_443 : vector<512x1xf32>
    %exp3A_445 = math.exp %div3A_444 : vector<512x1xf32>
    %mul3A_446 = arith.mulf %broadcast_in_dim3A_168, %exp3A_445 : vector<512x1xf32>
    %mul3A_447 = arith.mulf %mul3A_446, %convert_element_type3A_148 : vector<512x1xf32>
    %convert_element_type3A_448 = arith.truncf %mul3A_156 : vector<512x512xf32> to vector<512x512xbf16>
    %convert_element_type3A_449 = arith.extf %convert_element_type3A_448 : vector<512x512xbf16> to vector<512x512xf32>
    %convert_element_type3A_450 = arith.truncf %mul3A_447 : vector<512x1xf32> to vector<512x1xbf16>
    %convert_element_type3A_451 = arith.extf %convert_element_type3A_450 : vector<512x1xbf16> to vector<512x1xf32>
    %mul3A_452 = vector.broadcast %convert_element_type3A_451 : vector<512x1xf32> to vector<512x512xf32>
    %mul3A_453 = arith.mulf %convert_element_type3A_449, %mul3A_452 : vector<512x512xf32>
    %reduce_sum3A_454 = arith.constant dense<0.000000e+00> : vector<512xf32>
    %reduce_sum3A_455 = vector.multi_reduction <add>, %mul3A_453, %reduce_sum3A_454 [0] : vector<512x512xf32> to vector<512xf32>
    %broadcast_in_dim3A_456 = vector.shape_cast %reduce_sum3A_455 : vector<512xf32> to vector<1x512xf32>
    %reduce_sum3A_457 = arith.constant dense<0.000000e+00> : vector<512xf32>
    %reduce_sum3A_458 = vector.multi_reduction <add>, %mul3A_156, %reduce_sum3A_457 [0] : vector<512x512xf32> to vector<512xf32>
    %broadcast_in_dim3A_459 = vector.shape_cast %reduce_sum3A_458 : vector<512xf32> to vector<1x512xf32>
    %max3A_460 = arith.constant 9.99999993E-9 : f32
    %max3A_461 = vector.broadcast %max3A_460 : f32 to vector<1x512xf32>
    %max3A_462 = arith.maximumf %broadcast_in_dim3A_459, %max3A_461 : vector<1x512xf32>
    %div3A_463 = arith.divf %broadcast_in_dim3A_456, %max3A_462 : vector<1x512xf32>
    %gt3A_464 = arith.constant 0.000000e+00 : f32
    %gt3A_465 = vector.broadcast %gt3A_464 : f32 to vector<1x512xf32>
    %gt3A_466 = arith.cmpf ogt, %broadcast_in_dim3A, %gt3A_465 : vector<1x512xf32>
    %jit3A = arith.constant 0x7F800000 : f32
    %broadcast_in_dim3A_467 = vector.broadcast %jit3A : f32 to vector<1x512xf32>
    %select_n3A = arith.select %gt3A_466, %div3A_463, %broadcast_in_dim3A_467 : vector<1x512xi1>, vector<1x512xf32>
    %reduce_min3A = vector.shape_cast %select_n3A : vector<1x512xf32> to vector<1x1x512xf32>
    %reduce_min3A_468 = arith.constant dense<0x7F800000> : vector<1xf32>
    %reduce_min3A_469 = vector.multi_reduction <minimumf>, %reduce_min3A, %reduce_min3A_468 [1, 2] : vector<1x1x512xf32> to vector<1xf32>
    %reduce_min3A_470 = vector.shape_cast %reduce_min3A_469 : vector<1xf32> to vector<1x1x1xf32>
    %reduce_min3A_471 = vector.extract %reduce_min3A_470[0, 0, 0] : f32 from vector<1x1x1xf32>
    %jit3A_472 = arith.constant 0xFF800000 : f32
    %broadcast_in_dim3A_473 = vector.broadcast %jit3A_472 : f32 to vector<1x512xf32>
    %select_n3A_474 = arith.select %gt3A_466, %div3A_463, %broadcast_in_dim3A_473 : vector<1x512xi1>, vector<1x512xf32>
    %reduce_max3A = vector.shape_cast %select_n3A_474 : vector<1x512xf32> to vector<1x1x512xf32>
    %reduce_max3A_475 = arith.constant dense<0xFF800000> : vector<1xf32>
    %reduce_max3A_476 = vector.multi_reduction <maximumf>, %reduce_max3A, %reduce_max3A_475 [1, 2] : vector<1x1x512xf32> to vector<1xf32>
    %reduce_max3A_477 = vector.shape_cast %reduce_max3A_476 : vector<1xf32> to vector<1x1x1xf32>
    %reduce_max3A_478 = vector.extract %reduce_max3A_477[0, 0, 0] : f32 from vector<1x1x1xf32>
    %sub3A_479 = arith.subf %reduce_max3A_478, %reduce_min3A_471 : f32
    %max3A_480 = arith.constant 9.99999993E-9 : f32
    %max3A_481 = arith.maximumf %sub3A_479, %max3A_480 : f32
    %div3A_482 = arith.constant 2.550000e+02 : f32
    %div3A_483 = arith.divf %div3A_482, %max3A_481 : f32
    %gt3A_484 = arith.cmpf ogt, %reduce_max3A_478, %reduce_min3A_471 : f32
    %sub3A_485 = vector.broadcast %reduce_min3A_471 : f32 to vector<1x512xf32>
    %sub3A_486 = arith.subf %div3A_463, %sub3A_485 : vector<1x512xf32>
    %mul3A_487 = vector.broadcast %div3A_483 : f32 to vector<1x512xf32>
    %mul3A_488 = arith.mulf %mul3A_487, %sub3A_486 : vector<1x512xf32>
    %broadcast_in_dim3A_489 = arith.constant 0.000000e+00 : f32
    %broadcast_in_dim3A_490 = vector.broadcast %broadcast_in_dim3A_489 : f32 to vector<1x512xf32>
    %select_n3A_491 = arith.select %gt3A_484, %mul3A_488, %broadcast_in_dim3A_490 : vector<1x512xf32>
    %mul3A_492 = arith.mulf %select_n3A_491, %convert_element_type3A_143 : vector<1x512xf32>
    %swap3A = arith.constant 0 : index
    %swap3A_493 = arith.constant 0 : index
    %swap3A_494 = vector.load %arg5[%swap3A, %swap3A_493] : memref<1x512xf32, #tpu.memory_space<vmem>>, vector<1x512xf32>
    tpu.vector_store %arg5[%swap3A, %swap3A_493], %mul3A_492 {strides = array<i32>} : memref<1x512xf32, #tpu.memory_space<vmem>>, vector<1x512xf32>,
    return
  }
}

</mosaic_0001>

<sc_bundles>
// kernel: kernel.10.cloned.1.call-start
scs
__scs_entry_jumppad:
0x0: {  	(pc) =	sbr.rel $0x88, $3  }
0x1: {  	(tag) =	ssettag $0x0;
	lr =	simm.s32 $0x1  }
0x2: {  	[smem:$0x3F9E] =	sst lr;
	_ =	strace $0xD0000000  }
0x3: {  	_ = 	snop  }
0x4: {  	_ = 	snop  }
0x5: {  	_ = 	snop  }
0x6: {  	_ = 	snop  }
0x7: {  	_ = 	snop  }
__scs_overlays_trampoline_lowered:
0x8: {  	[smem:$0x3FAD] =	sst s0  }
0x9: {  	[smem:$0x3FAE] =	sst s1  }
0xa: {  	[smem:$0x3FAF] =	sst s2  }
0xb: {  	[smem:$0x3FB0] =	sst s3  }
0xc: {  	[smem:$0x3FB1] =	sst s4  }
0xd: {  	[smem:$0x3FB2] =	sst s5  }
0xe: {  	[smem:$0x3FB3] =	sst s6  }
0xf: {  	[smem:$0x3FB4] =	sst s7  }
0x10: {  	[smem:$0x3FB5] =	sst s8  }
0x11: {  	[smem:$0x3FB6] =	sst s9;
	s0 =	simm.s32 @!p0 $0x0  }
0x12: {  	s1 =	sld [smem:$0x3F9C];
	s0 =	simm.s32 @p0 $0x1  }
0x13: {  	[smem:$0x3FB7] =	sst s0;
	s0 =	simm.s32 @!p1 $0x0  }
0x14: {  	s2 =	sld [smem:$0x3F9B];
	s0 =	simm.s32 @p1 $0x1  }
0x15: {  	[smem:$0x3FB8] =	sst s0;
	s0 =	simm.s32 @!p2 $0x0  }
0x16: {  	s3 =	sld [smem:$0x3FDB];
	s0 =	simm.s32 @p2 $0x1  }
0x17: {  	s4 =	simm.s32 $0x1BF5;
	[smem:$0x3FBA] =	sst s0  }
0x18: {  	s0 =	sld [smem:$0x3F9D];
	_ =	swait.ge [sflag:s4], $0x0  }
0x19: {  	s7 =	sld [smem:$0x3F9E]  }
0x1a: {  	s8 =	sadd.s32 $0xFFFFE003, lr  }
0x1b: {  	s9 =	sadd.s32 $0xFFFFFEF7, lr;
	s5 =	simm.s32 $0xFFFFFFFF;
	p2 =	slt.u32 s8, $0xFFFFF086  }
0x1c: {  	p1 =	slt.u32 s9, $0xF7A;
	s5 =	simm.s32 @!p2 $0x0  }
0x1d: {  	s5 =	simm.s32 @p1 $0x1;
	p0 =	seq.s32 s7, s2  }
0x1e: {  	s7 =	smul.u32 @!p0 $0xF7A, s2;
	p2 =	seq.s32 @!p0 s5, $0x0  }
0x1f: {  	s9 =	smul.u32 $0xF7A, s1;
	s8 =	simm.s32 @!p0 $0x1BF5;
	p2 =	por !p2, p0  }
0x20: {  	[sflag:s8] =	ssyncset.s32 @!p0 $0xFFFFF086;
	s6 =	sadd.s32 @!p0 s3, s7;
	s7 =	simm.s32 @!p0 $0x108  }
0x21: {  	s3 =	sadd.s32 s3, s9;
	s6 =	sadd.s32 @!p0 $0x88, s6;
	s7 =	simm.s32 @p2 $0x1082  }
0x22: {  	[simem:s7], [sflag:s8] =	dma.local @!p0 [hbm:s6], $0xF7A  }
0x23: {  	s9 =	sor.u32 $0xD0000000, s2;
	s6 =	simm.s32 $0x108;
	_ =	swait.ge @!p0 [sflag:s8], $0x0  }
0x24: {  	s3 =	sadd.s32 $0x88, s3;
	s6 =	simm.s32 @!p1 $0x1082;
	[sflag:s4] =	ssyncset.s32 $0xFFFFF086  }
0x25: {  	[simem:s6], [sflag:s4] =	dma.local [hbm:s3], $0xF7A  }
0x26: {  	[smem:$0x3F9E] =	sst s1;
	(tag) =	ssettag s2;
	_ =	strace s9  }
0x27: {  	s1 =	sld [smem:$0x3FAE]  }
0x28: {  	s2 =	sld [smem:$0x3FAF]  }
0x29: {  	s4 =	sld [smem:$0x3FB1]  }
0x2a: {  	p0 =	seq.s32 s5, $0x0;
	s5 =	sld [smem:$0x3FB2]  }
0x2b: {  	s6 =	sld [smem:$0x3FB3]  }
0x2c: {  	s7 =	sld [smem:$0x3FB4]  }
0x2d: {  	s3 =	simm.s32 $0x108;
	s8 =	sld [smem:$0x3FB5]  }
0x2e: {  	s3 =	simm.s32 @!p0 $0x1082;
	s9 =	sld [smem:$0x3FB6]  }
0x2f: {  	lr =	sadd.s32 s0, s3;
	s0 =	sld [smem:$0x3FAD]  }
0x30: {  	s3 =	sld [smem:$0x3FB0]  }
0x31: {  	[smem:$0x3FB9] =	sst s10  }
0x32: {  	s10 =	sld [smem:$0x3FB7];
	_ =	sdelay $0x3  }
0x33: {  	p0 =	seq.s32 s10, $0x1;
	s10 =	sld [smem:$0x3FB9];
	_ =	sdelay $0x3  }
0x34: {  	[smem:$0x3FB9] =	sst s10  }
0x35: {  	s10 =	sld [smem:$0x3FB8];
	_ =	sdelay $0x3  }
0x36: {  	p1 =	seq.s32 s10, $0x1;
	s10 =	sld [smem:$0x3FB9];
	_ =	sdelay $0x3  }
0x37: {  	[smem:$0x3FB9] =	sst s10  }
0x38: {  	s10 =	sld [smem:$0x3FBA]  }
0x39: {  	_ = 	snop;
	(pc) =	sbr.ind lr, $3  }
0x3a: {  	_ = 	snop  }
0x3b: {  	_ = 	snop  }
0x3c: {  	p2 =	seq.s32 s10, $0x1;
	s10 =	sld [smem:$0x3FB9]  }
0x3d: {  	_ =	shalt  }
0x3e: {  	_ =	shalt  }
0x3f: {  	_ =	shalt  }
0x40: {  	_ =	shalt  }
0x41: {  	_ =	shalt  }
0x42: {  	_ =	shalt  }
0x43: {  	_ =	shalt  }
0x44: {  	_ =	shalt  }
0x45: {  	_ =	shalt  }
0x46: {  	_ =	shalt  }
0x47: {  	_ =	shalt  }
0x48: {  	_ =	shalt  }
0x49: {  	_ =	shalt  }
0x4a: {  	_ =	shalt  }
0x4b: {  	_ =	shalt  }
0x4c: {  	_ =	shalt  }
0x4d: {  	_ =	shalt  }
0x4e: {  	_ =	shalt  }
0x4f: {  	_ =	shalt  }
0x50: {  	_ =	shalt  }
0x51: {  	_ =	shalt  }
0x52: {  	_ =	shalt  }
0x53: {  	_ =	shalt  }
0x54: {  	_ =	shalt  }
0x55: {  	_ =	shalt  }
0x56: {  	_ =	shalt  }
0x57: {  	_ =	shalt  }
0x58: {  	_ =	shalt  }
0x59: {  	_ =	shalt  }
0x5a: {  	_ =	shalt  }
0x5b: {  	_ =	shalt  }
0x5c: {  	_ =	shalt  }
0x5d: {  	_ =	shalt  }
0x5e: {  	_ =	shalt  }
0x5f: {  	_ =	shalt  }
0x60: {  	_ =	shalt  }
0x61: {  	_ =	shalt  }
0x62: {  	_ =	shalt  }
0x63: {  	_ =	shalt  }
0x64: {  	_ =	shalt  }
0x65: {  	_ =	shalt  }
0x66: {  	_ =	shalt  }
0x67: {  	_ =	shalt  }
0x68: {  	_ =	shalt  }
0x69: {  	_ =	shalt  }
0x6a: {  	_ =	shalt  }
0x6b: {  	_ =	shalt  }
0x6c: {  	_ =	shalt  }
0x6d: {  	_ =	shalt  }
0x6e: {  	_ =	shalt  }
0x6f: {  	_ =	shalt  }
0x70: {  	_ =	shalt  }
0x71: {  	_ =	shalt  }
0x72: {  	_ =	shalt  }
0x73: {  	_ =	shalt  }
0x74: {  	_ =	shalt  }
0x75: {  	_ =	shalt  }
0x76: {  	_ =	shalt  }
0x77: {  	_ =	shalt  }
0x78: {  	_ =	shalt  }
0x79: {  	_ =	shalt  }
0x7a: {  	_ =	shalt  }
0x7b: {  	_ =	shalt  }
0x7c: {  	_ =	shalt  }
0x7d: {  	_ =	shalt  }
0x7e: {  	_ =	shalt  }
0x7f: {  	_ =	shalt  }
0x80: {  	_ =	shalt  }
0x81: {  	_ =	shalt  }
0x82: {  	_ =	shalt  }
0x83: {  	_ =	shalt  }
0x84: {  	_ =	shalt  }
0x85: {  	_ =	shalt  }
0x86: {  	_ =	shalt  }
0x87: {  	_ =	shalt  }
.Lfunc_end0:
.L_simem_size_0:
called_computation.1_lowered:
.L_overlay_start_0:
0x88: {  	s2 =	sld [smem:$0x3FD9]  }
0x89: {  	s3 =	sld [smem:$0x3FFE];
	_ =	sdelay $0x1  }
0x8a: {  	s1 =	srdreg.scid  }
0x8b: {  	s0 =	sand.u32 $0x1, s1  }
0x8c: {  	s17 =	sshll.u32 s0, $0xA;
	s2 =	sadd.s32 s3, s2  }
0x8d: {  	s2 =	sadd.s32 s2, s17  }
0x8e: {  	[smem:$0x3FC5] =	sst s2  }
0x8f: {  	_ = 	snop  }
0x90: {  	s2 =	sld [smem:$0x3FD0];
	(tm) =	ssettm $0x1  }
0x91: {  	s18 =	sld [smem:$0x3FFB];
	_ =	sdelay $0x3  }
0x92: {  	_ =	strace s18  }
0x93: {  	s3 =	sld [smem:$0x3FFC];
	_ =	sdelay $0x3  }
0x94: {  	_ =	strace s3  }
0x95: {  	s3 =	sld [smem:$0x3FFD];
	_ =	sdelay $0x3  }
0x96: {  	_ =	strace s3  }
0x97: {  	_ =	strace $0x8FFFFFFF  }
0x98: {  	s19 =	sld [smem:$0x3FDB];
	_ =	sdelay $0x1  }
0x99: {  	s4 =	simm.s32 $_scs_section_size  }
0x9a: {  	s5 =	simm.s32 $_size__tile_overlayer_lowered;
	s6 =	simm.s32 $_tile_overlayer_lowered  }
0x9b: {  	s22 =	simm.s32 $0x1BFF;
	s21 =	sshll.u32 s6, $0x1;
	s3 =	sadd.s32 s4, s19  }
0x9c: {  	s7 =	simm.s32 $0x0;
	s20 =	sshll.u32 s5, $0x1;
	s5 =	sadd.s32 s21, s3  }
0x9d: {  	[timem:s7], [sflag:s22] =	dma.local [hbm:s5], s20  }
0x9e: {  	_ =	swait.ge [sflag:s22], s20  }
0x9f: {  	s4 =	ssub.s32 $0x0, s20;
	[sflag:s22] =	ssyncset.done $0x0  }
0xa0: {  	[sflag:s22] =	ssyncadd.s32 s4;
	_ =	sdelay $0x1  }
0xa1: {  	s23 =	simm.s32 $0x1B8B  }
0xa2: {  	_ =	swait.ge [sflag:s23], $0x1  }
0xa3: {  	[sflag:s23] =	ssyncset.done $0x0  }
0xa4: {  	s25 =	simm.s32 $0x1B8E;
	s24 =	sld [smem:$0x3FFE];
	[sflag:s23] =	ssyncadd.s32 $0xFFFFFFFF  }
0xa5: {  	s26 =	simm.s32 $execute0_lowered;
	[smem:$0x3FD2] =	sst s25  }
0xa6: {  	s5 =	sshll.u32 s26, $0x1;
	_ =	strace $0x80000049;
	[dreg:$0x1] =	wrdreg $0xFFFFFFFF  }
0xa7: {  	s28 =	simm.s32 $_size_execute0_lowered;
	s3 =	sadd.s32 s3, s5;
	[dreg:$0x0] =	wrdreg $0x0  }
0xa8: {  	s5 =	sshll.u32 s28, $0x1;
	[dreg:$0x2] =	wrdreg s3  }
0xa9: {  	[dreg:$0x3] =	wrdreg s5  }
0xaa: {  	[dreg:$0x4] =	wrdreg $0xC0  }
0xab: {  	_ =	task [dreg:s7], $0x5FFFF  }
0xac: {  	[dreg:$0x1] =	wrdreg $0xFFFFFFFF  }
0xad: {  	[dreg:$0x0] =	wrdreg $0x60  }
0xae: {  	[dreg:$0x2] =	wrdreg s2  }
0xaf: {  	[dreg:$0x3] =	wrdreg s24  }
0xb0: {  	[dreg:$0x4] =	wrdreg $0x9  }
0xb1: {  	_ =	task.clear_ibuf [dreg:s7], $0x5FFFF;
	_ =	strace $0x90000049  }
0xb2: {  	s29 =	simm.s32 $0x9;
	_ =	strace $0x8000004B  }
0xb3: {  	_ =	swait.ge [sflag:s29], $0x1  }
0xb4: {  	[sflag:s29] =	ssyncadd.s32 $0xFFFFFFFF  }
0xb5: {  	_ =	strace $0x9000004B  }
0xb6: {  	_ =	sfence  }
0xb7: {  	s30 =	sld [smem:$0x0];
	_ =	sdelay $0x2  }
0xb8: {  	s31 =	sshll.u32 s1, $0xD;
	s1 =	sshrl.u32 s1, $0x2  }
0xb9: {  	s3 =	sand.u32 $0x4000, s31;
	s1 =	sadd.s32 s1, s30  }
0xba: {  	s0 =	sor.u32 s3, s0;
	s1 =	sshll.u32 s1, $0x11  }
0xbb: {  	s0 =	sor.u32 s1, s0  }
0xbc: {  	s0 =	sadd.s32 $0x8F2B, s0  }
0xbd: {  	[sflag:s0] =	ssyncadd.remote.s32 $0x1  }
0xbe: {  	_ =	sfence.sel $0xFFFF  }
0xbf: {  	[dreg:$0x0] =	wrdreg $0xFFFFFFFF;
	(pc) =	sbr.abs _section_cstart, $3  }
0xc0: {  	[dreg:$0x1] =	wrdreg $0xFFFFFFFF  }
0xc1: {  	_ =	task.clear_ibuf [dreg:s7], $0x2FFFF;
	_ =	strace $0x9FFFFFFF  }
0xc2: {  	(tm) =	ssettm $0x7FFFFFFF  }
0xc3: {  	_ =	shalt  }
tec
execute0_lowered:
.L_overlay_start_1:
0x0: {  	(tag) =	ssettag $0x1  }
0x1: {  	s4 =	rddreg [dreg:$0x0]  }
0x2: {  	s5 =	rddreg [dreg:$0x1]  }
0x3: {  	s0 =	rddreg [dreg:$0x2]  }
0x4: {  	s2 =	simm.s32 $0x0;
	s3 =	srdreg.scid;
	s1 =	stileid.u32  }
0x5: {  	s9 =	simm.s32 $0x8200;
	s10 =	simm.s32 $0x0;
	s3 =	sand.u32 $0x1, s3  }
0x6: {  	[smem:$0x7FF] =	sst s2;
	s6 =	sshll.u32 s1, $0xD;
	s7 =	sshll.u32 s3, $0xC  }
0x7: {  	_ =	strace $0x8000004A;
	s8 =	ssub.s32 $0x2, s3;
	s6 =	sor.u32 s7, s6  }
0x8: {  	s3 =	sadd.s32 $0x1600, s5;
	s31 =	sshrl.u32 s8, $0x1;
	s5 =	sadd.s32 s6, s5  }
0x9: {  	s7 =	ssub.s32 s8, s31;
	s4 =	sadd.s32 s4, s6;
	s8 =	simm.s32 $0x8000  }
0xa: {  	s5 =	sadd.s32 $0x1800, s5;
	s6 =	smax.u32 s7, $0x1;
	s7 =	simm.s32 $0x1  }
.LBB2_1:
0xb: {  	[tilespmem:s2], [sflag:$0x1] =	stream.linear.gather [hbm4b:s4+s2], $0x8000, $0x38;
	[tilespmem:$0x10200] =	vst v63  }
0xc: {  	_ =	swait.ge [sflag:s7], $0x8000  }
0xd: {  	[sflag:s7] =	ssyncset.done $0x0  }
0xe: {  	[sflag:s7] =	ssyncadd.s32 $0xFFFF8000  }
0xf: {  	[tilespmem:s8], [sflag:$0x1] =	stream.linear.gather [hbm4b:s3+s2], $0x200, $0x38;
	[tilespmem:$0x10200] =	vst v63  }
0x10: {  	_ =	swait.ge [sflag:s7], $0x200  }
0x11: {  	[sflag:s7] =	ssyncset.done $0x0  }
0x12: {  	s11 =	simm.s32 $0x40;
	[sflag:s7] =	ssyncadd.s32 $0xFFFFFE00  }
0x13: {  	v0 =	vld [tilespmem:s11+$0x30]  }
0x14: {  	v1 =	vld [tilespmem:s11+$0xFFFFFFD0]  }
0x15: {  	v2 =	vld [tilespmem:s11+$0xFFFFFFE0]  }
0x16: {  	v3 =	vld [tilespmem:s11+$0xFFFFFFF0]  }
0x17: {  	v4 =	vld [tilespmem:s11+$0x0]  }
0x18: {  	v6 =	vld [tilespmem:s11+$0x10]  }
0x19: {  	v7 =	vld [tilespmem:s11+$0x20]  }
0x1a: {  	v8 =	vld [tilespmem:s11+$0xFFFFFFC0]  }
0x1b: {  	v9 =	vld.idx.msk [tilespmem:v0+s8+$0x0], $0xffff  }
0x1c: {  	v10 =	vld.idx.msk [tilespmem:v1+s8+$0x0], $0xffff  }
0x1d: {  	v5 =	vld.idx.msk [tilespmem:v2+s8+$0x0], $0xffff  }
0x1e: {  	v3 =	vld.idx.msk [tilespmem:v3+s8+$0x0], $0xffff  }
0x1f: {  	v0 =	vld.idx.msk [tilespmem:v4+s8+$0x0], $0xffff  }
0x20: {  	s11 =	simm.s32 $0x8240;
	v1 =	vld.idx.msk [tilespmem:v6+s8+$0x0], $0xffff  }
0x21: {  	v2 =	vld.idx.msk [tilespmem:v7+s8+$0x0], $0xffff;
	[tilespmem:s11+$0x30] =	vst v9  }
0x22: {  	s12 =	simm.s32 $0x0;
	s13 =	simm.s32 $0xC0;
	v4 =	vld.idx.msk [tilespmem:v8+s8+$0x0], $0xffff;
	[tilespmem:s11+$0xFFFFFFD0] =	vst v10  }
.LBB2_2:
0x23: {  	v6 =	vld [tilespmem:s13+$0x30];
	s12 =	sadd.s32 $0x8, s12;
	[tilespmem:s11+$0xFFFFFFE0] =	vst v5  }
0x24: {  	v5 =	vld [tilespmem:s13+$0xFFFFFFD0];
	p0 =	slt.u32 s12, $0x7F8;
	[tilespmem:s11+$0xFFFFFFF0] =	vst v3  }
0x25: {  	v3 =	vld [tilespmem:s13+$0xFFFFFFE0];
	[tilespmem:s11+$0x0] =	vst v0  }
0x26: {  	v0 =	vld [tilespmem:s13+$0xFFFFFFF0];
	[tilespmem:s11+$0x10] =	vst v1  }
0x27: {  	v1 =	vld [tilespmem:s13+$0x0];
	[tilespmem:s11+$0x20] =	vst v2  }
0x28: {  	v2 =	vld [tilespmem:s13+$0x10];
	[tilespmem:s11+$0xFFFFFFC0] =	vst v4  }
0x29: {  	v4 =	vld [tilespmem:s13+$0x20]  }
0x2a: {  	v7 =	vld [tilespmem:s13+$0xFFFFFFC0]  }
0x2b: {  	v6 =	vld.idx.msk [tilespmem:v6+s8+$0x0], $0xffff  }
0x2c: {  	v8 =	vld.idx.msk [tilespmem:v5+s8+$0x0], $0xffff  }
0x2d: {  	v5 =	vld.idx.msk [tilespmem:v3+s8+$0x0], $0xffff  }
.Ltmp0:
0x2e: {  	v3 =	vld.idx.msk [tilespmem:v0+s8+$0x0], $0xffff;
	(pc) =	sbr.rel @p0 .LBB2_2-.Ltmp0, $4  }
0x2f: {  	v0 =	vld.idx.msk [tilespmem:v1+s8+$0x0], $0xffff  }
0x30: {  	s11 =	sadd.s32 $0x80, s11;
	v1 =	vld.idx.msk [tilespmem:v2+s8+$0x0], $0xffff  }
0x31: {  	v2 =	vld.idx.msk [tilespmem:v4+s8+$0x0], $0xffff;
	[tilespmem:s11+$0x30] =	vst v6  }
0x32: {  	s13 =	sadd.s32 $0x80, s13;
	v4 =	vld.idx.msk [tilespmem:v7+s8+$0x0], $0xffff;
	[tilespmem:s11+$0xFFFFFFD0] =	vst v8  }
0x33: {  	[tilespmem:s11+$0xFFFFFFE0] =	vst v5  }
0x34: {  	[tilespmem:s11+$0xFFFFFFF0] =	vst v3  }
0x35: {  	[tilespmem:s11+$0x0] =	vst v0  }
0x36: {  	s10 =	sadd.s32 $0x1, s10;
	[tilespmem:s11+$0x10] =	vst v1  }
0x37: {  	p0 =	sne.s32 s10, s6;
	[tilespmem:s11+$0x20] =	vst v2  }
.Ltmp1:
0x38: {  	[tilespmem:s11+$0xFFFFFFC0] =	vst v4;
	(pc) =	sbr.rel @p0 .LBB2_1-.Ltmp1, $4  }
0x39: {  	[hbm4b:s5+s2] =	stream.linear.scatter [tilespmem:s9], [sflag:$0x1], $0x8000, $0x38;
	[tilespmem:$0x10200] =	vst v63  }
0x3a: {  	_ =	swait.ge [sflag:s7], $0x8000  }
0x3b: {  	[sflag:s7] =	ssyncset.done $0x0  }
0x3c: {  	[sflag:s7] =	ssyncadd.s32 $0xFFFF8000  }
0x3d: {  	_ =	sfence.sel $0x180000  }
0x3e: {  	[bflag:$0x0] =	sbarrier.arrive $0xFFFF  }
0x3f: {  	p0 =	sne.s32 s1, $0x0;
	_ =	strace $0x9000004A  }
0x40: {  	s0 =	sadd.s32 @!p0 $0x100000, s0;
	[bflag:$0x2] =	sbarrier.arrive $0xFFFF  }
0x41: {  	[sflag:s0] =	ssyncadd.tile.s32 @!p0 $0x1;
	_ =	shalt  }
.Lfunc_end2:
_tile_overlayer_lowered:
.L_overlay_start_2:
0x42: {  	(tag) =	ssettag $0x2  }
0x43: {  	s0 =	rddreg [dreg:$0x0];
	s2 =	stileid.u32  }
0x44: {  	s1 =	rddreg [dreg:$0x1];
	p0 =	sne.s32 s2, $0x0  }
0x45: {  	s3 =	rddreg [dreg:$0x2];
	[bflag:$0x3] =	sbarrier.arrive $0xFFFF;
	s2 =	simm.s32 @!p0 $0x1C01  }
0x46: {  	[timem:s3], [sflag:s2] =	dma.local @!p0 [hbm:s0], s1  }
0x47: {  	s0 =	simm.s32 @!p0 $0x1  }
0x48: {  	_ =	swait.ge @!p0 [sflag:s0], s1  }
0x49: {  	s1 =	ssub.s32 @!p0 $0x0, s1;
	[sflag:s0] =	ssyncset.done @!p0 $0x0  }
0x4a: {  	[sflag:s0] =	ssyncadd.s32 @!p0 s1  }
0x4b: {  	[bflag:$0x3] =	sbarrier.arrive $0xFFFF  }
0x4c: {  	_ =	shalt  }

// kernel: kernel.7.cloned.1.call-start
scs
__scs_entry_jumppad:
0x0: {  	(pc) =	sbr.rel $0x88, $3  }
0x1: {  	(tag) =	ssettag $0x0;
	lr =	simm.s32 $0x1  }
0x2: {  	[smem:$0x3F9E] =	sst lr;
	_ =	strace $0xD0000000  }
0x3: {  	_ = 	snop  }
0x4: {  	_ = 	snop  }
0x5: {  	_ = 	snop  }
0x6: {  	_ = 	snop  }
0x7: {  	_ = 	snop  }
__scs_overlays_trampoline_lowered:
0x8: {  	[smem:$0x3FAD] =	sst s0  }
0x9: {  	[smem:$0x3FAE] =	sst s1  }
0xa: {  	[smem:$0x3FAF] =	sst s2  }
0xb: {  	[smem:$0x3FB0] =	sst s3  }
0xc: {  	[smem:$0x3FB1] =	sst s4  }
0xd: {  	[smem:$0x3FB2] =	sst s5  }
0xe: {  	[smem:$0x3FB3] =	sst s6  }
0xf: {  	[smem:$0x3FB4] =	sst s7  }
0x10: {  	[smem:$0x3FB5] =	sst s8  }
0x11: {  	[smem:$0x3FB6] =	sst s9;
	s0 =	simm.s32 @!p0 $0x0  }
0x12: {  	s1 =	sld [smem:$0x3F9C];
	s0 =	simm.s32 @p0 $0x1  }
0x13: {  	[smem:$0x3FB7] =	sst s0;
	s0 =	simm.s32 @!p1 $0x0  }
0x14: {  	s2 =	sld [smem:$0x3F9B];
	s0 =	simm.s32 @p1 $0x1  }
0x15: {  	[smem:$0x3FB8] =	sst s0;
	s0 =	simm.s32 @!p2 $0x0  }
0x16: {  	s3 =	sld [smem:$0x3FDB];
	s0 =	simm.s32 @p2 $0x1  }
0x17: {  	s4 =	simm.s32 $0x1BF5;
	[smem:$0x3FBA] =	sst s0  }
0x18: {  	s0 =	sld [smem:$0x3F9D];
	_ =	swait.ge [sflag:s4], $0x0  }
0x19: {  	s7 =	sld [smem:$0x3F9E]  }
0x1a: {  	s8 =	sadd.s32 $0xFFFFE003, lr  }
0x1b: {  	s9 =	sadd.s32 $0xFFFFFEF7, lr;
	s5 =	simm.s32 $0xFFFFFFFF;
	p2 =	slt.u32 s8, $0xFFFFF086  }
0x1c: {  	p1 =	slt.u32 s9, $0xF7A;
	s5 =	simm.s32 @!p2 $0x0  }
0x1d: {  	s5 =	simm.s32 @p1 $0x1;
	p0 =	seq.s32 s7, s2  }
0x1e: {  	s7 =	smul.u32 @!p0 $0xF7A, s2;
	p2 =	seq.s32 @!p0 s5, $0x0  }
0x1f: {  	s9 =	smul.u32 $0xF7A, s1;
	s8 =	simm.s32 @!p0 $0x1BF5;
	p2 =	por !p2, p0  }
0x20: {  	[sflag:s8] =	ssyncset.s32 @!p0 $0xFFFFF086;
	s6 =	sadd.s32 @!p0 s3, s7;
	s7 =	simm.s32 @!p0 $0x108  }
0x21: {  	s3 =	sadd.s32 s3, s9;
	s6 =	sadd.s32 @!p0 $0x88, s6;
	s7 =	simm.s32 @p2 $0x1082  }
0x22: {  	[simem:s7], [sflag:s8] =	dma.local @!p0 [hbm:s6], $0xF7A  }
0x23: {  	s9 =	sor.u32 $0xD0000000, s2;
	s6 =	simm.s32 $0x108;
	_ =	swait.ge @!p0 [sflag:s8], $0x0  }
0x24: {  	s3 =	sadd.s32 $0x88, s3;
	s6 =	simm.s32 @!p1 $0x1082;
	[sflag:s4] =	ssyncset.s32 $0xFFFFF086  }
0x25: {  	[simem:s6], [sflag:s4] =	dma.local [hbm:s3], $0xF7A  }
0x26: {  	[smem:$0x3F9E] =	sst s1;
	(tag) =	ssettag s2;
	_ =	strace s9  }
0x27: {  	s1 =	sld [smem:$0x3FAE]  }
0x28: {  	s2 =	sld [smem:$0x3FAF]  }
0x29: {  	s4 =	sld [smem:$0x3FB1]  }
0x2a: {  	p0 =	seq.s32 s5, $0x0;
	s5 =	sld [smem:$0x3FB2]  }
0x2b: {  	s6 =	sld [smem:$0x3FB3]  }
0x2c: {  	s7 =	sld [smem:$0x3FB4]  }
0x2d: {  	s3 =	simm.s32 $0x108;
	s8 =	sld [smem:$0x3FB5]  }
0x2e: {  	s3 =	simm.s32 @!p0 $0x1082;
	s9 =	sld [smem:$0x3FB6]  }
0x2f: {  	lr =	sadd.s32 s0, s3;
	s0 =	sld [smem:$0x3FAD]  }
0x30: {  	s3 =	sld [smem:$0x3FB0]  }
0x31: {  	[smem:$0x3FB9] =	sst s10  }
0x32: {  	s10 =	sld [smem:$0x3FB7];
	_ =	sdelay $0x3  }
0x33: {  	p0 =	seq.s32 s10, $0x1;
	s10 =	sld [smem:$0x3FB9];
	_ =	sdelay $0x3  }
0x34: {  	[smem:$0x3FB9] =	sst s10  }
0x35: {  	s10 =	sld [smem:$0x3FB8];
	_ =	sdelay $0x3  }
0x36: {  	p1 =	seq.s32 s10, $0x1;
	s10 =	sld [smem:$0x3FB9];
	_ =	sdelay $0x3  }
0x37: {  	[smem:$0x3FB9] =	sst s10  }
0x38: {  	s10 =	sld [smem:$0x3FBA]  }
0x39: {  	_ = 	snop;
	(pc) =	sbr.ind lr, $3  }
0x3a: {  	_ = 	snop  }
0x3b: {  	_ = 	snop  }
0x3c: {  	p2 =	seq.s32 s10, $0x1;
	s10 =	sld [smem:$0x3FB9]  }
0x3d: {  	_ =	shalt  }
0x3e: {  	_ =	shalt  }
0x3f: {  	_ =	shalt  }
0x40: {  	_ =	shalt  }
0x41: {  	_ =	shalt  }
0x42: {  	_ =	shalt  }
0x43: {  	_ =	shalt  }
0x44: {  	_ =	shalt  }
0x45: {  	_ =	shalt  }
0x46: {  	_ =	shalt  }
0x47: {  	_ =	shalt  }
0x48: {  	_ =	shalt  }
0x49: {  	_ =	shalt  }
0x4a: {  	_ =	shalt  }
0x4b: {  	_ =	shalt  }
0x4c: {  	_ =	shalt  }
0x4d: {  	_ =	shalt  }
0x4e: {  	_ =	shalt  }
0x4f: {  	_ =	shalt  }
0x50: {  	_ =	shalt  }
0x51: {  	_ =	shalt  }
0x52: {  	_ =	shalt  }
0x53: {  	_ =	shalt  }
0x54: {  	_ =	shalt  }
0x55: {  	_ =	shalt  }
0x56: {  	_ =	shalt  }
0x57: {  	_ =	shalt  }
0x58: {  	_ =	shalt  }
0x59: {  	_ =	shalt  }
0x5a: {  	_ =	shalt  }
0x5b: {  	_ =	shalt  }
0x5c: {  	_ =	shalt  }
0x5d: {  	_ =	shalt  }
0x5e: {  	_ =	shalt  }
0x5f: {  	_ =	shalt  }
0x60: {  	_ =	shalt  }
0x61: {  	_ =	shalt  }
0x62: {  	_ =	shalt  }
0x63: {  	_ =	shalt  }
0x64: {  	_ =	shalt  }
0x65: {  	_ =	shalt  }
0x66: {  	_ =	shalt  }
0x67: {  	_ =	shalt  }
0x68: {  	_ =	shalt  }
0x69: {  	_ =	shalt  }
0x6a: {  	_ =	shalt  }
0x6b: {  	_ =	shalt  }
0x6c: {  	_ =	shalt  }
0x6d: {  	_ =	shalt  }
0x6e: {  	_ =	shalt  }
0x6f: {  	_ =	shalt  }
0x70: {  	_ =	shalt  }
0x71: {  	_ =	shalt  }
0x72: {  	_ =	shalt  }
0x73: {  	_ =	shalt  }
0x74: {  	_ =	shalt  }
0x75: {  	_ =	shalt  }
0x76: {  	_ =	shalt  }
0x77: {  	_ =	shalt  }
0x78: {  	_ =	shalt  }
0x79: {  	_ =	shalt  }
0x7a: {  	_ =	shalt  }
0x7b: {  	_ =	shalt  }
0x7c: {  	_ =	shalt  }
0x7d: {  	_ =	shalt  }
0x7e: {  	_ =	shalt  }
0x7f: {  	_ =	shalt  }
0x80: {  	_ =	shalt  }
0x81: {  	_ =	shalt  }
0x82: {  	_ =	shalt  }
0x83: {  	_ =	shalt  }
0x84: {  	_ =	shalt  }
0x85: {  	_ =	shalt  }
0x86: {  	_ =	shalt  }
0x87: {  	_ =	shalt  }
.Lfunc_end0:
.L_simem_size_0:
called_computation_lowered:
.L_overlay_start_0:
0x88: {  	s2 =	sld [smem:$0x3FD9]  }
0x89: {  	s3 =	sld [smem:$0x3FFE];
	_ =	sdelay $0x1  }
0x8a: {  	s1 =	srdreg.scid  }
0x8b: {  	s0 =	sand.u32 $0x1, s1  }
0x8c: {  	s17 =	sshll.u32 s0, $0xA;
	s2 =	sadd.s32 s3, s2  }
0x8d: {  	s2 =	sadd.s32 s2, s17  }
0x8e: {  	[smem:$0x3FC5] =	sst s2  }
0x8f: {  	_ = 	snop  }
0x90: {  	s2 =	sld [smem:$0x3FD0];
	(tm) =	ssettm $0x1  }
0x91: {  	s18 =	sld [smem:$0x3FFB];
	_ =	sdelay $0x3  }
0x92: {  	_ =	strace s18  }
0x93: {  	s3 =	sld [smem:$0x3FFC];
	_ =	sdelay $0x3  }
0x94: {  	_ =	strace s3  }
0x95: {  	s3 =	sld [smem:$0x3FFD];
	_ =	sdelay $0x3  }
0x96: {  	_ =	strace s3  }
0x97: {  	_ =	strace $0x8FFFFFFF  }
0x98: {  	s19 =	sld [smem:$0x3FDB];
	_ =	sdelay $0x1  }
0x99: {  	s4 =	simm.s32 $_scs_section_size  }
0x9a: {  	s5 =	simm.s32 $_size__tile_overlayer_lowered;
	s6 =	simm.s32 $_tile_overlayer_lowered  }
0x9b: {  	s22 =	simm.s32 $0x1BFF;
	s21 =	sshll.u32 s6, $0x1;
	s3 =	sadd.s32 s4, s19  }
0x9c: {  	s7 =	simm.s32 $0x0;
	s20 =	sshll.u32 s5, $0x1;
	s5 =	sadd.s32 s21, s3  }
0x9d: {  	[timem:s7], [sflag:s22] =	dma.local [hbm:s5], s20  }
0x9e: {  	_ =	swait.ge [sflag:s22], s20  }
0x9f: {  	s4 =	ssub.s32 $0x0, s20;
	[sflag:s22] =	ssyncset.done $0x0  }
0xa0: {  	[sflag:s22] =	ssyncadd.s32 s4;
	_ =	sdelay $0x1  }
0xa1: {  	s23 =	simm.s32 $0x1B8B  }
0xa2: {  	_ =	swait.ge [sflag:s23], $0x1  }
0xa3: {  	[sflag:s23] =	ssyncset.done $0x0  }
0xa4: {  	s25 =	simm.s32 $0x1B8E;
	s24 =	sld [smem:$0x3FFE];
	[sflag:s23] =	ssyncadd.s32 $0xFFFFFFFF  }
0xa5: {  	s26 =	simm.s32 $execute0_lowered;
	[smem:$0x3FD2] =	sst s25  }
0xa6: {  	s5 =	sshll.u32 s26, $0x1;
	_ =	strace $0x80000046;
	[dreg:$0x1] =	wrdreg $0xFFFFFFFF  }
0xa7: {  	s28 =	simm.s32 $_size_execute0_lowered;
	s3 =	sadd.s32 s3, s5;
	[dreg:$0x0] =	wrdreg $0x0  }
0xa8: {  	s5 =	sshll.u32 s28, $0x1;
	[dreg:$0x2] =	wrdreg s3  }
0xa9: {  	[dreg:$0x3] =	wrdreg s5  }
0xaa: {  	[dreg:$0x4] =	wrdreg $0xC0  }
0xab: {  	_ =	task [dreg:s7], $0x5FFFF  }
0xac: {  	[dreg:$0x1] =	wrdreg $0xFFFFFFFF  }
0xad: {  	[dreg:$0x0] =	wrdreg $0x60  }
0xae: {  	[dreg:$0x2] =	wrdreg s2  }
0xaf: {  	[dreg:$0x3] =	wrdreg s24  }
0xb0: {  	[dreg:$0x4] =	wrdreg $0x9  }
0xb1: {  	_ =	task.clear_ibuf [dreg:s7], $0x5FFFF;
	_ =	strace $0x90000046  }
0xb2: {  	s29 =	simm.s32 $0x9;
	_ =	strace $0x80000048  }
0xb3: {  	_ =	swait.ge [sflag:s29], $0x1  }
0xb4: {  	[sflag:s29] =	ssyncadd.s32 $0xFFFFFFFF  }
0xb5: {  	_ =	strace $0x90000048  }
0xb6: {  	_ =	sfence  }
0xb7: {  	s30 =	sld [smem:$0x0];
	_ =	sdelay $0x2  }
0xb8: {  	s31 =	sshll.u32 s1, $0xD;
	s1 =	sshrl.u32 s1, $0x2  }
0xb9: {  	s3 =	sand.u32 $0x4000, s31;
	s1 =	sadd.s32 s1, s30  }
0xba: {  	s0 =	sor.u32 s3, s0;
	s1 =	sshll.u32 s1, $0x11  }
0xbb: {  	s0 =	sor.u32 s1, s0  }
0xbc: {  	s0 =	sadd.s32 $0x8F2B, s0  }
0xbd: {  	[sflag:s0] =	ssyncadd.remote.s32 $0x1  }
0xbe: {  	_ =	sfence.sel $0xFFFF  }
0xbf: {  	[dreg:$0x0] =	wrdreg $0xFFFFFFFF;
	(pc) =	sbr.abs _section_cstart, $3  }
0xc0: {  	[dreg:$0x1] =	wrdreg $0xFFFFFFFF  }
0xc1: {  	_ =	task.clear_ibuf [dreg:s7], $0x2FFFF;
	_ =	strace $0x9FFFFFFF  }
0xc2: {  	(tm) =	ssettm $0x7FFFFFFF  }
0xc3: {  	_ =	shalt  }
tec
execute0_lowered:
.L_overlay_start_1:
0x0: {  	(tag) =	ssettag $0x1  }
0x1: {  	s3 =	rddreg [dreg:$0x0];
	s1 =	srdreg.scid  }
0x2: {  	s0 =	stileid.u32;
	s4 =	rddreg [dreg:$0x1];
	s13 =	simm.s32 $0xA000  }
0x3: {  	s14 =	simm.s32 $0xC000;
	s15 =	simm.s32 $0xE000;
	s16 =	simm.s32 $0x10000  }
0x4: {  	s17 =	simm.s32 $0x80;
	s18 =	simm.s32 $0x400;
	s19 =	simm.s32 $0x12000  }
0x5: {  	s20 =	simm.s32 $0x0;
	s7 =	sand.u32 $0x1, s1;
	s2 =	sshll.u32 s0, $0x1  }
0x6: {  	s1 =	rddreg [dreg:$0x2];
	s6 =	sshll.u32 s0, $0x7;
	s11 =	sshll.u32 s0, $0x10  }
0x7: {  	s5 =	sor.u32 s7, s2;
	s2 =	simm.s32 $0x0;
	s29 =	ssub.s32 $0x2, s7  }
0x8: {  	s12 =	sshll.u32 s7, $0xF;
	s8 =	sshll.u32 s5, $0x4;
	[smem:$0x7FF] =	sst s2  }
0x9: {  	s9 =	sshrl.u32 s29, $0x1;
	s30 =	sshll.u32 s5, $0xC;
	s31 =	sor.u32 s12, s11  }
0xa: {  	s11 =	simm.s32 $0x1;
	s12 =	simm.s32 $0x8000;
	s6 =	sor.u32 s6, s8  }
0xb: {  	_ =	strace $0x80000047;
	s9 =	ssub.s32 s29, s9;
	s6 =	sand.u32 $0x670, s6  }
0xc: {  	s3 =	sadd.s32 s3, s30;
	s9 =	smax.u32 s9, $0x1;
	s10 =	sadd.s32 s6, s4  }
0xd: {  	v0 =	vlaneseq.u32;
	s4 =	sadd.s32 $0x1600, s10;
	s5 =	sadd.s32 $0x1E00, s10;
	s6 =	sadd.s32 $0x2600, s10  }
0xe: {  	v1 =	vimm.f32 $0.0e+00;
	v3 =	vimm.f32 $1.000000000e+00;
	v2 =	vmul.u32 $0x200, v0;
	s7 =	sadd.s32 $0x2E00, s10;
	s8 =	sadd.s32 $0x3600, s10;
	s10 =	sor.u32 $0x30, s31  }
.LBB2_1:
0xf: {  	[tilespmem:s2], [sflag:$0x1] =	stream.linear.gather [hbm4b:s3+s2], $0x8000, $0x38;
	[tilespmem:$0x12200] =	vst v63  }
0x10: {  	_ =	swait.ge [sflag:s11], $0x8000  }
0x11: {  	[sflag:s11] =	ssyncset.done $0x0  }
0x12: {  	s25 =	simm.s32 $0x8020;
	[sflag:s11] =	ssyncadd.s32 $0xFFFF8000  }
0x13: {  	[tilespmem:s25+$0xFFFFFFF0] =	vst v1  }
0x14: {  	[tilespmem:s25+$0x0] =	vst v1  }
0x15: {  	[tilespmem:s25+$0x10] =	vst v1  }
0x16: {  	s21 =	simm.s32 $0xA020;
	[tilespmem:s25+$0xFFFFFFE0] =	vst v1  }
0x17: {  	[tilespmem:s21+$0xFFFFFFF0] =	vst v1  }
0x18: {  	[tilespmem:s21+$0x0] =	vst v1  }
0x19: {  	[tilespmem:s21+$0x10] =	vst v1  }
0x1a: {  	s22 =	simm.s32 $0xC020;
	[tilespmem:s21+$0xFFFFFFE0] =	vst v1  }
0x1b: {  	[tilespmem:s22+$0xFFFFFFF0] =	vst v1  }
0x1c: {  	[tilespmem:s22+$0x0] =	vst v1  }
0x1d: {  	[tilespmem:s22+$0x10] =	vst v1  }
0x1e: {  	s23 =	simm.s32 $0xE020;
	[tilespmem:s22+$0xFFFFFFE0] =	vst v1  }
0x1f: {  	[tilespmem:s23+$0xFFFFFFF0] =	vst v1  }
0x20: {  	[tilespmem:s23+$0x0] =	vst v1  }
0x21: {  	[tilespmem:s23+$0x10] =	vst v1  }
0x22: {  	s24 =	simm.s32 $0x10020;
	[tilespmem:s23+$0xFFFFFFE0] =	vst v1  }
0x23: {  	[tilespmem:s24+$0xFFFFFFF0] =	vst v1  }
0x24: {  	[tilespmem:s24+$0x0] =	vst v1  }
0x25: {  	[tilespmem:s24+$0x10] =	vst v1  }
0x26: {  	s26 =	simm.s32 $0x0;
	s28 =	simm.s32 $0x8060;
	s25 =	simm.s32 $0x20;
	[tilespmem:s24+$0xFFFFFFE0] =	vst v1  }
.LBB2_2:
0x27: {  	[tilespmem:s28+$0xFFFFFFF0] =	vst v1;
	s21 =	sadd.s32 $0x40, s21  }
0x28: {  	s22 =	sadd.s32 $0x40, s22;
	[tilespmem:s21+$0xFFFFFFF0] =	vst v1  }
0x29: {  	s23 =	sadd.s32 $0x40, s23;
	[tilespmem:s22+$0xFFFFFFF0] =	vst v1  }
0x2a: {  	s24 =	sadd.s32 $0x40, s24;
	[tilespmem:s23+$0xFFFFFFF0] =	vst v1  }
0x2b: {  	[tilespmem:s24+$0xFFFFFFF0] =	vst v1  }
0x2c: {  	[tilespmem:s28+$0x0] =	vst v1  }
0x2d: {  	[tilespmem:s21+$0x0] =	vst v1  }
0x2e: {  	[tilespmem:s22+$0x0] =	vst v1  }
0x2f: {  	[tilespmem:s23+$0x0] =	vst v1  }
0x30: {  	[tilespmem:s24+$0x0] =	vst v1  }
0x31: {  	[tilespmem:s28+$0x10] =	vst v1  }
0x32: {  	[tilespmem:s21+$0x10] =	vst v1  }
0x33: {  	[tilespmem:s22+$0x10] =	vst v1  }
0x34: {  	s26 =	sadd.s32 $0x4, s26;
	[tilespmem:s23+$0x10] =	vst v1  }
0x35: {  	p0 =	slt.u32 s26, $0x1FC;
	[tilespmem:s24+$0x10] =	vst v1  }
.Ltmp0:
0x36: {  	[tilespmem:s28+$0xFFFFFFE0] =	vst v1;
	(pc) =	sbr.rel @p0 .LBB2_2-.Ltmp0, $4  }
0x37: {  	[tilespmem:s21+$0xFFFFFFE0] =	vst v1  }
0x38: {  	[tilespmem:s22+$0xFFFFFFE0] =	vst v1  }
0x39: {  	[tilespmem:s23+$0xFFFFFFE0] =	vst v1  }
0x3a: {  	s28 =	sadd.s32 $0x40, s28;
	[tilespmem:s24+$0xFFFFFFE0] =	vst v1  }
0x3b: {  	v4 =	vld [tilespmem:s25+$0x10]  }
0x3c: {  	v5 =	vld [tilespmem:s25+$0xFFFFFFF0];
	_ =	sdelay $0x3  }
0x3d: {  	v6 =	vadd.s32 v2, v4  }
0x3e: {  	v4 =	vld [tilespmem:s25+$0x0];
	v5 =	vadd.s32 v2, v5;
	_ =	sdelay $0x1  }
0x3f: {  	v7 =	vor.u32 s10, v0  }
0x40: {  	v8 =	vmov s10;
	v9 =	vld [tilespmem:s25+$0xFFFFFFE0];
	v7 =	vand.u32 $0x3FF, v7  }
0x41: {  	v8 =	vshrl.u32 v8, $0xA;
	v7 =	vcvt.s32.f32 v7;
	[tilespmem:v6+s12+$0x0] =	vst.idx.add.f32.msk $0xffff, v3  }
0x42: {  	v8 =	vcvt.s32.f32 v8;
	v4 =	vadd.s32 v2, v4;
	[tilespmem:v5+s12+$0x0] =	vst.idx.add.f32.msk $0xffff, v3  }
0x43: {  	s21 =	sadd.s32 $0xFFFFFFE0, s10;
	[tilespmem:v6+s13+$0x0] =	vst.idx.add.f32.msk $0xffff, v7;
	v7 =	vmul.f32 v7, v7  }
0x44: {  	s22 =	sadd.s32 $0xFFFFFFF0, s10;
	v10 =	vor.u32 s21, v0;
	[tilespmem:v6+s14+$0x0] =	vst.idx.add.f32.msk $0xffff, v8;
	v8 =	vmul.f32 v8, v8  }
0x45: {  	v11 =	vor.u32 s22, v0;
	v10 =	vand.u32 $0x3FF, v10;
	[tilespmem:v6+s15+$0x0] =	vst.idx.add.f32.msk $0xffff, v7;
	v7 =	vmov s21  }
0x46: {  	[tilespmem:v6+s16+$0x0] =	vst.idx.add.f32.msk $0xffff, v8;
	v7 =	vshrl.u32 v7, $0xA;
	v6 =	vadd.s32 v2, v9;
	v8 =	vcvt.s32.f32 v10  }
0x47: {  	s31 =	sadd.s32 $0xFFFFFFD0, s10;
	v9 =	vand.u32 $0x3FF, v11;
	v11 =	vcvt.s32.f32 v7;
	[tilespmem:v4+s12+$0x0] =	vst.idx.add.f32.msk $0xffff, v3  }
0x48: {  	v10 =	vor.u32 s31, v0;
	v9 =	vcvt.s32.f32 v9;
	[tilespmem:v5+s13+$0x0] =	vst.idx.add.f32.msk $0xffff, v8  }
0x49: {  	v7 =	vmov s31;
	v10 =	vand.u32 $0x3CF, v10;
	[tilespmem:v5+s14+$0x0] =	vst.idx.add.f32.msk $0xffff, v11  }
0x4a: {  	v12 =	vmov s22;
	v7 =	vshrl.u32 v7, $0xA;
	v13 =	vcvt.s32.f32 v10;
	[tilespmem:v4+s13+$0x0] =	vst.idx.add.f32.msk $0xffff, v9  }
0x4b: {  	v14 =	vcvt.s32.f32 v7;
	v7 =	vshrl.u32 v12, $0xA;
	v12 =	vmul.f32 v8, v8;
	[tilespmem:v6+s12+$0x0] =	vst.idx.add.f32.msk $0xffff, v3  }
0x4c: {  	v7 =	vcvt.s32.f32 v7;
	v15 =	vmul.f32 v13, v13;
	[tilespmem:v6+s13+$0x0] =	vst.idx.add.f32.msk $0xffff, v13  }
0x4d: {  	s23 =	simm.s32 $0x0;
	s24 =	simm.s32 $0x60;
	v11 =	vmul.f32 v11, v11;
	v9 =	vmul.f32 v9, v9;
	[tilespmem:v6+s14+$0x0] =	vst.idx.add.f32.msk $0xffff, v14  }
0x4e: {  	s22 =	simm.s32 $0x9010;
	s25 =	smov.u32 s10;
	s21 =	simm.s32 $0x12010;
	v10 =	vmul.f32 v14, v14;
	v8 =	vmul.f32 v7, v7;
	[tilespmem:v6+s15+$0x0] =	vst.idx.add.f32.msk $0xffff, v15  }
.LBB2_4:
0x4f: {  	v13 =	vld [tilespmem:s24+$0x10]  }
0x50: {  	v14 =	vld [tilespmem:s24+$0xFFFFFFF0]  }
0x51: {  	v15 =	vld [tilespmem:s24+$0x0]  }
0x52: {  	v16 =	vld [tilespmem:s24+$0xFFFFFFE0]  }
0x53: {  	s23 =	sadd.s32 $0x4, s23;
	[tilespmem:v6+s16+$0x0] =	vst.idx.add.f32.msk $0xffff, v10  }
0x54: {  	p0 =	slt.u32 s23, $0x7FC;
	v6 =	vadd.s32 v2, v13;
	[tilespmem:v5+s15+$0x0] =	vst.idx.add.f32.msk $0xffff, v12  }
0x55: {  	s25 =	sadd.s32 $0x40, s25;
	[tilespmem:v5+s16+$0x0] =	vst.idx.add.f32.msk $0xffff, v11;
	v5 =	vadd.s32 v2, v14  }
0x56: {  	s26 =	sadd.s32 $0xFFFFFFD0, s25;
	s28 =	sadd.s32 $0xFFFFFFE0, s25;
	s29 =	sadd.s32 $0xFFFFFFF0, s25;
	v11 =	vor.u32 s25, v0;
	v10 =	vadd.s32 v2, v15;
	[tilespmem:v4+s14+$0x0] =	vst.idx.add.f32.msk $0xffff, v7  }
0x57: {  	v12 =	vmov s25;
	v7 =	vmov s26;
	v11 =	vand.u32 $0x3FF, v11;
	[tilespmem:v4+s15+$0x0] =	vst.idx.add.f32.msk $0xffff, v9  }
0x58: {  	v12 =	vshrl.u32 v12, $0xA;
	v9 =	vor.u32 s26, v0;
	v11 =	vcvt.s32.f32 v11;
	[tilespmem:v4+s16+$0x0] =	vst.idx.add.f32.msk $0xffff, v8;
	v4 =	vmovc v10  }
0x59: {  	v12 =	vcvt.s32.f32 v12;
	v8 =	vmov s28;
	v10 =	vor.u32 s28, v0;
	[tilespmem:v6+s12+$0x0] =	vst.idx.add.f32.msk $0xffff, v3  }
0x5a: {  	v13 =	vmov s29;
	v14 =	vor.u32 s29, v0;
	[tilespmem:v6+s13+$0x0] =	vst.idx.add.f32.msk $0xffff, v11;
	v11 =	vmul.f32 v11, v11  }
0x5b: {  	v7 =	vshrl.u32 v7, $0xA;
	v9 =	vand.u32 $0x3CF, v9;
	[tilespmem:v6+s14+$0x0] =	vst.idx.add.f32.msk $0xffff, v12;
	v12 =	vmul.f32 v12, v12  }
0x5c: {  	v14 =	vand.u32 $0x3FF, v14;
	s26 =	simm.s32 $0x0;
	v10 =	vand.u32 $0x3FF, v10;
	v8 =	vshrl.u32 v8, $0xA;
	[tilespmem:v6+s15+$0x0] =	vst.idx.add.f32.msk $0xffff, v11  }
0x5d: {  	v17 =	vcvt.s32.f32 v7;
	v7 =	vshrl.u32 v13, $0xA;
	v15 =	vcvt.s32.f32 v9;
	[tilespmem:v6+s16+$0x0] =	vst.idx.add.f32.msk $0xffff, v12  }
0x5e: {  	v9 =	vcvt.s32.f32 v10;
	v8 =	vcvt.s32.f32 v8;
	v6 =	vadd.s32 v2, v16;
	[tilespmem:v5+s12+$0x0] =	vst.idx.add.f32.msk $0xffff, v3  }
0x5f: {  	v13 =	vcvt.s32.f32 v14;
	v7 =	vcvt.s32.f32 v7;
	[tilespmem:v4+s12+$0x0] =	vst.idx.add.f32.msk $0xffff, v3  }
0x60: {  	v10 =	vmul.f32 v17, v17;
	v14 =	vmul.f32 v15, v15;
	[tilespmem:v5+s13+$0x0] =	vst.idx.add.f32.msk $0xffff, v9  }
0x61: {  	v11 =	vmul.f32 v8, v8;
	v12 =	vmul.f32 v9, v9;
	[tilespmem:v5+s14+$0x0] =	vst.idx.add.f32.msk $0xffff, v8  }
.Ltmp1:
0x62: {  	v9 =	vmul.f32 v13, v13;
	v8 =	vmul.f32 v7, v7;
	[tilespmem:v4+s13+$0x0] =	vst.idx.add.f32.msk $0xffff, v13;
	(pc) =	sbr.rel @p0 .LBB2_4-.Ltmp1, $4  }
0x63: {  	[tilespmem:v6+s12+$0x0] =	vst.idx.add.f32.msk $0xffff, v3  }
0x64: {  	[tilespmem:v6+s13+$0x0] =	vst.idx.add.f32.msk $0xffff, v15  }
0x65: {  	[tilespmem:v6+s14+$0x0] =	vst.idx.add.f32.msk $0xffff, v17  }
0x66: {  	s24 =	sadd.s32 $0x40, s24;
	[tilespmem:v6+s15+$0x0] =	vst.idx.add.f32.msk $0xffff, v14  }
0x67: {  	_ =	sdelay $0x3  }
0x68: {  	[tilespmem:v6+s16+$0x0] =	vst.idx.add.f32.msk $0xffff, v10  }
0x69: {  	[tilespmem:v5+s15+$0x0] =	vst.idx.add.f32.msk $0xffff, v12  }
0x6a: {  	[tilespmem:v4+s14+$0x0] =	vst.idx.add.f32.msk $0xffff, v7  }
0x6b: {  	[tilespmem:v5+s16+$0x0] =	vst.idx.add.f32.msk $0xffff, v11  }
0x6c: {  	[tilespmem:v4+s15+$0x0] =	vst.idx.add.f32.msk $0xffff, v9  }
0x6d: {  	[tilespmem:v4+s16+$0x0] =	vst.idx.add.f32.msk $0xffff, v8  }
0x6e: {  	s23 =	sand.u32 $0x1E0, s26;
	v4 =	vld [tilespmem:s22+$0xFFFFEFF0]  }
0x6f: {  	v5 =	vld [tilespmem:s23+$0x8200]  }
0x70: {  	v6 =	vld [tilespmem:s22+$0xFFFFF000]  }
0x71: {  	v7 =	vld [tilespmem:s23+$0x8400]  }
0x72: {  	v8 =	vld [tilespmem:s22+$0xFFFFF200]  }
0x73: {  	v9 =	vld [tilespmem:s23+$0x8600]  }
0x74: {  	v10 =	vld [tilespmem:s22+$0xFFFFF400]  }
0x75: {  	v11 =	vld [tilespmem:s23+$0x8800]  }
0x76: {  	v12 =	vld [tilespmem:s22+$0xFFFFF600]  }
0x77: {  	v13 =	vld [tilespmem:s23+$0x8A00]  }
0x78: {  	v14 =	vld [tilespmem:s22+$0xFFFFF800]  }
0x79: {  	v15 =	vld [tilespmem:s23+$0x8C00]  }
0x7a: {  	v16 =	vld [tilespmem:s22+$0xFFFFFA00]  }
0x7b: {  	v17 =	vld [tilespmem:s23+$0x8E00]  }
0x7c: {  	v18 =	vld [tilespmem:s22+$0xFFFFFC00]  }
0x7d: {  	v19 =	vld [tilespmem:s23+$0x9000]  }
0x7e: {  	v20 =	vld [tilespmem:s22+$0xFFFFFE00]  }
0x7f: {  	v21 =	vld [tilespmem:s23+$0x9200]  }
0x80: {  	v22 =	vld [tilespmem:s22+$0x0]  }
0x81: {  	v23 =	vld [tilespmem:s23+$0x9400]  }
0x82: {  	v24 =	vld [tilespmem:s22+$0x200]  }
0x83: {  	v25 =	vld [tilespmem:s23+$0x9600]  }
0x84: {  	v26 =	vld [tilespmem:s22+$0x400]  }
0x85: {  	v27 =	vld [tilespmem:s23+$0x9800]  }
0x86: {  	v28 =	vld [tilespmem:s22+$0x600]  }
0x87: {  	v29 =	vld [tilespmem:s23+$0x9A00]  }
0x88: {  	v30 =	vld [tilespmem:s22+$0x800]  }
0x89: {  	v31 =	vld [tilespmem:s23+$0x9C00]  }
0x8a: {  	v32 =	vld [tilespmem:s22+$0xA00]  }
0x8b: {  	v33 =	vld [tilespmem:s23+$0x9E00]  }
0x8c: {  	v34 =	vld [tilespmem:s22+$0xC00]  }
0x8d: {  	s30 =	simm.s32 $0x9030;
	s31 =	simm.s32 $0x20;
	v35 =	vld [tilespmem:s22+$0xE00]  }
0x8e: {  	s22 =	sand.u32 $0x1E0, s31;
	v4 =	vadd.f32 v5, v4;
	v5 =	vadd.f32 v8, v6;
	v6 =	vld [tilespmem:s30+$0xFFFFEFF0]  }
0x8f: {  	v8 =	vld [tilespmem:s22+$0x8200]  }
0x90: {  	v4 =	vadd.f32 v7, v4;
	v7 =	vld [tilespmem:s30+$0xFFFFF000]  }
0x91: {  	v5 =	vadd.f32 v10, v5;
	v10 =	vld [tilespmem:s22+$0x8400]  }
0x92: {  	v4 =	vadd.f32 v9, v4;
	v9 =	vld [tilespmem:s30+$0xFFFFF200]  }
0x93: {  	v55 =	vld [tilespmem:s22+$0x8600];
	v5 =	vadd.f32 v12, v5  }
0x94: {  	v6 =	vadd.f32 v8, v6;
	v4 =	vadd.f32 v11, v4;
	v11 =	vld [tilespmem:s30+$0xFFFFF400]  }
0x95: {  	v8 =	vld [tilespmem:s22+$0x8800];
	v5 =	vadd.f32 v14, v5  }
0x96: {  	v56 =	vld [tilespmem:s30+$0xFFFFF600];
	v6 =	vadd.f32 v10, v6;
	v4 =	vadd.f32 v13, v4  }
0x97: {  	v5 =	vadd.f32 v16, v5;
	v7 =	vadd.f32 v9, v7;
	v9 =	vld [tilespmem:s22+$0x8A00]  }
0x98: {  	v10 =	vld [tilespmem:s30+$0xFFFFF800];
	v6 =	vadd.f32 v55, v6;
	v4 =	vadd.f32 v15, v4  }
0x99: {  	v5 =	vadd.f32 v18, v5;
	v7 =	vadd.f32 v11, v7;
	v11 =	vld [tilespmem:s22+$0x8C00]  }
0x9a: {  	v57 =	vld [tilespmem:s30+$0xFFFFFA00];
	v6 =	vadd.f32 v8, v6;
	v4 =	vadd.f32 v17, v4  }
0x9b: {  	v8 =	vld [tilespmem:s22+$0x8E00];
	v5 =	vadd.f32 v20, v5;
	v7 =	vadd.f32 v56, v7  }
0x9c: {  	v58 =	vld [tilespmem:s30+$0xFFFFFC00];
	v4 =	vadd.f32 v19, v4;
	v6 =	vadd.f32 v9, v6  }
0x9d: {  	v5 =	vadd.f32 v22, v5;
	v9 =	vld [tilespmem:s22+$0x9000];
	v7 =	vadd.f32 v10, v7  }
0x9e: {  	v10 =	vld [tilespmem:s30+$0xFFFFFE00];
	v4 =	vadd.f32 v21, v4;
	v6 =	vadd.f32 v11, v6  }
0x9f: {  	v5 =	vadd.f32 v24, v5;
	v11 =	vld [tilespmem:s22+$0x9200];
	v7 =	vadd.f32 v57, v7  }
0xa0: {  	v59 =	vld [tilespmem:s30+$0x0];
	v4 =	vadd.f32 v23, v4;
	v6 =	vadd.f32 v8, v6  }
0xa1: {  	v5 =	vadd.f32 v26, v5;
	v8 =	vld [tilespmem:s22+$0x9400];
	v7 =	vadd.f32 v58, v7  }
0xa2: {  	v60 =	vld [tilespmem:s30+$0x200];
	v4 =	vadd.f32 v25, v4;
	v6 =	vadd.f32 v9, v6  }
0xa3: {  	v5 =	vadd.f32 v28, v5;
	v9 =	vld [tilespmem:s22+$0x9600];
	v7 =	vadd.f32 v10, v7  }
0xa4: {  	v10 =	vld [tilespmem:s30+$0x400];
	v4 =	vadd.f32 v27, v4;
	v6 =	vadd.f32 v11, v6  }
0xa5: {  	v5 =	vadd.f32 v30, v5;
	v11 =	vld [tilespmem:s22+$0x9800];
	v7 =	vadd.f32 v59, v7  }
0xa6: {  	v61 =	vld [tilespmem:s30+$0x600];
	v4 =	vadd.f32 v29, v4;
	v6 =	vadd.f32 v8, v6  }
0xa7: {  	v62 =	vld [tilespmem:s22+$0x9A00];
	v5 =	vadd.f32 v32, v5;
	v7 =	vadd.f32 v60, v7  }
0xa8: {  	v63 =	vld [tilespmem:s30+$0x800];
	v8 =	vadd.f32 v31, v4;
	v9 =	vadd.f32 v9, v6  }
0xa9: {  	v5 =	vadd.f32 v34, v5;
	v4 =	vld [tilespmem:s22+$0x9C00];
	v7 =	vadd.f32 v10, v7  }
0xaa: {  	v6 =	vld [tilespmem:s30+$0xA00];
	v8 =	vadd.f32 v33, v8;
	v9 =	vadd.f32 v11, v9  }
0xab: {  	v10 =	vadd.f32 v35, v5;
	v5 =	vld [tilespmem:s22+$0x9E00];
	v7 =	vadd.f32 v61, v7  }
0xac: {  	[tilespmem:s21+$0xFFFFFFF0] =	vst v8;
	v8 =	vld [tilespmem:s30+$0xC00];
	v9 =	vadd.f32 v62, v9  }
0xad: {  	s24 =	simm.s32 $0x40;
	s23 =	simm.s32 $0x9050;
	s22 =	simm.s32 $0x2;
	[tilespmem:s21+$0x0] =	vst v10;
	v10 =	vadd.f32 v63, v7;
	v7 =	vld [tilespmem:s30+$0xE00]  }
.LBB2_6:
0xae: {  	v11 =	vld [tilespmem:s23+$0xFFFFEFF0];
	s25 =	sand.u32 $0x1E0, s24;
	s22 =	sadd.s32 $0x2, s22;
	v4 =	vadd.f32 v4, v9  }
0xaf: {  	v9 =	vld [tilespmem:s25+$0x8200];
	p0 =	slt.u32 s22, $0x1E;
	v6 =	vadd.f32 v6, v10  }
0xb0: {  	v10 =	vld [tilespmem:s23+$0xFFFFF000];
	v4 =	vadd.f32 v5, v4  }
0xb1: {  	s21 =	sadd.s32 $0x20, s21;
	v5 =	vld [tilespmem:s25+$0x8400];
	v6 =	vadd.f32 v8, v6  }
0xb2: {  	v8 =	vld [tilespmem:s23+$0xFFFFF200];
	[tilespmem:s21+$0xFFFFFFF0] =	vst v4  }
0xb3: {  	v4 =	vld [tilespmem:s25+$0x8600];
	v6 =	vadd.f32 v7, v6  }
0xb4: {  	v7 =	vadd.f32 v9, v11;
	v9 =	vld [tilespmem:s23+$0xFFFFF400]  }
0xb5: {  	v11 =	vld [tilespmem:s25+$0x8800];
	[tilespmem:s21+$0x0] =	vst v6  }
0xb6: {  	v5 =	vadd.f32 v5, v7;
	v6 =	vld [tilespmem:s23+$0xFFFFF600]  }
0xb7: {  	v7 =	vld [tilespmem:s25+$0x8A00];
	v8 =	vadd.f32 v8, v10  }
0xb8: {  	v4 =	vadd.f32 v4, v5;
	v5 =	vld [tilespmem:s23+$0xFFFFF800]  }
0xb9: {  	v10 =	vld [tilespmem:s25+$0x8C00];
	v8 =	vadd.f32 v9, v8  }
0xba: {  	v4 =	vadd.f32 v11, v4;
	v9 =	vld [tilespmem:s23+$0xFFFFFA00]  }
0xbb: {  	v11 =	vld [tilespmem:s25+$0x8E00];
	v6 =	vadd.f32 v6, v8  }
0xbc: {  	v4 =	vadd.f32 v7, v4;
	v7 =	vld [tilespmem:s23+$0xFFFFFC00]  }
0xbd: {  	v8 =	vld [tilespmem:s25+$0x9000];
	v5 =	vadd.f32 v5, v6  }
0xbe: {  	v4 =	vadd.f32 v10, v4;
	v6 =	vld [tilespmem:s23+$0xFFFFFE00]  }
0xbf: {  	v10 =	vld [tilespmem:s25+$0x9200];
	v5 =	vadd.f32 v9, v5  }
0xc0: {  	v4 =	vadd.f32 v11, v4;
	v9 =	vld [tilespmem:s23+$0x0]  }
0xc1: {  	v11 =	vld [tilespmem:s25+$0x9400];
	v5 =	vadd.f32 v7, v5  }
0xc2: {  	v4 =	vadd.f32 v8, v4;
	v7 =	vld [tilespmem:s23+$0x200]  }
0xc3: {  	v8 =	vld [tilespmem:s25+$0x9600];
	v5 =	vadd.f32 v6, v5  }
0xc4: {  	v4 =	vadd.f32 v10, v4;
	v6 =	vld [tilespmem:s23+$0x400]  }
0xc5: {  	v10 =	vld [tilespmem:s25+$0x9800];
	v5 =	vadd.f32 v9, v5  }
0xc6: {  	v4 =	vadd.f32 v11, v4;
	v9 =	vld [tilespmem:s23+$0x600]  }
0xc7: {  	v11 =	vld [tilespmem:s25+$0x9A00];
	v5 =	vadd.f32 v7, v5  }
0xc8: {  	v7 =	vadd.f32 v8, v4;
	v12 =	vld [tilespmem:s23+$0x800]  }
.Ltmp2:
0xc9: {  	v4 =	vld [tilespmem:s25+$0x9C00];
	v8 =	vadd.f32 v6, v5;
	(pc) =	sbr.rel @p0 .LBB2_6-.Ltmp2, $4  }
0xca: {  	v7 =	vadd.f32 v10, v7;
	v6 =	vld [tilespmem:s23+$0xA00]  }
0xcb: {  	v5 =	vld [tilespmem:s25+$0x9E00];
	v10 =	vadd.f32 v9, v8  }
0xcc: {  	v9 =	vadd.f32 v11, v7;
	v8 =	vld [tilespmem:s23+$0xC00]  }
0xcd: {  	s24 =	sadd.s32 $0x20, s24;
	v10 =	vadd.f32 v12, v10;
	v7 =	vld [tilespmem:s23+$0xE00];
	s23 =	sadd.s32 $0x20, s23  }
0xce: {  	_ = 	snop  }
0xcf: {  	v6 =	vadd.f32 v6, v10  }
0xd0: {  	v4 =	vadd.f32 v4, v9  }
0xd1: {  	v6 =	vadd.f32 v8, v6  }
0xd2: {  	v4 =	vadd.f32 v5, v4  }
0xd3: {  	s21 =	sadd.s32 $0x20, s21;
	v5 =	vadd.f32 v7, v6  }
0xd4: {  	[tilespmem:s21+$0xFFFFFFF0] =	vst v4  }
0xd5: {  	[tilespmem:s21+$0x0] =	vst v5  }
0xd6: {  	[hbm4b:s4+s17] =	stream.strided.scatter [tilespmem:s19], [sflag:$0x1], $0x200, s18, s17, $0x38;
	[tilespmem:$0x12200] =	vst v63  }
0xd7: {  	_ =	swait.ge [sflag:s11], $0x200  }
0xd8: {  	[sflag:s11] =	ssyncset.done $0x0  }
0xd9: {  	s29 =	simm.s32 $0xB010;
	s22 =	simm.s32 $0x0;
	[sflag:s11] =	ssyncadd.s32 $0xFFFFFE00  }
0xda: {  	s22 =	sand.u32 $0x1E0, s22;
	v4 =	vld [tilespmem:s29+$0xFFFFEFF0]  }
0xdb: {  	v5 =	vld [tilespmem:s22+$0xA200]  }
0xdc: {  	v6 =	vld [tilespmem:s29+$0xFFFFF000]  }
0xdd: {  	v7 =	vld [tilespmem:s22+$0xA400]  }
0xde: {  	v8 =	vld [tilespmem:s29+$0xFFFFF200]  }
0xdf: {  	v9 =	vld [tilespmem:s22+$0xA600]  }
0xe0: {  	v10 =	vld [tilespmem:s29+$0xFFFFF400]  }
0xe1: {  	v11 =	vld [tilespmem:s22+$0xA800]  }
0xe2: {  	v12 =	vld [tilespmem:s29+$0xFFFFF600]  }
0xe3: {  	v13 =	vld [tilespmem:s22+$0xAA00]  }
0xe4: {  	v14 =	vld [tilespmem:s29+$0xFFFFF800]  }
0xe5: {  	v15 =	vld [tilespmem:s22+$0xAC00]  }
0xe6: {  	v16 =	vld [tilespmem:s29+$0xFFFFFA00]  }
0xe7: {  	v17 =	vld [tilespmem:s22+$0xAE00]  }
0xe8: {  	v18 =	vld [tilespmem:s29+$0xFFFFFC00]  }
0xe9: {  	v19 =	vld [tilespmem:s22+$0xB000]  }
0xea: {  	v20 =	vld [tilespmem:s29+$0xFFFFFE00]  }
0xeb: {  	v21 =	vld [tilespmem:s22+$0xB200]  }
0xec: {  	v22 =	vld [tilespmem:s29+$0x0]  }
0xed: {  	v23 =	vld [tilespmem:s22+$0xB400]  }
0xee: {  	v24 =	vld [tilespmem:s29+$0x200]  }
0xef: {  	v25 =	vld [tilespmem:s22+$0xB600]  }
0xf0: {  	v26 =	vld [tilespmem:s29+$0x400]  }
0xf1: {  	v27 =	vld [tilespmem:s22+$0xB800]  }
0xf2: {  	v28 =	vld [tilespmem:s29+$0x600]  }
0xf3: {  	v29 =	vld [tilespmem:s22+$0xBA00]  }
0xf4: {  	v30 =	vld [tilespmem:s29+$0x800]  }
0xf5: {  	v31 =	vld [tilespmem:s22+$0xBC00]  }
0xf6: {  	v32 =	vld [tilespmem:s29+$0xA00]  }
0xf7: {  	v33 =	vld [tilespmem:s22+$0xBE00]  }
0xf8: {  	v34 =	vld [tilespmem:s29+$0xC00]  }
0xf9: {  	s23 =	simm.s32 $0xB030;
	s30 =	simm.s32 $0x20;
	v35 =	vld [tilespmem:s29+$0xE00];
	v4 =	vadd.f32 v5, v4  }
0xfa: {  	s31 =	sand.u32 $0x1E0, s30;
	v5 =	vadd.f32 v8, v6;
	v6 =	vld [tilespmem:s23+$0xFFFFEFF0]  }
0xfb: {  	v8 =	vld [tilespmem:s31+$0xA200];
	v4 =	vadd.f32 v7, v4  }
0xfc: {  	v5 =	vadd.f32 v10, v5;
	v7 =	vld [tilespmem:s23+$0xFFFFF000]  }
0xfd: {  	v10 =	vld [tilespmem:s31+$0xA400];
	v4 =	vadd.f32 v9, v4  }
0xfe: {  	v5 =	vadd.f32 v12, v5;
	v9 =	vld [tilespmem:s23+$0xFFFFF200]  }
0xff: {  	v55 =	vld [tilespmem:s31+$0xA600];
	v4 =	vadd.f32 v11, v4  }
0x100: {  	v6 =	vadd.f32 v8, v6;
	v5 =	vadd.f32 v14, v5;
	v11 =	vld [tilespmem:s23+$0xFFFFF400]  }
0x101: {  	v8 =	vld [tilespmem:s31+$0xA800];
	v4 =	vadd.f32 v13, v4  }
0x102: {  	v56 =	vld [tilespmem:s23+$0xFFFFF600];
	v6 =	vadd.f32 v10, v6;
	v5 =	vadd.f32 v16, v5  }
0x103: {  	v7 =	vadd.f32 v9, v7;
	v9 =	vld [tilespmem:s31+$0xAA00];
	v4 =	vadd.f32 v15, v4  }
0x104: {  	v10 =	vld [tilespmem:s23+$0xFFFFF800];
	v6 =	vadd.f32 v55, v6;
	v5 =	vadd.f32 v18, v5  }
0x105: {  	v7 =	vadd.f32 v11, v7;
	v11 =	vld [tilespmem:s31+$0xAC00];
	v4 =	vadd.f32 v17, v4  }
0x106: {  	v57 =	vld [tilespmem:s23+$0xFFFFFA00];
	v6 =	vadd.f32 v8, v6;
	v5 =	vadd.f32 v20, v5  }
0x107: {  	v8 =	vld [tilespmem:s31+$0xAE00];
	v7 =	vadd.f32 v56, v7;
	v4 =	vadd.f32 v19, v4  }
0x108: {  	v58 =	vld [tilespmem:s23+$0xFFFFFC00];
	v5 =	vadd.f32 v22, v5;
	v6 =	vadd.f32 v9, v6  }
0x109: {  	v9 =	vld [tilespmem:s31+$0xB000];
	v7 =	vadd.f32 v10, v7;
	v4 =	vadd.f32 v21, v4  }
0x10a: {  	v10 =	vld [tilespmem:s23+$0xFFFFFE00];
	v5 =	vadd.f32 v24, v5;
	v6 =	vadd.f32 v11, v6  }
0x10b: {  	v11 =	vld [tilespmem:s31+$0xB200];
	v7 =	vadd.f32 v57, v7;
	v4 =	vadd.f32 v23, v4  }
0x10c: {  	v59 =	vld [tilespmem:s23+$0x0];
	v5 =	vadd.f32 v26, v5;
	v6 =	vadd.f32 v8, v6  }
0x10d: {  	v8 =	vld [tilespmem:s31+$0xB400];
	v7 =	vadd.f32 v58, v7;
	v4 =	vadd.f32 v25, v4  }
0x10e: {  	v60 =	vld [tilespmem:s23+$0x200];
	v5 =	vadd.f32 v28, v5;
	v6 =	vadd.f32 v9, v6  }
0x10f: {  	v9 =	vld [tilespmem:s31+$0xB600];
	v7 =	vadd.f32 v10, v7;
	v4 =	vadd.f32 v27, v4  }
0x110: {  	v10 =	vld [tilespmem:s23+$0x400];
	v5 =	vadd.f32 v30, v5;
	v6 =	vadd.f32 v11, v6  }
0x111: {  	v11 =	vld [tilespmem:s31+$0xB800];
	v7 =	vadd.f32 v59, v7;
	v4 =	vadd.f32 v29, v4  }
0x112: {  	v61 =	vld [tilespmem:s23+$0x600];
	v5 =	vadd.f32 v32, v5;
	v6 =	vadd.f32 v8, v6  }
0x113: {  	v62 =	vld [tilespmem:s31+$0xBA00];
	v7 =	vadd.f32 v60, v7;
	v8 =	vadd.f32 v31, v4  }
0x114: {  	v63 =	vld [tilespmem:s23+$0x800];
	v5 =	vadd.f32 v34, v5;
	v6 =	vadd.f32 v9, v6  }
0x115: {  	v4 =	vld [tilespmem:s31+$0xBC00];
	v7 =	vadd.f32 v10, v7;
	v8 =	vadd.f32 v33, v8  }
0x116: {  	s21 =	simm.s32 $0x12010;
	v9 =	vadd.f32 v35, v5;
	v5 =	vld [tilespmem:s23+$0xA00];
	v10 =	vadd.f32 v11, v6  }
0x117: {  	v6 =	vld [tilespmem:s31+$0xBE00];
	v7 =	vadd.f32 v61, v7;
	[tilespmem:s21+$0xFFFFFFF0] =	vst v8  }
0x118: {  	v8 =	vld [tilespmem:s23+$0xC00];
	[tilespmem:s21+$0x0] =	vst v9;
	v9 =	vadd.f32 v62, v10  }
0x119: {  	s24 =	simm.s32 $0x40;
	s22 =	simm.s32 $0x2;
	v10 =	vadd.f32 v63, v7;
	v7 =	vld [tilespmem:s23+$0xE00];
	s23 =	simm.s32 $0xB050  }
.LBB2_8:
0x11a: {  	v11 =	vld [tilespmem:s23+$0xFFFFEFF0];
	s25 =	sand.u32 $0x1E0, s24;
	s22 =	sadd.s32 $0x2, s22;
	v4 =	vadd.f32 v4, v9  }
0x11b: {  	v9 =	vld [tilespmem:s25+$0xA200];
	p0 =	slt.u32 s22, $0x1E;
	v5 =	vadd.f32 v5, v10  }
0x11c: {  	v10 =	vld [tilespmem:s23+$0xFFFFF000];
	v4 =	vadd.f32 v6, v4  }
0x11d: {  	s21 =	sadd.s32 $0x20, s21;
	v6 =	vld [tilespmem:s25+$0xA400];
	v5 =	vadd.f32 v8, v5  }
0x11e: {  	v8 =	vld [tilespmem:s23+$0xFFFFF200];
	[tilespmem:s21+$0xFFFFFFF0] =	vst v4  }
0x11f: {  	v4 =	vld [tilespmem:s25+$0xA600];
	v5 =	vadd.f32 v7, v5  }
0x120: {  	v7 =	vadd.f32 v9, v11;
	v9 =	vld [tilespmem:s23+$0xFFFFF400]  }
0x121: {  	v11 =	vld [tilespmem:s25+$0xA800];
	[tilespmem:s21+$0x0] =	vst v5  }
0x122: {  	v5 =	vadd.f32 v6, v7;
	v6 =	vld [tilespmem:s23+$0xFFFFF600]  }
0x123: {  	v7 =	vld [tilespmem:s25+$0xAA00];
	v8 =	vadd.f32 v8, v10  }
0x124: {  	v4 =	vadd.f32 v4, v5;
	v5 =	vld [tilespmem:s23+$0xFFFFF800]  }
0x125: {  	v10 =	vld [tilespmem:s25+$0xAC00];
	v8 =	vadd.f32 v9, v8  }
0x126: {  	v4 =	vadd.f32 v11, v4;
	v9 =	vld [tilespmem:s23+$0xFFFFFA00]  }
0x127: {  	v11 =	vld [tilespmem:s25+$0xAE00];
	v6 =	vadd.f32 v6, v8  }
0x128: {  	v4 =	vadd.f32 v7, v4;
	v7 =	vld [tilespmem:s23+$0xFFFFFC00]  }
0x129: {  	v8 =	vld [tilespmem:s25+$0xB000];
	v5 =	vadd.f32 v5, v6  }
0x12a: {  	v4 =	vadd.f32 v10, v4;
	v6 =	vld [tilespmem:s23+$0xFFFFFE00]  }
0x12b: {  	v10 =	vld [tilespmem:s25+$0xB200];
	v5 =	vadd.f32 v9, v5  }
0x12c: {  	v4 =	vadd.f32 v11, v4;
	v9 =	vld [tilespmem:s23+$0x0]  }
0x12d: {  	v11 =	vld [tilespmem:s25+$0xB400];
	v5 =	vadd.f32 v7, v5  }
0x12e: {  	v4 =	vadd.f32 v8, v4;
	v7 =	vld [tilespmem:s23+$0x200]  }
0x12f: {  	v8 =	vld [tilespmem:s25+$0xB600];
	v5 =	vadd.f32 v6, v5  }
0x130: {  	v4 =	vadd.f32 v10, v4;
	v6 =	vld [tilespmem:s23+$0x400]  }
0x131: {  	v10 =	vld [tilespmem:s25+$0xB800];
	v5 =	vadd.f32 v9, v5  }
0x132: {  	v4 =	vadd.f32 v11, v4;
	v9 =	vld [tilespmem:s23+$0x600]  }
0x133: {  	v11 =	vld [tilespmem:s25+$0xBA00];
	v5 =	vadd.f32 v7, v5  }
0x134: {  	v7 =	vadd.f32 v8, v4;
	v12 =	vld [tilespmem:s23+$0x800]  }
.Ltmp3:
0x135: {  	v4 =	vld [tilespmem:s25+$0xBC00];
	v8 =	vadd.f32 v6, v5;
	(pc) =	sbr.rel @p0 .LBB2_8-.Ltmp3, $4  }
0x136: {  	v7 =	vadd.f32 v10, v7;
	v5 =	vld [tilespmem:s23+$0xA00]  }
0x137: {  	v6 =	vld [tilespmem:s25+$0xBE00];
	v10 =	vadd.f32 v9, v8  }
0x138: {  	v9 =	vadd.f32 v11, v7;
	v8 =	vld [tilespmem:s23+$0xC00]  }
0x139: {  	s24 =	sadd.s32 $0x20, s24;
	v10 =	vadd.f32 v12, v10;
	v7 =	vld [tilespmem:s23+$0xE00];
	s23 =	sadd.s32 $0x20, s23  }
0x13a: {  	_ = 	snop  }
0x13b: {  	v5 =	vadd.f32 v5, v10  }
0x13c: {  	v4 =	vadd.f32 v4, v9  }
0x13d: {  	v5 =	vadd.f32 v8, v5  }
0x13e: {  	v4 =	vadd.f32 v6, v4  }
0x13f: {  	s21 =	sadd.s32 $0x20, s21;
	v5 =	vadd.f32 v7, v5  }
0x140: {  	[tilespmem:s21+$0xFFFFFFF0] =	vst v4  }
0x141: {  	[tilespmem:s21+$0x0] =	vst v5  }
0x142: {  	[hbm4b:s5+s17] =	stream.strided.scatter [tilespmem:s19], [sflag:$0x1], $0x200, s18, s17, $0x38;
	[tilespmem:$0x12200] =	vst v63  }
0x143: {  	_ =	swait.ge [sflag:s11], $0x200  }
0x144: {  	[sflag:s11] =	ssyncset.done $0x0  }
0x145: {  	s29 =	simm.s32 $0xD010;
	s22 =	simm.s32 $0x0;
	[sflag:s11] =	ssyncadd.s32 $0xFFFFFE00  }
0x146: {  	s22 =	sand.u32 $0x1E0, s22;
	v4 =	vld [tilespmem:s29+$0xFFFFEFF0]  }
0x147: {  	v5 =	vld [tilespmem:s22+$0xC200]  }
0x148: {  	v6 =	vld [tilespmem:s29+$0xFFFFF000]  }
0x149: {  	v7 =	vld [tilespmem:s22+$0xC400]  }
0x14a: {  	v8 =	vld [tilespmem:s29+$0xFFFFF200]  }
0x14b: {  	v9 =	vld [tilespmem:s22+$0xC600]  }
0x14c: {  	v10 =	vld [tilespmem:s29+$0xFFFFF400]  }
0x14d: {  	v11 =	vld [tilespmem:s22+$0xC800]  }
0x14e: {  	v12 =	vld [tilespmem:s29+$0xFFFFF600]  }
0x14f: {  	v13 =	vld [tilespmem:s22+$0xCA00]  }
0x150: {  	v14 =	vld [tilespmem:s29+$0xFFFFF800]  }
0x151: {  	v15 =	vld [tilespmem:s22+$0xCC00]  }
0x152: {  	v16 =	vld [tilespmem:s29+$0xFFFFFA00]  }
0x153: {  	v17 =	vld [tilespmem:s22+$0xCE00]  }
0x154: {  	v18 =	vld [tilespmem:s29+$0xFFFFFC00]  }
0x155: {  	v19 =	vld [tilespmem:s22+$0xD000]  }
0x156: {  	v20 =	vld [tilespmem:s29+$0xFFFFFE00]  }
0x157: {  	v21 =	vld [tilespmem:s22+$0xD200]  }
0x158: {  	v22 =	vld [tilespmem:s29+$0x0]  }
0x159: {  	v23 =	vld [tilespmem:s22+$0xD400]  }
0x15a: {  	v24 =	vld [tilespmem:s29+$0x200]  }
0x15b: {  	v25 =	vld [tilespmem:s22+$0xD600]  }
0x15c: {  	v26 =	vld [tilespmem:s29+$0x400]  }
0x15d: {  	v27 =	vld [tilespmem:s22+$0xD800]  }
0x15e: {  	v28 =	vld [tilespmem:s29+$0x600]  }
0x15f: {  	v29 =	vld [tilespmem:s22+$0xDA00]  }
0x160: {  	v30 =	vld [tilespmem:s29+$0x800]  }
0x161: {  	v31 =	vld [tilespmem:s22+$0xDC00]  }
0x162: {  	v32 =	vld [tilespmem:s29+$0xA00]  }
0x163: {  	v33 =	vld [tilespmem:s22+$0xDE00]  }
0x164: {  	v34 =	vld [tilespmem:s29+$0xC00]  }
0x165: {  	s23 =	simm.s32 $0xD030;
	s30 =	simm.s32 $0x20;
	v35 =	vld [tilespmem:s29+$0xE00];
	v4 =	vadd.f32 v5, v4  }
0x166: {  	s31 =	sand.u32 $0x1E0, s30;
	v5 =	vadd.f32 v8, v6;
	v6 =	vld [tilespmem:s23+$0xFFFFEFF0]  }
0x167: {  	v8 =	vld [tilespmem:s31+$0xC200];
	v4 =	vadd.f32 v7, v4  }
0x168: {  	v5 =	vadd.f32 v10, v5;
	v7 =	vld [tilespmem:s23+$0xFFFFF000]  }
0x169: {  	v10 =	vld [tilespmem:s31+$0xC400];
	v4 =	vadd.f32 v9, v4  }
0x16a: {  	v5 =	vadd.f32 v12, v5;
	v9 =	vld [tilespmem:s23+$0xFFFFF200]  }
0x16b: {  	v55 =	vld [tilespmem:s31+$0xC600];
	v4 =	vadd.f32 v11, v4  }
0x16c: {  	v6 =	vadd.f32 v8, v6;
	v5 =	vadd.f32 v14, v5;
	v11 =	vld [tilespmem:s23+$0xFFFFF400]  }
0x16d: {  	v8 =	vld [tilespmem:s31+$0xC800];
	v4 =	vadd.f32 v13, v4  }
0x16e: {  	v56 =	vld [tilespmem:s23+$0xFFFFF600];
	v6 =	vadd.f32 v10, v6;
	v5 =	vadd.f32 v16, v5  }
0x16f: {  	v7 =	vadd.f32 v9, v7;
	v9 =	vld [tilespmem:s31+$0xCA00];
	v4 =	vadd.f32 v15, v4  }
0x170: {  	v10 =	vld [tilespmem:s23+$0xFFFFF800];
	v6 =	vadd.f32 v55, v6;
	v5 =	vadd.f32 v18, v5  }
0x171: {  	v7 =	vadd.f32 v11, v7;
	v11 =	vld [tilespmem:s31+$0xCC00];
	v4 =	vadd.f32 v17, v4  }
0x172: {  	v57 =	vld [tilespmem:s23+$0xFFFFFA00];
	v6 =	vadd.f32 v8, v6;
	v5 =	vadd.f32 v20, v5  }
0x173: {  	v8 =	vld [tilespmem:s31+$0xCE00];
	v7 =	vadd.f32 v56, v7;
	v4 =	vadd.f32 v19, v4  }
0x174: {  	v58 =	vld [tilespmem:s23+$0xFFFFFC00];
	v5 =	vadd.f32 v22, v5;
	v6 =	vadd.f32 v9, v6  }
0x175: {  	v9 =	vld [tilespmem:s31+$0xD000];
	v7 =	vadd.f32 v10, v7;
	v4 =	vadd.f32 v21, v4  }
0x176: {  	v10 =	vld [tilespmem:s23+$0xFFFFFE00];
	v5 =	vadd.f32 v24, v5;
	v6 =	vadd.f32 v11, v6  }
0x177: {  	v11 =	vld [tilespmem:s31+$0xD200];
	v7 =	vadd.f32 v57, v7;
	v4 =	vadd.f32 v23, v4  }
0x178: {  	v59 =	vld [tilespmem:s23+$0x0];
	v5 =	vadd.f32 v26, v5;
	v6 =	vadd.f32 v8, v6  }
0x179: {  	v8 =	vld [tilespmem:s31+$0xD400];
	v7 =	vadd.f32 v58, v7;
	v4 =	vadd.f32 v25, v4  }
0x17a: {  	v60 =	vld [tilespmem:s23+$0x200];
	v5 =	vadd.f32 v28, v5;
	v6 =	vadd.f32 v9, v6  }
0x17b: {  	v9 =	vld [tilespmem:s31+$0xD600];
	v7 =	vadd.f32 v10, v7;
	v4 =	vadd.f32 v27, v4  }
0x17c: {  	v10 =	vld [tilespmem:s23+$0x400];
	v5 =	vadd.f32 v30, v5;
	v6 =	vadd.f32 v11, v6  }
0x17d: {  	v11 =	vld [tilespmem:s31+$0xD800];
	v7 =	vadd.f32 v59, v7;
	v4 =	vadd.f32 v29, v4  }
0x17e: {  	v61 =	vld [tilespmem:s23+$0x600];
	v5 =	vadd.f32 v32, v5;
	v6 =	vadd.f32 v8, v6  }
0x17f: {  	v62 =	vld [tilespmem:s31+$0xDA00];
	v7 =	vadd.f32 v60, v7;
	v8 =	vadd.f32 v31, v4  }
0x180: {  	v63 =	vld [tilespmem:s23+$0x800];
	v5 =	vadd.f32 v34, v5;
	v6 =	vadd.f32 v9, v6  }
0x181: {  	v4 =	vld [tilespmem:s31+$0xDC00];
	v7 =	vadd.f32 v10, v7;
	v8 =	vadd.f32 v33, v8  }
0x182: {  	s21 =	simm.s32 $0x12010;
	v9 =	vadd.f32 v35, v5;
	v5 =	vld [tilespmem:s23+$0xA00];
	v10 =	vadd.f32 v11, v6  }
0x183: {  	v6 =	vld [tilespmem:s31+$0xDE00];
	v7 =	vadd.f32 v61, v7;
	[tilespmem:s21+$0xFFFFFFF0] =	vst v8  }
0x184: {  	v8 =	vld [tilespmem:s23+$0xC00];
	[tilespmem:s21+$0x0] =	vst v9;
	v9 =	vadd.f32 v62, v10  }
0x185: {  	s24 =	simm.s32 $0x40;
	s22 =	simm.s32 $0x2;
	v10 =	vadd.f32 v63, v7;
	v7 =	vld [tilespmem:s23+$0xE00];
	s23 =	simm.s32 $0xD050  }
.LBB2_10:
0x186: {  	v11 =	vld [tilespmem:s23+$0xFFFFEFF0];
	s25 =	sand.u32 $0x1E0, s24;
	s22 =	sadd.s32 $0x2, s22;
	v4 =	vadd.f32 v4, v9  }
0x187: {  	v9 =	vld [tilespmem:s25+$0xC200];
	p0 =	slt.u32 s22, $0x1E;
	v5 =	vadd.f32 v5, v10  }
0x188: {  	v10 =	vld [tilespmem:s23+$0xFFFFF000];
	v4 =	vadd.f32 v6, v4  }
0x189: {  	s21 =	sadd.s32 $0x20, s21;
	v6 =	vld [tilespmem:s25+$0xC400];
	v5 =	vadd.f32 v8, v5  }
0x18a: {  	v8 =	vld [tilespmem:s23+$0xFFFFF200];
	[tilespmem:s21+$0xFFFFFFF0] =	vst v4  }
0x18b: {  	v4 =	vld [tilespmem:s25+$0xC600];
	v5 =	vadd.f32 v7, v5  }
0x18c: {  	v7 =	vadd.f32 v9, v11;
	v9 =	vld [tilespmem:s23+$0xFFFFF400]  }
0x18d: {  	v11 =	vld [tilespmem:s25+$0xC800];
	[tilespmem:s21+$0x0] =	vst v5  }
0x18e: {  	v5 =	vadd.f32 v6, v7;
	v6 =	vld [tilespmem:s23+$0xFFFFF600]  }
0x18f: {  	v7 =	vld [tilespmem:s25+$0xCA00];
	v8 =	vadd.f32 v8, v10  }
0x190: {  	v4 =	vadd.f32 v4, v5;
	v5 =	vld [tilespmem:s23+$0xFFFFF800]  }
0x191: {  	v10 =	vld [tilespmem:s25+$0xCC00];
	v8 =	vadd.f32 v9, v8  }
0x192: {  	v4 =	vadd.f32 v11, v4;
	v9 =	vld [tilespmem:s23+$0xFFFFFA00]  }
0x193: {  	v11 =	vld [tilespmem:s25+$0xCE00];
	v6 =	vadd.f32 v6, v8  }
0x194: {  	v4 =	vadd.f32 v7, v4;
	v7 =	vld [tilespmem:s23+$0xFFFFFC00]  }
0x195: {  	v8 =	vld [tilespmem:s25+$0xD000];
	v5 =	vadd.f32 v5, v6  }
0x196: {  	v4 =	vadd.f32 v10, v4;
	v6 =	vld [tilespmem:s23+$0xFFFFFE00]  }
0x197: {  	v10 =	vld [tilespmem:s25+$0xD200];
	v5 =	vadd.f32 v9, v5  }
0x198: {  	v4 =	vadd.f32 v11, v4;
	v9 =	vld [tilespmem:s23+$0x0]  }
0x199: {  	v11 =	vld [tilespmem:s25+$0xD400];
	v5 =	vadd.f32 v7, v5  }
0x19a: {  	v4 =	vadd.f32 v8, v4;
	v7 =	vld [tilespmem:s23+$0x200]  }
0x19b: {  	v8 =	vld [tilespmem:s25+$0xD600];
	v5 =	vadd.f32 v6, v5  }
0x19c: {  	v4 =	vadd.f32 v10, v4;
	v6 =	vld [tilespmem:s23+$0x400]  }
0x19d: {  	v10 =	vld [tilespmem:s25+$0xD800];
	v5 =	vadd.f32 v9, v5  }
0x19e: {  	v4 =	vadd.f32 v11, v4;
	v9 =	vld [tilespmem:s23+$0x600]  }
0x19f: {  	v11 =	vld [tilespmem:s25+$0xDA00];
	v5 =	vadd.f32 v7, v5  }
0x1a0: {  	v7 =	vadd.f32 v8, v4;
	v12 =	vld [tilespmem:s23+$0x800]  }
.Ltmp4:
0x1a1: {  	v4 =	vld [tilespmem:s25+$0xDC00];
	v8 =	vadd.f32 v6, v5;
	(pc) =	sbr.rel @p0 .LBB2_10-.Ltmp4, $4  }
0x1a2: {  	v7 =	vadd.f32 v10, v7;
	v5 =	vld [tilespmem:s23+$0xA00]  }
0x1a3: {  	v6 =	vld [tilespmem:s25+$0xDE00];
	v10 =	vadd.f32 v9, v8  }
0x1a4: {  	v9 =	vadd.f32 v11, v7;
	v8 =	vld [tilespmem:s23+$0xC00]  }
0x1a5: {  	s24 =	sadd.s32 $0x20, s24;
	v10 =	vadd.f32 v12, v10;
	v7 =	vld [tilespmem:s23+$0xE00];
	s23 =	sadd.s32 $0x20, s23  }
0x1a6: {  	_ = 	snop  }
0x1a7: {  	v5 =	vadd.f32 v5, v10  }
0x1a8: {  	v4 =	vadd.f32 v4, v9  }
0x1a9: {  	v5 =	vadd.f32 v8, v5  }
0x1aa: {  	v4 =	vadd.f32 v6, v4  }
0x1ab: {  	s21 =	sadd.s32 $0x20, s21;
	v5 =	vadd.f32 v7, v5  }
0x1ac: {  	[tilespmem:s21+$0xFFFFFFF0] =	vst v4  }
0x1ad: {  	[tilespmem:s21+$0x0] =	vst v5  }
0x1ae: {  	[hbm4b:s6+s17] =	stream.strided.scatter [tilespmem:s19], [sflag:$0x1], $0x200, s18, s17, $0x38;
	[tilespmem:$0x12200] =	vst v63  }
0x1af: {  	_ =	swait.ge [sflag:s11], $0x200  }
0x1b0: {  	[sflag:s11] =	ssyncset.done $0x0  }
0x1b1: {  	s29 =	simm.s32 $0xF010;
	s22 =	simm.s32 $0x0;
	[sflag:s11] =	ssyncadd.s32 $0xFFFFFE00  }
0x1b2: {  	s22 =	sand.u32 $0x1E0, s22;
	v4 =	vld [tilespmem:s29+$0xFFFFEFF0]  }
0x1b3: {  	v5 =	vld [tilespmem:s22+$0xE200]  }
0x1b4: {  	v6 =	vld [tilespmem:s29+$0xFFFFF000]  }
0x1b5: {  	v7 =	vld [tilespmem:s22+$0xE400]  }
0x1b6: {  	v8 =	vld [tilespmem:s29+$0xFFFFF200]  }
0x1b7: {  	v9 =	vld [tilespmem:s22+$0xE600]  }
0x1b8: {  	v10 =	vld [tilespmem:s29+$0xFFFFF400]  }
0x1b9: {  	v11 =	vld [tilespmem:s22+$0xE800]  }
0x1ba: {  	v12 =	vld [tilespmem:s29+$0xFFFFF600]  }
0x1bb: {  	v13 =	vld [tilespmem:s22+$0xEA00]  }
0x1bc: {  	v14 =	vld [tilespmem:s29+$0xFFFFF800]  }
0x1bd: {  	v15 =	vld [tilespmem:s22+$0xEC00]  }
0x1be: {  	v16 =	vld [tilespmem:s29+$0xFFFFFA00]  }
0x1bf: {  	v17 =	vld [tilespmem:s22+$0xEE00]  }
0x1c0: {  	v18 =	vld [tilespmem:s29+$0xFFFFFC00]  }
0x1c1: {  	v19 =	vld [tilespmem:s22+$0xF000]  }
0x1c2: {  	v20 =	vld [tilespmem:s29+$0xFFFFFE00]  }
0x1c3: {  	v21 =	vld [tilespmem:s22+$0xF200]  }
0x1c4: {  	v22 =	vld [tilespmem:s29+$0x0]  }
0x1c5: {  	v23 =	vld [tilespmem:s22+$0xF400]  }
0x1c6: {  	v24 =	vld [tilespmem:s29+$0x200]  }
0x1c7: {  	v25 =	vld [tilespmem:s22+$0xF600]  }
0x1c8: {  	v26 =	vld [tilespmem:s29+$0x400]  }
0x1c9: {  	v27 =	vld [tilespmem:s22+$0xF800]  }
0x1ca: {  	v28 =	vld [tilespmem:s29+$0x600]  }
0x1cb: {  	v29 =	vld [tilespmem:s22+$0xFA00]  }
0x1cc: {  	v30 =	vld [tilespmem:s29+$0x800]  }
0x1cd: {  	v31 =	vld [tilespmem:s22+$0xFC00]  }
0x1ce: {  	v32 =	vld [tilespmem:s29+$0xA00]  }
0x1cf: {  	v33 =	vld [tilespmem:s22+$0xFE00]  }
0x1d0: {  	v34 =	vld [tilespmem:s29+$0xC00]  }
0x1d1: {  	s23 =	simm.s32 $0xF030;
	s30 =	simm.s32 $0x20;
	v35 =	vld [tilespmem:s29+$0xE00];
	v4 =	vadd.f32 v5, v4  }
0x1d2: {  	s31 =	sand.u32 $0x1E0, s30;
	v5 =	vadd.f32 v8, v6;
	v6 =	vld [tilespmem:s23+$0xFFFFEFF0]  }
0x1d3: {  	v8 =	vld [tilespmem:s31+$0xE200];
	v4 =	vadd.f32 v7, v4  }
0x1d4: {  	v5 =	vadd.f32 v10, v5;
	v7 =	vld [tilespmem:s23+$0xFFFFF000]  }
0x1d5: {  	v10 =	vld [tilespmem:s31+$0xE400];
	v4 =	vadd.f32 v9, v4  }
0x1d6: {  	v5 =	vadd.f32 v12, v5;
	v9 =	vld [tilespmem:s23+$0xFFFFF200]  }
0x1d7: {  	v55 =	vld [tilespmem:s31+$0xE600];
	v4 =	vadd.f32 v11, v4  }
0x1d8: {  	v6 =	vadd.f32 v8, v6;
	v5 =	vadd.f32 v14, v5;
	v11 =	vld [tilespmem:s23+$0xFFFFF400]  }
0x1d9: {  	v8 =	vld [tilespmem:s31+$0xE800];
	v4 =	vadd.f32 v13, v4  }
0x1da: {  	v56 =	vld [tilespmem:s23+$0xFFFFF600];
	v6 =	vadd.f32 v10, v6;
	v5 =	vadd.f32 v16, v5  }
0x1db: {  	v7 =	vadd.f32 v9, v7;
	v9 =	vld [tilespmem:s31+$0xEA00];
	v4 =	vadd.f32 v15, v4  }
0x1dc: {  	v10 =	vld [tilespmem:s23+$0xFFFFF800];
	v6 =	vadd.f32 v55, v6;
	v5 =	vadd.f32 v18, v5  }
0x1dd: {  	v7 =	vadd.f32 v11, v7;
	v11 =	vld [tilespmem:s31+$0xEC00];
	v4 =	vadd.f32 v17, v4  }
0x1de: {  	v57 =	vld [tilespmem:s23+$0xFFFFFA00];
	v6 =	vadd.f32 v8, v6;
	v5 =	vadd.f32 v20, v5  }
0x1df: {  	v8 =	vld [tilespmem:s31+$0xEE00];
	v7 =	vadd.f32 v56, v7;
	v4 =	vadd.f32 v19, v4  }
0x1e0: {  	v58 =	vld [tilespmem:s23+$0xFFFFFC00];
	v5 =	vadd.f32 v22, v5;
	v6 =	vadd.f32 v9, v6  }
0x1e1: {  	v9 =	vld [tilespmem:s31+$0xF000];
	v7 =	vadd.f32 v10, v7;
	v4 =	vadd.f32 v21, v4  }
0x1e2: {  	v10 =	vld [tilespmem:s23+$0xFFFFFE00];
	v5 =	vadd.f32 v24, v5;
	v6 =	vadd.f32 v11, v6  }
0x1e3: {  	v11 =	vld [tilespmem:s31+$0xF200];
	v7 =	vadd.f32 v57, v7;
	v4 =	vadd.f32 v23, v4  }
0x1e4: {  	v59 =	vld [tilespmem:s23+$0x0];
	v5 =	vadd.f32 v26, v5;
	v6 =	vadd.f32 v8, v6  }
0x1e5: {  	v8 =	vld [tilespmem:s31+$0xF400];
	v7 =	vadd.f32 v58, v7;
	v4 =	vadd.f32 v25, v4  }
0x1e6: {  	v60 =	vld [tilespmem:s23+$0x200];
	v5 =	vadd.f32 v28, v5;
	v6 =	vadd.f32 v9, v6  }
0x1e7: {  	v9 =	vld [tilespmem:s31+$0xF600];
	v7 =	vadd.f32 v10, v7;
	v4 =	vadd.f32 v27, v4  }
0x1e8: {  	v10 =	vld [tilespmem:s23+$0x400];
	v5 =	vadd.f32 v30, v5;
	v6 =	vadd.f32 v11, v6  }
0x1e9: {  	v11 =	vld [tilespmem:s31+$0xF800];
	v7 =	vadd.f32 v59, v7;
	v4 =	vadd.f32 v29, v4  }
0x1ea: {  	v61 =	vld [tilespmem:s23+$0x600];
	v5 =	vadd.f32 v32, v5;
	v6 =	vadd.f32 v8, v6  }
0x1eb: {  	v62 =	vld [tilespmem:s31+$0xFA00];
	v7 =	vadd.f32 v60, v7;
	v8 =	vadd.f32 v31, v4  }
0x1ec: {  	v63 =	vld [tilespmem:s23+$0x800];
	v5 =	vadd.f32 v34, v5;
	v6 =	vadd.f32 v9, v6  }
0x1ed: {  	v4 =	vld [tilespmem:s31+$0xFC00];
	v7 =	vadd.f32 v10, v7;
	v8 =	vadd.f32 v33, v8  }
0x1ee: {  	s21 =	simm.s32 $0x12010;
	v9 =	vadd.f32 v35, v5;
	v5 =	vld [tilespmem:s23+$0xA00];
	v10 =	vadd.f32 v11, v6  }
0x1ef: {  	v6 =	vld [tilespmem:s31+$0xFE00];
	v7 =	vadd.f32 v61, v7;
	[tilespmem:s21+$0xFFFFFFF0] =	vst v8  }
0x1f0: {  	v8 =	vld [tilespmem:s23+$0xC00];
	[tilespmem:s21+$0x0] =	vst v9;
	v9 =	vadd.f32 v62, v10  }
0x1f1: {  	s24 =	simm.s32 $0x40;
	s22 =	simm.s32 $0x2;
	v10 =	vadd.f32 v63, v7;
	v7 =	vld [tilespmem:s23+$0xE00];
	s23 =	simm.s32 $0xF050  }
.LBB2_12:
0x1f2: {  	v11 =	vld [tilespmem:s23+$0xFFFFEFF0];
	s25 =	sand.u32 $0x1E0, s24;
	s22 =	sadd.s32 $0x2, s22;
	v4 =	vadd.f32 v4, v9  }
0x1f3: {  	v9 =	vld [tilespmem:s25+$0xE200];
	p0 =	slt.u32 s22, $0x1E;
	v5 =	vadd.f32 v5, v10  }
0x1f4: {  	v10 =	vld [tilespmem:s23+$0xFFFFF000];
	v4 =	vadd.f32 v6, v4  }
0x1f5: {  	s21 =	sadd.s32 $0x20, s21;
	v6 =	vld [tilespmem:s25+$0xE400];
	v5 =	vadd.f32 v8, v5  }
0x1f6: {  	v8 =	vld [tilespmem:s23+$0xFFFFF200];
	[tilespmem:s21+$0xFFFFFFF0] =	vst v4  }
0x1f7: {  	v4 =	vld [tilespmem:s25+$0xE600];
	v5 =	vadd.f32 v7, v5  }
0x1f8: {  	v7 =	vadd.f32 v9, v11;
	v9 =	vld [tilespmem:s23+$0xFFFFF400]  }
0x1f9: {  	v11 =	vld [tilespmem:s25+$0xE800];
	[tilespmem:s21+$0x0] =	vst v5  }
0x1fa: {  	v5 =	vadd.f32 v6, v7;
	v6 =	vld [tilespmem:s23+$0xFFFFF600]  }
0x1fb: {  	v7 =	vld [tilespmem:s25+$0xEA00];
	v8 =	vadd.f32 v8, v10  }
0x1fc: {  	v4 =	vadd.f32 v4, v5;
	v5 =	vld [tilespmem:s23+$0xFFFFF800]  }
0x1fd: {  	v10 =	vld [tilespmem:s25+$0xEC00];
	v8 =	vadd.f32 v9, v8  }
0x1fe: {  	v4 =	vadd.f32 v11, v4;
	v9 =	vld [tilespmem:s23+$0xFFFFFA00]  }
0x1ff: {  	v11 =	vld [tilespmem:s25+$0xEE00];
	v6 =	vadd.f32 v6, v8  }
0x200: {  	v4 =	vadd.f32 v7, v4;
	v7 =	vld [tilespmem:s23+$0xFFFFFC00]  }
0x201: {  	v8 =	vld [tilespmem:s25+$0xF000];
	v5 =	vadd.f32 v5, v6  }
0x202: {  	v4 =	vadd.f32 v10, v4;
	v6 =	vld [tilespmem:s23+$0xFFFFFE00]  }
0x203: {  	v10 =	vld [tilespmem:s25+$0xF200];
	v5 =	vadd.f32 v9, v5  }
0x204: {  	v4 =	vadd.f32 v11, v4;
	v9 =	vld [tilespmem:s23+$0x0]  }
0x205: {  	v11 =	vld [tilespmem:s25+$0xF400];
	v5 =	vadd.f32 v7, v5  }
0x206: {  	v4 =	vadd.f32 v8, v4;
	v7 =	vld [tilespmem:s23+$0x200]  }
0x207: {  	v8 =	vld [tilespmem:s25+$0xF600];
	v5 =	vadd.f32 v6, v5  }
0x208: {  	v4 =	vadd.f32 v10, v4;
	v6 =	vld [tilespmem:s23+$0x400]  }
0x209: {  	v10 =	vld [tilespmem:s25+$0xF800];
	v5 =	vadd.f32 v9, v5  }
0x20a: {  	v4 =	vadd.f32 v11, v4;
	v9 =	vld [tilespmem:s23+$0x600]  }
0x20b: {  	v11 =	vld [tilespmem:s25+$0xFA00];
	v5 =	vadd.f32 v7, v5  }
0x20c: {  	v7 =	vadd.f32 v8, v4;
	v12 =	vld [tilespmem:s23+$0x800]  }
.Ltmp5:
0x20d: {  	v4 =	vld [tilespmem:s25+$0xFC00];
	v8 =	vadd.f32 v6, v5;
	(pc) =	sbr.rel @p0 .LBB2_12-.Ltmp5, $4  }
0x20e: {  	v7 =	vadd.f32 v10, v7;
	v5 =	vld [tilespmem:s23+$0xA00]  }
0x20f: {  	v6 =	vld [tilespmem:s25+$0xFE00];
	v10 =	vadd.f32 v9, v8  }
0x210: {  	v9 =	vadd.f32 v11, v7;
	v8 =	vld [tilespmem:s23+$0xC00]  }
0x211: {  	s24 =	sadd.s32 $0x20, s24;
	v10 =	vadd.f32 v12, v10;
	v7 =	vld [tilespmem:s23+$0xE00];
	s23 =	sadd.s32 $0x20, s23  }
0x212: {  	_ = 	snop  }
0x213: {  	v5 =	vadd.f32 v5, v10  }
0x214: {  	v4 =	vadd.f32 v4, v9  }
0x215: {  	v5 =	vadd.f32 v8, v5  }
0x216: {  	v4 =	vadd.f32 v6, v4  }
0x217: {  	s21 =	sadd.s32 $0x20, s21;
	v5 =	vadd.f32 v7, v5  }
0x218: {  	[tilespmem:s21+$0xFFFFFFF0] =	vst v4  }
0x219: {  	[tilespmem:s21+$0x0] =	vst v5  }
0x21a: {  	[hbm4b:s7+s17] =	stream.strided.scatter [tilespmem:s19], [sflag:$0x1], $0x200, s18, s17, $0x38;
	[tilespmem:$0x12200] =	vst v63  }
0x21b: {  	_ =	swait.ge [sflag:s11], $0x200  }
0x21c: {  	[sflag:s11] =	ssyncset.done $0x0  }
0x21d: {  	s29 =	simm.s32 $0x11010;
	s22 =	simm.s32 $0x0;
	[sflag:s11] =	ssyncadd.s32 $0xFFFFFE00  }
0x21e: {  	s22 =	sand.u32 $0x1E0, s22;
	v4 =	vld [tilespmem:s29+$0xFFFFEFF0]  }
0x21f: {  	v5 =	vld [tilespmem:s22+$0x10200]  }
0x220: {  	v6 =	vld [tilespmem:s29+$0xFFFFF000]  }
0x221: {  	v7 =	vld [tilespmem:s22+$0x10400]  }
0x222: {  	v8 =	vld [tilespmem:s29+$0xFFFFF200]  }
0x223: {  	v9 =	vld [tilespmem:s22+$0x10600]  }
0x224: {  	v10 =	vld [tilespmem:s29+$0xFFFFF400]  }
0x225: {  	v11 =	vld [tilespmem:s22+$0x10800]  }
0x226: {  	v12 =	vld [tilespmem:s29+$0xFFFFF600]  }
0x227: {  	v13 =	vld [tilespmem:s22+$0x10A00]  }
0x228: {  	v14 =	vld [tilespmem:s29+$0xFFFFF800]  }
0x229: {  	v15 =	vld [tilespmem:s22+$0x10C00]  }
0x22a: {  	v16 =	vld [tilespmem:s29+$0xFFFFFA00]  }
0x22b: {  	v17 =	vld [tilespmem:s22+$0x10E00]  }
0x22c: {  	v18 =	vld [tilespmem:s29+$0xFFFFFC00]  }
0x22d: {  	v19 =	vld [tilespmem:s22+$0x11000]  }
0x22e: {  	v20 =	vld [tilespmem:s29+$0xFFFFFE00]  }
0x22f: {  	v21 =	vld [tilespmem:s22+$0x11200]  }
0x230: {  	v22 =	vld [tilespmem:s29+$0x0]  }
0x231: {  	v23 =	vld [tilespmem:s22+$0x11400]  }
0x232: {  	v24 =	vld [tilespmem:s29+$0x200]  }
0x233: {  	v25 =	vld [tilespmem:s22+$0x11600]  }
0x234: {  	v26 =	vld [tilespmem:s29+$0x400]  }
0x235: {  	v27 =	vld [tilespmem:s22+$0x11800]  }
0x236: {  	v28 =	vld [tilespmem:s29+$0x600]  }
0x237: {  	v29 =	vld [tilespmem:s22+$0x11A00]  }
0x238: {  	v30 =	vld [tilespmem:s29+$0x800]  }
0x239: {  	v31 =	vld [tilespmem:s22+$0x11C00]  }
0x23a: {  	v32 =	vld [tilespmem:s29+$0xA00]  }
0x23b: {  	v33 =	vld [tilespmem:s22+$0x11E00]  }
0x23c: {  	v34 =	vld [tilespmem:s29+$0xC00]  }
0x23d: {  	s23 =	simm.s32 $0x11030;
	s30 =	simm.s32 $0x20;
	v35 =	vld [tilespmem:s29+$0xE00];
	v4 =	vadd.f32 v5, v4  }
0x23e: {  	s31 =	sand.u32 $0x1E0, s30;
	v5 =	vadd.f32 v8, v6;
	v6 =	vld [tilespmem:s23+$0xFFFFEFF0]  }
0x23f: {  	v8 =	vld [tilespmem:s31+$0x10200];
	v4 =	vadd.f32 v7, v4  }
0x240: {  	v5 =	vadd.f32 v10, v5;
	v7 =	vld [tilespmem:s23+$0xFFFFF000]  }
0x241: {  	v10 =	vld [tilespmem:s31+$0x10400];
	v4 =	vadd.f32 v9, v4  }
0x242: {  	v5 =	vadd.f32 v12, v5;
	v9 =	vld [tilespmem:s23+$0xFFFFF200]  }
0x243: {  	v55 =	vld [tilespmem:s31+$0x10600];
	v4 =	vadd.f32 v11, v4  }
0x244: {  	v6 =	vadd.f32 v8, v6;
	v5 =	vadd.f32 v14, v5;
	v11 =	vld [tilespmem:s23+$0xFFFFF400]  }
0x245: {  	v8 =	vld [tilespmem:s31+$0x10800];
	v4 =	vadd.f32 v13, v4  }
0x246: {  	v56 =	vld [tilespmem:s23+$0xFFFFF600];
	v6 =	vadd.f32 v10, v6;
	v5 =	vadd.f32 v16, v5  }
0x247: {  	v7 =	vadd.f32 v9, v7;
	v9 =	vld [tilespmem:s31+$0x10A00];
	v4 =	vadd.f32 v15, v4  }
0x248: {  	v10 =	vld [tilespmem:s23+$0xFFFFF800];
	v6 =	vadd.f32 v55, v6;
	v5 =	vadd.f32 v18, v5  }
0x249: {  	v7 =	vadd.f32 v11, v7;
	v11 =	vld [tilespmem:s31+$0x10C00];
	v4 =	vadd.f32 v17, v4  }
0x24a: {  	v57 =	vld [tilespmem:s23+$0xFFFFFA00];
	v6 =	vadd.f32 v8, v6;
	v5 =	vadd.f32 v20, v5  }
0x24b: {  	v8 =	vld [tilespmem:s31+$0x10E00];
	v7 =	vadd.f32 v56, v7;
	v4 =	vadd.f32 v19, v4  }
0x24c: {  	v58 =	vld [tilespmem:s23+$0xFFFFFC00];
	v5 =	vadd.f32 v22, v5;
	v6 =	vadd.f32 v9, v6  }
0x24d: {  	v9 =	vld [tilespmem:s31+$0x11000];
	v7 =	vadd.f32 v10, v7;
	v4 =	vadd.f32 v21, v4  }
0x24e: {  	v10 =	vld [tilespmem:s23+$0xFFFFFE00];
	v5 =	vadd.f32 v24, v5;
	v6 =	vadd.f32 v11, v6  }
0x24f: {  	v11 =	vld [tilespmem:s31+$0x11200];
	v7 =	vadd.f32 v57, v7;
	v4 =	vadd.f32 v23, v4  }
0x250: {  	v59 =	vld [tilespmem:s23+$0x0];
	v5 =	vadd.f32 v26, v5;
	v6 =	vadd.f32 v8, v6  }
0x251: {  	v8 =	vld [tilespmem:s31+$0x11400];
	v7 =	vadd.f32 v58, v7;
	v4 =	vadd.f32 v25, v4  }
0x252: {  	v60 =	vld [tilespmem:s23+$0x200];
	v5 =	vadd.f32 v28, v5;
	v6 =	vadd.f32 v9, v6  }
0x253: {  	v9 =	vld [tilespmem:s31+$0x11600];
	v7 =	vadd.f32 v10, v7;
	v4 =	vadd.f32 v27, v4  }
0x254: {  	v10 =	vld [tilespmem:s23+$0x400];
	v5 =	vadd.f32 v30, v5;
	v6 =	vadd.f32 v11, v6  }
0x255: {  	v11 =	vld [tilespmem:s31+$0x11800];
	v7 =	vadd.f32 v59, v7;
	v4 =	vadd.f32 v29, v4  }
0x256: {  	v61 =	vld [tilespmem:s23+$0x600];
	v5 =	vadd.f32 v32, v5;
	v6 =	vadd.f32 v8, v6  }
0x257: {  	v62 =	vld [tilespmem:s31+$0x11A00];
	v7 =	vadd.f32 v60, v7;
	v8 =	vadd.f32 v31, v4  }
0x258: {  	v63 =	vld [tilespmem:s23+$0x800];
	v5 =	vadd.f32 v34, v5;
	v6 =	vadd.f32 v9, v6  }
0x259: {  	v4 =	vld [tilespmem:s31+$0x11C00];
	v7 =	vadd.f32 v10, v7;
	v8 =	vadd.f32 v33, v8  }
0x25a: {  	s21 =	simm.s32 $0x12010;
	v9 =	vadd.f32 v35, v5;
	v5 =	vld [tilespmem:s23+$0xA00];
	v10 =	vadd.f32 v11, v6  }
0x25b: {  	v6 =	vld [tilespmem:s31+$0x11E00];
	v7 =	vadd.f32 v61, v7;
	[tilespmem:s21+$0xFFFFFFF0] =	vst v8  }
0x25c: {  	v8 =	vld [tilespmem:s23+$0xC00];
	[tilespmem:s21+$0x0] =	vst v9;
	v9 =	vadd.f32 v62, v10  }
0x25d: {  	s24 =	simm.s32 $0x40;
	s22 =	simm.s32 $0x2;
	v10 =	vadd.f32 v63, v7;
	v7 =	vld [tilespmem:s23+$0xE00];
	s23 =	simm.s32 $0x11050  }
.LBB2_14:
0x25e: {  	v11 =	vld [tilespmem:s23+$0xFFFFEFF0];
	s25 =	sand.u32 $0x1E0, s24;
	s22 =	sadd.s32 $0x2, s22;
	v4 =	vadd.f32 v4, v9  }
0x25f: {  	v9 =	vld [tilespmem:s25+$0x10200];
	p0 =	slt.u32 s22, $0x1E;
	v5 =	vadd.f32 v5, v10  }
0x260: {  	v10 =	vld [tilespmem:s23+$0xFFFFF000];
	v4 =	vadd.f32 v6, v4  }
0x261: {  	s21 =	sadd.s32 $0x20, s21;
	v6 =	vld [tilespmem:s25+$0x10400];
	v5 =	vadd.f32 v8, v5  }
0x262: {  	v8 =	vld [tilespmem:s23+$0xFFFFF200];
	[tilespmem:s21+$0xFFFFFFF0] =	vst v4  }
0x263: {  	v4 =	vld [tilespmem:s25+$0x10600];
	v5 =	vadd.f32 v7, v5  }
0x264: {  	v7 =	vadd.f32 v9, v11;
	v9 =	vld [tilespmem:s23+$0xFFFFF400]  }
0x265: {  	v11 =	vld [tilespmem:s25+$0x10800];
	[tilespmem:s21+$0x0] =	vst v5  }
0x266: {  	v5 =	vadd.f32 v6, v7;
	v6 =	vld [tilespmem:s23+$0xFFFFF600]  }
0x267: {  	v7 =	vld [tilespmem:s25+$0x10A00];
	v8 =	vadd.f32 v8, v10  }
0x268: {  	v4 =	vadd.f32 v4, v5;
	v5 =	vld [tilespmem:s23+$0xFFFFF800]  }
0x269: {  	v10 =	vld [tilespmem:s25+$0x10C00];
	v8 =	vadd.f32 v9, v8  }
0x26a: {  	v4 =	vadd.f32 v11, v4;
	v9 =	vld [tilespmem:s23+$0xFFFFFA00]  }
0x26b: {  	v11 =	vld [tilespmem:s25+$0x10E00];
	v6 =	vadd.f32 v6, v8  }
0x26c: {  	v4 =	vadd.f32 v7, v4;
	v7 =	vld [tilespmem:s23+$0xFFFFFC00]  }
0x26d: {  	v8 =	vld [tilespmem:s25+$0x11000];
	v5 =	vadd.f32 v5, v6  }
0x26e: {  	v4 =	vadd.f32 v10, v4;
	v6 =	vld [tilespmem:s23+$0xFFFFFE00]  }
0x26f: {  	v10 =	vld [tilespmem:s25+$0x11200];
	v5 =	vadd.f32 v9, v5  }
0x270: {  	v4 =	vadd.f32 v11, v4;
	v9 =	vld [tilespmem:s23+$0x0]  }
0x271: {  	v11 =	vld [tilespmem:s25+$0x11400];
	v5 =	vadd.f32 v7, v5  }
0x272: {  	v4 =	vadd.f32 v8, v4;
	v7 =	vld [tilespmem:s23+$0x200]  }
0x273: {  	v8 =	vld [tilespmem:s25+$0x11600];
	v5 =	vadd.f32 v6, v5  }
0x274: {  	v4 =	vadd.f32 v10, v4;
	v6 =	vld [tilespmem:s23+$0x400]  }
0x275: {  	v10 =	vld [tilespmem:s25+$0x11800];
	v5 =	vadd.f32 v9, v5  }
0x276: {  	v4 =	vadd.f32 v11, v4;
	v9 =	vld [tilespmem:s23+$0x600]  }
0x277: {  	v11 =	vld [tilespmem:s25+$0x11A00];
	v5 =	vadd.f32 v7, v5  }
0x278: {  	v7 =	vadd.f32 v8, v4;
	v12 =	vld [tilespmem:s23+$0x800]  }
.Ltmp6:
0x279: {  	v4 =	vld [tilespmem:s25+$0x11C00];
	v8 =	vadd.f32 v6, v5;
	(pc) =	sbr.rel @p0 .LBB2_14-.Ltmp6, $4  }
0x27a: {  	v7 =	vadd.f32 v10, v7;
	v5 =	vld [tilespmem:s23+$0xA00]  }
0x27b: {  	v6 =	vld [tilespmem:s25+$0x11E00];
	v10 =	vadd.f32 v9, v8  }
0x27c: {  	v9 =	vadd.f32 v11, v7;
	v8 =	vld [tilespmem:s23+$0xC00]  }
0x27d: {  	s24 =	sadd.s32 $0x20, s24;
	v10 =	vadd.f32 v12, v10;
	v7 =	vld [tilespmem:s23+$0xE00];
	s23 =	sadd.s32 $0x20, s23  }
0x27e: {  	_ = 	snop  }
0x27f: {  	v5 =	vadd.f32 v5, v10  }
0x280: {  	v4 =	vadd.f32 v4, v9  }
0x281: {  	v5 =	vadd.f32 v8, v5  }
0x282: {  	v4 =	vadd.f32 v6, v4  }
0x283: {  	s21 =	sadd.s32 $0x20, s21;
	s20 =	sadd.s32 $0x1, s20;
	v5 =	vadd.f32 v7, v5  }
0x284: {  	p0 =	sne.s32 s20, s9;
	[tilespmem:s21+$0xFFFFFFF0] =	vst v4  }
.Ltmp7:
0x285: {  	[tilespmem:s21+$0x0] =	vst v5;
	(pc) =	sbr.rel @p0 .LBB2_1-.Ltmp7, $4  }
0x286: {  	[hbm4b:s8+s17] =	stream.strided.scatter [tilespmem:s19], [sflag:$0x1], $0x200, s18, s17, $0x38;
	[tilespmem:$0x12200] =	vst v63  }
0x287: {  	_ =	swait.ge [sflag:s11], $0x200  }
0x288: {  	[sflag:s11] =	ssyncset.done $0x0  }
0x289: {  	[sflag:s11] =	ssyncadd.s32 $0xFFFFFE00  }
0x28a: {  	_ =	sfence.sel $0x180000  }
0x28b: {  	[bflag:$0x0] =	sbarrier.arrive $0xFFFF  }
0x28c: {  	p0 =	sne.s32 s0, $0x0;
	_ =	strace $0x90000047  }
0x28d: {  	s0 =	sadd.s32 @!p0 $0x100000, s1;
	[bflag:$0x2] =	sbarrier.arrive $0xFFFF  }
0x28e: {  	[sflag:s0] =	ssyncadd.tile.s32 @!p0 $0x1;
	_ =	shalt  }
.Lfunc_end2:
_tile_overlayer_lowered:
.L_overlay_start_2:
0x28f: {  	(tag) =	ssettag $0x2  }
0x290: {  	s0 =	rddreg [dreg:$0x0];
	s2 =	stileid.u32  }
0x291: {  	s1 =	rddreg [dreg:$0x1];
	p0 =	sne.s32 s2, $0x0  }
0x292: {  	s3 =	rddreg [dreg:$0x2];
	[bflag:$0x3] =	sbarrier.arrive $0xFFFF;
	s2 =	simm.s32 @!p0 $0x1C01  }
0x293: {  	[timem:s3], [sflag:s2] =	dma.local @!p0 [hbm:s0], s1  }
0x294: {  	s0 =	simm.s32 @!p0 $0x1  }
0x295: {  	_ =	swait.ge @!p0 [sflag:s0], s1  }
0x296: {  	s1 =	ssub.s32 @!p0 $0x0, s1;
	[sflag:s0] =	ssyncset.done @!p0 $0x0  }
0x297: {  	[sflag:s0] =	ssyncadd.s32 @!p0 s1  }
0x298: {  	[bflag:$0x3] =	sbarrier.arrive $0xFFFF  }
0x299: {  	_ =	shalt  }

</sc_bundles>
